<compile_context>
chip_gen: v7x
topology: tpu7x:2x2x1
jax: 0.10.2.dev20260603
libtpu: 0.0.44.dev20260713+nightly
codegen_flags: <defaults>
</compile_context>

<pallas_src>
import dataclasses
import functools

import jax
import jax.numpy as jnp
from jax.experimental import pallas as pl
from jax.experimental.pallas import tpu as pltpu
from jax.experimental.pallas import tpu_sc as plsc

_WIN = 128


def _sc_gather(table, idx):
    n = idx.shape[0] * idx.shape[1]
    d = table.shape[1]
    mesh = plsc.VectorSubcoreMesh(core_axis_name="c", subcore_axis_name="s")
    cp = pltpu.CompilerParams()
    if "use_tc_tiling_on_sc" in pltpu.CompilerParams.__dataclass_fields__:
        cp = dataclasses.replace(cp, use_tc_tiling_on_sc=False)

    @functools.partial(
        pl.kernel, out_type=jax.ShapeDtypeStruct((n, d), jnp.float32),
        mesh=mesh, compiler_params=cp,
        scratch_types=[pltpu.SemaphoreType.DMA])
    def k(tb_h, i_h, o_h, sem):
        def body(i_v, o_v):
            c1 = pltpu.async_copy(tb_h.at[i_v.at[0]], o_v.at[pl.ds(0, _WIN)],
                                  sem)
            c2 = pltpu.async_copy(tb_h.at[i_v.at[1]],
                                  o_v.at[pl.ds(_WIN, _WIN)], sem)
            c1.wait()
            c2.wait()

        pltpu.emit_pipeline(
            body,
            grid=(n // (2 * _WIN),),
            in_specs=[pl.BlockSpec((2, _WIN), lambda i: (i, 0))],
            out_specs=[pl.BlockSpec((2 * _WIN, d), lambda i: (i, 0))],
            core_axis_name=("c", "s"),
            dimension_semantics=(pltpu.PARALLEL,),
        )(i_h, o_h)

    return k(table, idx)


def _sc_gather2(tb1, i1, tb2, i2):
    n1 = i1.shape[0] * i1.shape[1]
    n2 = i2.shape[0] * i2.shape[1]
    d = tb1.shape[1]
    mesh = plsc.VectorSubcoreMesh(core_axis_name="c", subcore_axis_name="s")
    cp = pltpu.CompilerParams()
    if "use_tc_tiling_on_sc" in pltpu.CompilerParams.__dataclass_fields__:
        cp = dataclasses.replace(cp, use_tc_tiling_on_sc=False)
    out_type = (jax.ShapeDtypeStruct((n1, d), jnp.float32),
                jax.ShapeDtypeStruct((n2, d), jnp.float32))

    @functools.partial(pl.kernel, out_type=out_type, mesh=mesh,
                       compiler_params=cp,
                       scratch_types=[pltpu.SemaphoreType.DMA,
                                      pltpu.SemaphoreType.DMA])
    def k(tb1_h, i1_h, tb2_h, i2_h, o1_h, o2_h, s1, s2):
        def body(i1_v, i2_v, o1_v, o2_v):
            cs = [
                pltpu.async_copy(tb1_h.at[i1_v.at[0]],
                                 o1_v.at[pl.ds(0, _WIN)], s1),
                pltpu.async_copy(tb1_h.at[i1_v.at[1]],
                                 o1_v.at[pl.ds(_WIN, _WIN)], s1),
                pltpu.async_copy(tb2_h.at[i2_v.at[0]],
                                 o2_v.at[pl.ds(0, _WIN)], s2),
                pltpu.async_copy(tb2_h.at[i2_v.at[1]],
                                 o2_v.at[pl.ds(_WIN, _WIN)], s2),
            ]
            for c in cs:
                c.wait()

        pltpu.emit_pipeline(
            body,
            grid=(n1 // (2 * _WIN),),
            in_specs=[pl.BlockSpec((2, _WIN), lambda i: (i, 0))] * 2,
            out_specs=[pl.BlockSpec((2 * _WIN, d), lambda i: (i, 0))] * 2,
            core_axis_name=("c", "s"),
            dimension_semantics=(pltpu.PARALLEL,),
        )(i1_h, i2_h, o1_h, o2_h)

    return k(tb1, i1, tb2, i2)


def _finish_ctxT(packed, NF, B, d):
    hb = B // 2

    def body(i_ref, e_ref, o_ref):
        x = i_ref[...]
        o_ref[0, :, :hb] = jax.lax.dot_general(
            e_ref[...], x[:, :d],
            dimension_numbers=(((1,), (1,)), ((), ())),
            preferred_element_type=jnp.float32)
        o_ref[0, :, hb:] = jax.lax.dot_general(
            e_ref[...], x[:, d:],
            dimension_numbers=(((1,), (1,)), ((), ())),
            preferred_element_type=jnp.float32)

    eye = jnp.eye(d, dtype=jnp.float32)
    return pl.pallas_call(
        body,
        grid=(NF,),
        in_specs=[
            pl.BlockSpec((hb, 2 * d), lambda i: (i, 0)),
            pl.BlockSpec((d, d), lambda i: (0, 0)),
        ],
        out_specs=pl.BlockSpec((1, d, B), lambda i: (i, 0, 0)),
        out_shape=jax.ShapeDtypeStruct((NF, d, B), jnp.float32),
    )(packed, eye)


def _finish_proj(packed, W, b, rows_per_block):
    half, d2 = packed.shape
    d = d2 // 2
    hb = rows_per_block // 2
    W2 = jnp.zeros((d2, d2), dtype=W.dtype)
    W2 = W2.at[:d, :d].set(W.T).at[d:, d:].set(W.T)
    b2 = jnp.concatenate([b, b]).reshape(1, d2)

    def body(i_ref, w_ref, b_ref, o_ref):
        y = jax.lax.dot_general(
            i_ref[...], w_ref[...],
            dimension_numbers=(((1,), (0,)), ((), ())),
            preferred_element_type=jnp.float32,
        ) + b_ref[...]
        o_ref[0::2, :] = y[:, :d]
        o_ref[1::2, :] = y[:, d:]

    return pl.pallas_call(
        body,
        grid=(half // hb,),
        in_specs=[
            pl.BlockSpec((hb, d2), lambda i: (i, 0)),
            pl.BlockSpec((d2, d2), lambda i: (0, 0)),
            pl.BlockSpec((1, d2), lambda i: (0, 0)),
        ],
        out_specs=pl.BlockSpec((rows_per_block, d), lambda i: (i, 0)),
        out_shape=jax.ShapeDtypeStruct((half * 2, d), jnp.float32),
    )(packed, W2, b2)


def kernel(context_tokens, time_tokens, loc_tokens, act_tokens, time_table,
           loc_table, act_table, ctx_tables, W_time, b_time, W_loc, b_loc,
           W_act, b_act):
    B, L = time_tokens.shape
    NF = context_tokens.shape[1]
    ctx_vocab = ctx_tables.shape[1]
    D = time_table.shape[1]
    n = B * L

    ctx_flat = ctx_tables.reshape(NF * ctx_vocab, D)
    ctx_T = (context_tokens.astype(jnp.int32).T
             + jnp.arange(NF, dtype=jnp.int32)[:, None] * ctx_vocab)
    c_idx = (ctx_T.reshape(NF, 2, B // 2).transpose(0, 2, 1)
             .reshape(NF * B // _WIN, _WIN))

    rep = 8
    time_rep = jnp.tile(time_table, (rep, 1))
    t_flat = time_tokens.astype(jnp.int32).reshape(n)
    t_spread = t_flat + (jnp.arange(n, dtype=jnp.int32) % rep) * time_table.shape[0]
    t_idx = t_spread.reshape(n // _WIN, _WIN)
    l_idx = loc_tokens.astype(jnp.int32).reshape(n // _WIN, _WIN)
    a_idx = act_tokens.astype(jnp.int32).reshape(n // _WIN, _WIN)

    c_raw = _sc_gather(ctx_flat, c_idx)
    c_pk = c_raw.reshape(NF * B // 2, 2 * D)
    t_raw, a_raw = _sc_gather2(time_rep, t_idx, act_table, a_idx)
    l_raw = _sc_gather(loc_table, l_idx)

    c_out = jnp.transpose(_finish_ctxT(c_pk, NF, B, D), (2, 0, 1))
    t_out = _finish_proj(t_raw.reshape(n // 2, 2 * D), W_time, b_time,
                         16384).reshape(B, L, D)
    a_out = _finish_proj(a_raw.reshape(n // 2, 2 * D), W_act, b_act,
                         16384).reshape(B, L, D)
    l_out = _finish_proj(l_raw.reshape(n // 2, 2 * D), W_loc, b_loc,
                         16384).reshape(B, L, D)

    return (c_out, t_out, l_out, a_out)

# --- scband reference (transcript-rebuilt; emitter-appended) ---
"""Pipeline reference for scband-embedding-with-features-57647051047041 (READ-ONLY COPY).

The authoritative reference and input builder live on the scoring server;
editing this copy changes nothing except your own understanding.
"""

import jax, jax.numpy as jnp
import numpy as np

B, L, NF, D = 4096, 200, 26, 64
CTX_VOCAB, TIME_VOCAB, LOC_VOCAB, ACT_VOCAB = 1000, 1000, 1000000, 100000


def setup_inputs(seed: int = 0) -> dict:
    key = jax.random.key(seed)
    ks = jax.random.split(key, 14)
    context_tokens = jax.random.randint(ks[0], (B, NF), 0, CTX_VOCAB)
    time_tokens = jax.random.randint(ks[1], (B, L), 0, TIME_VOCAB)
    loc_tokens = jax.random.randint(ks[2], (B, L), 0, LOC_VOCAB)
    act_tokens = jax.random.randint(ks[3], (B, L), 0, ACT_VOCAB)
    time_table = jax.random.normal(ks[4], (TIME_VOCAB, D), dtype=jnp.float32) * 0.02
    loc_table = jax.random.normal(ks[5], (LOC_VOCAB, D), dtype=jnp.float32) * 0.02
    act_table = jax.random.normal(ks[6], (ACT_VOCAB, D), dtype=jnp.float32) * 0.02
    # 26 per-field context tables, all vocab=1000, stacked: [NF, CTX_VOCAB, D]
    ctx_tables = jax.random.normal(ks[7], (NF, CTX_VOCAB, D), dtype=jnp.float32) * 0.02
    W_time = jax.random.normal(ks[8], (D, D), dtype=jnp.float32) * 0.05
    b_time = jnp.zeros((D,), dtype=jnp.float32)
    W_loc = jax.random.normal(ks[9], (D, D), dtype=jnp.float32) * 0.05
    b_loc = jnp.zeros((D,), dtype=jnp.float32)
    W_act = jax.random.normal(ks[10], (D, D), dtype=jnp.float32) * 0.05
    b_act = jnp.zeros((D,), dtype=jnp.float32)
    return {
        'context_tokens': context_tokens,
        'time_tokens': time_tokens,
        'loc_tokens': loc_tokens,
        'act_tokens': act_tokens,
        'time_table': time_table,
        'loc_table': loc_table,
        'act_table': act_table,
        'ctx_tables': ctx_tables,
        'W_time': W_time, 'b_time': b_time,
        'W_loc': W_loc, 'b_loc': b_loc,
        'W_act': W_act, 'b_act': b_act,
    }


def reference(context_tokens, time_tokens, loc_tokens, act_tokens,
              time_table, loc_table, act_table, ctx_tables,
              W_time, b_time, W_loc, b_loc, W_act, b_act):
    # project_time(time_token_emb(time_tokens)) etc. (nn.Linear: x @ W^T + b)
    time_emb = jnp.take(time_table, time_tokens, axis=0) @ W_time.T + b_time
    loc_emb = jnp.take(loc_table, loc_tokens, axis=0) @ W_loc.T + b_loc
    act_emb = jnp.take(act_table, act_tokens, axis=0) @ W_act.T + b_act
    # ContextEmbedding: per-column table lookup, concat along new axis 1 -> [B, NF, D]
    ctx_emb = jax.vmap(lambda tbl, idx: jnp.take(tbl, idx, axis=0), in_axes=(0, 1), out_axes=1)(ctx_tables, context_tokens)
    return (ctx_emb, time_emb, loc_emb, act_emb)

if __name__ == "__main__":
    import jax
    _d = setup_inputs()
    print(jax.jit(kernel)(*tuple(_d.values())))

</pallas_src>

<mosaic_0001>
#map = affine_map<(d0, d1) -> (0, 0)>
module attributes {stable_mosaic.version = 14 : i64} {
  func.func @k(%arg0: i32, %arg1: i32, %arg2: memref<8000x64xf32, #tpu.memory_space<hbm>>, %arg3: memref<6400x128xi32, #tpu.memory_space<hbm>>, %arg4: memref<100000x64xf32, #tpu.memory_space<hbm>>, %arg5: memref<6400x128xi32, #tpu.memory_space<hbm>>, %arg6: memref<819200x64xf32, #tpu.memory_space<hbm>>, %arg7: memref<819200x64xf32, #tpu.memory_space<hbm>>, %arg8: memref<!tpu.dma_semaphore, #tpu.memory_space<semaphore_mem>>, %arg9: memref<!tpu.dma_semaphore, #tpu.memory_space<semaphore_mem>>) attributes {dimension_semantics = [#tpu.dimension_semantics<core_parallel>, #tpu.dimension_semantics<subcore_parallel>], iteration_bounds = array<i64: 2, 16>, scalar_prefetch = 0 : i64, scratch_operands = 2 : i64, tpu.core_type = #tpu.core_type<sc_vector_subcore>, window_params = [{transform_indices = #map}, {transform_indices = #map}, {transform_indices = #map}, {transform_indices = #map}, {transform_indices = #map}, {transform_indices = #map}]} {
    %mul3A = arith.constant 1 : i32
    %mul3A_0 = arith.muli %arg1, %mul3A : i32
    %add3A = arith.constant 0 : i32
    %add3A_1 = arith.addi %add3A, %mul3A_0 : i32
    %mul3A_2 = arith.constant 16 : i32
    %mul3A_3 = arith.muli %arg0, %mul3A_2 : i32
    %add3A_4 = arith.addi %add3A_1, %mul3A_3 : i32
    %mul3A_5 = arith.constant 100 : i32
    %mul3A_6 = arith.muli %add3A_4, %mul3A_5 : i32
    "tpu.region"() ({
      %run_scoped3A = memref.alloca() : memref<2x2x128xi32, #tpu.memory_space<vmem>>
      %run_scoped3A_7 = tpu.sem_alloc : memref<2x!tpu.dma_semaphore, #tpu.memory_space<semaphore_mem>>
      %run_scoped3A_8 = memref.alloca() : memref<2x2x128xi32, #tpu.memory_space<vmem>>
      %run_scoped3A_9 = tpu.sem_alloc : memref<2x!tpu.dma_semaphore, #tpu.memory_space<semaphore_mem>>
      %run_scoped3A_10 = memref.alloca() : memref<2x256x64xf32, #tpu.memory_space<vmem>>
      %run_scoped3A_11 = tpu.sem_alloc : memref<2x!tpu.dma_semaphore, #tpu.memory_space<semaphore_mem>>
      %run_scoped3A_12 = memref.alloca() : memref<2x256x64xf32, #tpu.memory_space<vmem>>
      %run_scoped3A_13 = tpu.sem_alloc : memref<2x!tpu.dma_semaphore, #tpu.memory_space<semaphore_mem>>
      %add3A_14 = arith.constant 0 : i32
      %add3A_15 = arith.addi %add3A_14, %mul3A_6 : i32
      %select_n3A = arith.constant true
      %select_n3A_16 = arith.constant 0 : i32
      %select_n3A_17 = arith.constant -1 : i32
      %select_n3A_18 = arith.select %select_n3A, %select_n3A_17, %select_n3A_16 : i32
      %eq3A = arith.constant -1 : i32
      %eq3A_19 = arith.cmpi eq, %select_n3A_18, %eq3A : i32
      %select_n3A_20 = arith.constant 99 : i32
      %select_n3A_21 = arith.select %eq3A_19, %select_n3A_20, %select_n3A_18 : i32
      %add3A_22 = arith.addi %select_n3A_21, %mul3A_6 : i32
      %select_n3A_23 = arith.constant true
      %select_n3A_24 = arith.constant 0 : i32
      %select_n3A_25 = arith.constant 1 : i32
      %select_n3A_26 = arith.select %select_n3A_23, %select_n3A_25, %select_n3A_24 : i32
      %eq3A_27 = arith.constant 100 : i32
      %eq3A_28 = arith.cmpi eq, %select_n3A_26, %eq3A_27 : i32
      %select_n3A_29 = arith.constant 0 : i32
      %select_n3A_30 = arith.select %eq3A_28, %select_n3A_29, %select_n3A_26 : i32
      %add3A_31 = arith.addi %select_n3A_30, %mul3A_6 : i32
      %add3A_32 = arith.constant 1 : i32
      %add3A_33 = arith.addi %select_n3A_30, %add3A_32 : i32
      %select_n3A_34 = arith.constant true
      %select_n3A_35 = arith.select %select_n3A_34, %add3A_33, %select_n3A_30 : i32
      %eq3A_36 = arith.constant 100 : i32
      %eq3A_37 = arith.cmpi eq, %select_n3A_35, %eq3A_36 : i32
      %select_n3A_38 = arith.constant 0 : i32
      %select_n3A_39 = arith.select %eq3A_37, %select_n3A_38, %select_n3A_35 : i32
      %add3A_40 = arith.addi %select_n3A_39, %mul3A_6 : i32
      "tpu.trace_start"() <{level = 10 : i32, message = "ep_initialize_0"}> : () -> ()
      %rem3A = arith.constant 0 : i32
      %rem3A_41 = arith.constant 2 : i32
      %rem3A_42 = arith.remui %rem3A, %rem3A_41 : i32
      %mul3A_43 = arith.constant 2 : i32
      %mul3A_44 = arith.muli %mul3A_43, %add3A_15 : i32
      %dma_start3A = arith.constant 0 : i32
      %dma_start3A_45 = arith.constant 0 : i32
      %dma_start3A_46 = tpu.memref_slice %run_scoped3A[%rem3A_42, %dma_start3A, %dma_start3A_45] : memref<2x2x128xi32, #tpu.memory_space<vmem>> -> memref<1x2x128xi32, #tpu.memory_space<vmem>>
      %dma_start3A_47 = tpu.memref_squeeze %dma_start3A_46 : memref<1x2x128xi32, #tpu.memory_space<vmem>> -> memref<2x128xi32, #tpu.memory_space<vmem>>
      %dma_start3A_48 = arith.constant 0 : i32
      %dma_start3A_49 = tpu.memref_slice %arg3[%mul3A_44, %dma_start3A_48] : memref<6400x128xi32, #tpu.memory_space<hbm>> -> memref<2x128xi32, #tpu.memory_space<hbm>>
      %dma_start3A_50 = tpu.memref_slice %run_scoped3A_7[%rem3A_42] : memref<2x!tpu.dma_semaphore, #tpu.memory_space<semaphore_mem>> -> memref<1x!tpu.dma_semaphore, #tpu.memory_space<semaphore_mem>>
      %dma_start3A_51 = tpu.memref_squeeze %dma_start3A_50 : memref<1x!tpu.dma_semaphore, #tpu.memory_space<semaphore_mem>> -> memref<!tpu.dma_semaphore, #tpu.memory_space<semaphore_mem>>
      %dma_start3A_52 = arith.constant 0 : i32
      %dma_start3A_53 = arith.constant 0 : i32
      %dma_start3A_54 = tpu.memref_slice %run_scoped3A[%rem3A_42, %dma_start3A_52, %dma_start3A_53] : memref<2x2x128xi32, #tpu.memory_space<vmem>> -> memref<1x2x128xi32, #tpu.memory_space<vmem>>
      %dma_start3A_55 = tpu.memref_squeeze %dma_start3A_54 : memref<1x2x128xi32, #tpu.memory_space<vmem>> -> memref<2x128xi32, #tpu.memory_space<vmem>>
      %dma_start3A_56 = arith.constant 0 : i32
      %dma_start3A_57 = tpu.memref_slice %arg3[%mul3A_44, %dma_start3A_56] : memref<6400x128xi32, #tpu.memory_space<hbm>> -> memref<2x128xi32, #tpu.memory_space<hbm>>
      tpu.enqueue_dma source(%dma_start3A_57 : memref<2x128xi32, #tpu.memory_space<hbm>>) target(%dma_start3A_55 : memref<2x128xi32, #tpu.memory_space<vmem>>) target_semaphore(%dma_start3A_51 : memref<!tpu.dma_semaphore, #tpu.memory_space<semaphore_mem>>)
      %add3A_58 = arith.constant 0 : i32
      %add3A_59 = arith.constant 1 : i32
      %add3A_60 = arith.addi %add3A_58, %add3A_59 : i32
      %select_n3A_61 = arith.constant true
      %select_n3A_62 = arith.constant 0 : i32
      %select_n3A_63 = arith.select %select_n3A_61, %add3A_60, %select_n3A_62 : i32
      %rem3A_64 = arith.constant 0 : i32
      %rem3A_65 = arith.constant 2 : i32
      %rem3A_66 = arith.remui %rem3A_64, %rem3A_65 : i32
      %mul3A_67 = arith.constant 2 : i32
      %mul3A_68 = arith.muli %mul3A_67, %add3A_15 : i32
      %dma_start3A_69 = arith.constant 0 : i32
      %dma_start3A_70 = arith.constant 0 : i32
      %dma_start3A_71 = tpu.memref_slice %run_scoped3A_8[%rem3A_66, %dma_start3A_69, %dma_start3A_70] : memref<2x2x128xi32, #tpu.memory_space<vmem>> -> memref<1x2x128xi32, #tpu.memory_space<vmem>>
      %dma_start3A_72 = tpu.memref_squeeze %dma_start3A_71 : memref<1x2x128xi32, #tpu.memory_space<vmem>> -> memref<2x128xi32, #tpu.memory_space<vmem>>
      %dma_start3A_73 = arith.constant 0 : i32
      %dma_start3A_74 = tpu.memref_slice %arg5[%mul3A_68, %dma_start3A_73] : memref<6400x128xi32, #tpu.memory_space<hbm>> -> memref<2x128xi32, #tpu.memory_space<hbm>>
      %dma_start3A_75 = tpu.memref_slice %run_scoped3A_9[%rem3A_66] : memref<2x!tpu.dma_semaphore, #tpu.memory_space<semaphore_mem>> -> memref<1x!tpu.dma_semaphore, #tpu.memory_space<semaphore_mem>>
      %dma_start3A_76 = tpu.memref_squeeze %dma_start3A_75 : memref<1x!tpu.dma_semaphore, #tpu.memory_space<semaphore_mem>> -> memref<!tpu.dma_semaphore, #tpu.memory_space<semaphore_mem>>
      %dma_start3A_77 = arith.constant 0 : i32
      %dma_start3A_78 = arith.constant 0 : i32
      %dma_start3A_79 = tpu.memref_slice %run_scoped3A_8[%rem3A_66, %dma_start3A_77, %dma_start3A_78] : memref<2x2x128xi32, #tpu.memory_space<vmem>> -> memref<1x2x128xi32, #tpu.memory_space<vmem>>
      %dma_start3A_80 = tpu.memref_squeeze %dma_start3A_79 : memref<1x2x128xi32, #tpu.memory_space<vmem>> -> memref<2x128xi32, #tpu.memory_space<vmem>>
      %dma_start3A_81 = arith.constant 0 : i32
      %dma_start3A_82 = tpu.memref_slice %arg5[%mul3A_68, %dma_start3A_81] : memref<6400x128xi32, #tpu.memory_space<hbm>> -> memref<2x128xi32, #tpu.memory_space<hbm>>
      tpu.enqueue_dma source(%dma_start3A_82 : memref<2x128xi32, #tpu.memory_space<hbm>>) target(%dma_start3A_80 : memref<2x128xi32, #tpu.memory_space<vmem>>) target_semaphore(%dma_start3A_76 : memref<!tpu.dma_semaphore, #tpu.memory_space<semaphore_mem>>)
      %add3A_83 = arith.constant 0 : i32
      %add3A_84 = arith.constant 1 : i32
      %add3A_85 = arith.addi %add3A_83, %add3A_84 : i32
      %select_n3A_86 = arith.constant true
      %select_n3A_87 = arith.constant 0 : i32
      %select_n3A_88 = arith.select %select_n3A_86, %add3A_85, %select_n3A_87 : i32
      "tpu.trace_stop"() : () -> ()
      %scan3A = arith.constant 0 : i32
      %scan3A_89 = arith.constant 0 : i32
      %scan3A_90 = arith.constant 0 : i32
      %scan3A_91 = arith.constant 0 : i32
      %scan3A_92 = arith.constant 0 : i32
      %scan3A_93 = arith.constant 0 : i32
      %scan3A_94 = arith.constant 0 : i32
      %scan3A_95 = arith.constant 0 : i32
      %scan3A_96 = arith.constant 100 : i32
      %scan3A_97 = arith.addi %scan3A_95, %scan3A_96 : i32
      %scan3A_98 = arith.constant 1 : i32
      %scan3A_99:9 = scf.for %scan3A_171 = %scan3A_95 to %scan3A_97 step %scan3A_98 iter_args(%scan3A_172 = %select_n3A_63, %scan3A_173 = %scan3A, %scan3A_174 = %select_n3A_88, %scan3A_175 = %scan3A_89, %scan3A_176 = %scan3A_90, %scan3A_177 = %scan3A_91, %scan3A_178 = %scan3A_92, %scan3A_179 = %scan3A_93, %scan3A_180 = %scan3A_94) -> (i32, i32, i32, i32, i32, i32, i32, i32, i32)  : i32 {
        %eq3A_181 = arith.constant 0 : i32
        %eq3A_182 = arith.cmpi eq, %scan3A_171, %eq3A_181 : i32
        %eq3A_183 = arith.constant 99 : i32
        %eq3A_184 = arith.cmpi eq, %scan3A_171, %eq3A_183 : i32
        %add3A_185 = arith.addi %scan3A_180, %mul3A_6 : i32
        %sub3A_186 = arith.constant 1 : i32
        %sub3A_187 = arith.subi %scan3A_180, %sub3A_186 : i32
        %select_n3A_188 = arith.constant true
        %select_n3A_189 = arith.select %select_n3A_188, %sub3A_187, %scan3A_180 : i32
        %eq3A_190 = arith.constant -1 : i32
        %eq3A_191 = arith.cmpi eq, %select_n3A_189, %eq3A_190 : i32
        %select_n3A_192 = arith.constant 99 : i32
        %select_n3A_193 = arith.select %eq3A_191, %select_n3A_192, %select_n3A_189 : i32
        %add3A_194 = arith.addi %select_n3A_193, %mul3A_6 : i32
        %add3A_195 = arith.constant 1 : i32
        %add3A_196 = arith.addi %scan3A_180, %add3A_195 : i32
        %select_n3A_197 = arith.constant true
        %select_n3A_198 = arith.select %select_n3A_197, %add3A_196, %scan3A_180 : i32
        %eq3A_199 = arith.constant 100 : i32
        %eq3A_200 = arith.cmpi eq, %select_n3A_198, %eq3A_199 : i32
        %select_n3A_201 = arith.constant 0 : i32
        %select_n3A_202 = arith.select %eq3A_200, %select_n3A_201, %select_n3A_198 : i32
        %add3A_203 = arith.addi %select_n3A_202, %mul3A_6 : i32
        %add3A_204 = arith.constant 1 : i32
        %add3A_205 = arith.addi %select_n3A_202, %add3A_204 : i32
        %select_n3A_206 = arith.constant true
        %select_n3A_207 = arith.select %select_n3A_206, %add3A_205, %select_n3A_202 : i32
        %eq3A_208 = arith.constant 100 : i32
        %eq3A_209 = arith.cmpi eq, %select_n3A_207, %eq3A_208 : i32
        %select_n3A_210 = arith.constant 0 : i32
        %select_n3A_211 = arith.select %eq3A_209, %select_n3A_210, %select_n3A_207 : i32
        %add3A_212 = arith.addi %select_n3A_211, %mul3A_6 : i32
        %ne3A = arith.cmpi ne, %add3A_185, %add3A_203 : i32
        %or3A = arith.constant false
        %or3A_213 = arith.ori %or3A, %ne3A : i1
        %or3A_214 = arith.constant false
        %or3A_215 = arith.ori %or3A_213, %or3A_214 : i1
        %ge3A = arith.constant 99 : i32
        %ge3A_216 = arith.cmpi sge, %scan3A_171, %ge3A : i32
        %not3A = arith.constant true
        %not3A_217 = arith.xori %ge3A_216, %not3A : i1
        %and3A = arith.andi %or3A_215, %not3A_217 : i1
        %convert_element_type3A = arith.extui %and3A : i1 to i32
        %cond3A = arith.constant 0 : i32
        %cond3A_218 = arith.cmpi ne, %convert_element_type3A, %cond3A : i32
        scf.if %cond3A_218 {
          "tpu.trace_start"() <{level = 10 : i32, message = "ep_copy_in"}> : () -> ()
          %rem3A_584 = arith.constant 2 : i32
          %rem3A_585 = arith.remui %scan3A_172, %rem3A_584 : i32
          %mul3A_586 = arith.constant 2 : i32
          %mul3A_587 = arith.muli %mul3A_586, %add3A_203 : i32
          %dma_start3A_588 = arith.constant 0 : i32
          %dma_start3A_589 = arith.constant 0 : i32
          %dma_start3A_590 = tpu.memref_slice %run_scoped3A[%rem3A_585, %dma_start3A_588, %dma_start3A_589] : memref<2x2x128xi32, #tpu.memory_space<vmem>> -> memref<1x2x128xi32, #tpu.memory_space<vmem>>
          %dma_start3A_591 = tpu.memref_squeeze %dma_start3A_590 : memref<1x2x128xi32, #tpu.memory_space<vmem>> -> memref<2x128xi32, #tpu.memory_space<vmem>>
          %dma_start3A_592 = arith.constant 0 : i32
          %dma_start3A_593 = tpu.memref_slice %arg3[%mul3A_587, %dma_start3A_592] : memref<6400x128xi32, #tpu.memory_space<hbm>> -> memref<2x128xi32, #tpu.memory_space<hbm>>
          %dma_start3A_594 = tpu.memref_slice %run_scoped3A_7[%rem3A_585] : memref<2x!tpu.dma_semaphore, #tpu.memory_space<semaphore_mem>> -> memref<1x!tpu.dma_semaphore, #tpu.memory_space<semaphore_mem>>
          %dma_start3A_595 = tpu.memref_squeeze %dma_start3A_594 : memref<1x!tpu.dma_semaphore, #tpu.memory_space<semaphore_mem>> -> memref<!tpu.dma_semaphore, #tpu.memory_space<semaphore_mem>>
          %dma_start3A_596 = arith.constant 0 : i32
          %dma_start3A_597 = arith.constant 0 : i32
          %dma_start3A_598 = tpu.memref_slice %run_scoped3A[%rem3A_585, %dma_start3A_596, %dma_start3A_597] : memref<2x2x128xi32, #tpu.memory_space<vmem>> -> memref<1x2x128xi32, #tpu.memory_space<vmem>>
          %dma_start3A_599 = tpu.memref_squeeze %dma_start3A_598 : memref<1x2x128xi32, #tpu.memory_space<vmem>> -> memref<2x128xi32, #tpu.memory_space<vmem>>
          %dma_start3A_600 = arith.constant 0 : i32
          %dma_start3A_601 = tpu.memref_slice %arg3[%mul3A_587, %dma_start3A_600] : memref<6400x128xi32, #tpu.memory_space<hbm>> -> memref<2x128xi32, #tpu.memory_space<hbm>>
          tpu.enqueue_dma source(%dma_start3A_601 : memref<2x128xi32, #tpu.memory_space<hbm>>) target(%dma_start3A_599 : memref<2x128xi32, #tpu.memory_space<vmem>>) target_semaphore(%dma_start3A_595 : memref<!tpu.dma_semaphore, #tpu.memory_space<semaphore_mem>>)
          "tpu.trace_stop"() : () -> ()
        } else {
        }
        %and3A_219 = arith.constant true
        %and3A_220 = arith.andi %and3A, %and3A_219 : i1
        %add3A_221 = arith.constant 1 : i32
        %add3A_222 = arith.addi %scan3A_172, %add3A_221 : i32
        %select_n3A_223 = arith.select %and3A_220, %add3A_222, %scan3A_172 : i32
        %ne3A_224 = arith.cmpi ne, %add3A_185, %add3A_203 : i32
        %or3A_225 = arith.constant false
        %or3A_226 = arith.ori %or3A_225, %ne3A_224 : i1
        %or3A_227 = arith.constant false
        %or3A_228 = arith.ori %or3A_226, %or3A_227 : i1
        %ge3A_229 = arith.constant 99 : i32
        %ge3A_230 = arith.cmpi sge, %scan3A_171, %ge3A_229 : i32
        %not3A_231 = arith.constant true
        %not3A_232 = arith.xori %ge3A_230, %not3A_231 : i1
        %and3A_233 = arith.andi %or3A_228, %not3A_232 : i1
        %convert_element_type3A_234 = arith.extui %and3A_233 : i1 to i32
        %cond3A_235 = arith.constant 0 : i32
        %cond3A_236 = arith.cmpi ne, %convert_element_type3A_234, %cond3A_235 : i32
        scf.if %cond3A_236 {
          "tpu.trace_start"() <{level = 10 : i32, message = "ep_copy_in"}> : () -> ()
          %rem3A_584 = arith.constant 2 : i32
          %rem3A_585 = arith.remui %scan3A_174, %rem3A_584 : i32
          %mul3A_586 = arith.constant 2 : i32
          %mul3A_587 = arith.muli %mul3A_586, %add3A_203 : i32
          %dma_start3A_588 = arith.constant 0 : i32
          %dma_start3A_589 = arith.constant 0 : i32
          %dma_start3A_590 = tpu.memref_slice %run_scoped3A_8[%rem3A_585, %dma_start3A_588, %dma_start3A_589] : memref<2x2x128xi32, #tpu.memory_space<vmem>> -> memref<1x2x128xi32, #tpu.memory_space<vmem>>
          %dma_start3A_591 = tpu.memref_squeeze %dma_start3A_590 : memref<1x2x128xi32, #tpu.memory_space<vmem>> -> memref<2x128xi32, #tpu.memory_space<vmem>>
          %dma_start3A_592 = arith.constant 0 : i32
          %dma_start3A_593 = tpu.memref_slice %arg5[%mul3A_587, %dma_start3A_592] : memref<6400x128xi32, #tpu.memory_space<hbm>> -> memref<2x128xi32, #tpu.memory_space<hbm>>
          %dma_start3A_594 = tpu.memref_slice %run_scoped3A_9[%rem3A_585] : memref<2x!tpu.dma_semaphore, #tpu.memory_space<semaphore_mem>> -> memref<1x!tpu.dma_semaphore, #tpu.memory_space<semaphore_mem>>
          %dma_start3A_595 = tpu.memref_squeeze %dma_start3A_594 : memref<1x!tpu.dma_semaphore, #tpu.memory_space<semaphore_mem>> -> memref<!tpu.dma_semaphore, #tpu.memory_space<semaphore_mem>>
          %dma_start3A_596 = arith.constant 0 : i32
          %dma_start3A_597 = arith.constant 0 : i32
          %dma_start3A_598 = tpu.memref_slice %run_scoped3A_8[%rem3A_585, %dma_start3A_596, %dma_start3A_597] : memref<2x2x128xi32, #tpu.memory_space<vmem>> -> memref<1x2x128xi32, #tpu.memory_space<vmem>>
          %dma_start3A_599 = tpu.memref_squeeze %dma_start3A_598 : memref<1x2x128xi32, #tpu.memory_space<vmem>> -> memref<2x128xi32, #tpu.memory_space<vmem>>
          %dma_start3A_600 = arith.constant 0 : i32
          %dma_start3A_601 = tpu.memref_slice %arg5[%mul3A_587, %dma_start3A_600] : memref<6400x128xi32, #tpu.memory_space<hbm>> -> memref<2x128xi32, #tpu.memory_space<hbm>>
          tpu.enqueue_dma source(%dma_start3A_601 : memref<2x128xi32, #tpu.memory_space<hbm>>) target(%dma_start3A_599 : memref<2x128xi32, #tpu.memory_space<vmem>>) target_semaphore(%dma_start3A_595 : memref<!tpu.dma_semaphore, #tpu.memory_space<semaphore_mem>>)
          "tpu.trace_stop"() : () -> ()
        } else {
        }
        %and3A_237 = arith.constant true
        %and3A_238 = arith.andi %and3A_233, %and3A_237 : i1
        %add3A_239 = arith.constant 1 : i32
        %add3A_240 = arith.addi %scan3A_174, %add3A_239 : i32
        %select_n3A_241 = arith.select %and3A_238, %add3A_240, %scan3A_174 : i32
        %ne3A_242 = arith.cmpi ne, %add3A_185, %add3A_203 : i32
        %or3A_243 = arith.constant false
        %or3A_244 = arith.ori %or3A_243, %ne3A_242 : i1
        %or3A_245 = arith.constant false
        %or3A_246 = arith.ori %or3A_244, %or3A_245 : i1
        %ge3A_247 = arith.constant 99 : i32
        %ge3A_248 = arith.cmpi sge, %scan3A_171, %ge3A_247 : i32
        %not3A_249 = arith.constant true
        %not3A_250 = arith.xori %ge3A_248, %not3A_249 : i1
        %and3A_251 = arith.andi %or3A_246, %not3A_250 : i1
        %ne3A_252 = arith.cmpi ne, %add3A_185, %add3A_203 : i32
        %or3A_253 = arith.constant false
        %or3A_254 = arith.ori %or3A_253, %ne3A_252 : i1
        %or3A_255 = arith.constant false
        %or3A_256 = arith.ori %or3A_254, %or3A_255 : i1
        %ge3A_257 = arith.constant 99 : i32
        %ge3A_258 = arith.cmpi sge, %scan3A_171, %ge3A_257 : i32
        %not3A_259 = arith.constant true
        %not3A_260 = arith.xori %ge3A_258, %not3A_259 : i1
        %and3A_261 = arith.andi %or3A_256, %not3A_260 : i1
        %ne3A_262 = arith.cmpi ne, %add3A_185, %add3A_194 : i32
        %or3A_263 = arith.constant false
        %or3A_264 = arith.ori %or3A_263, %ne3A_262 : i1
        %or3A_265 = arith.constant false
        %or3A_266 = arith.ori %or3A_264, %or3A_265 : i1
        %or3A_267 = arith.ori %or3A_266, %eq3A_182 : i1
        %convert_element_type3A_268 = arith.extui %or3A_267 : i1 to i32
        %cond3A_269 = arith.constant 0 : i32
        %cond3A_270 = arith.cmpi ne, %convert_element_type3A_268, %cond3A_269 : i32
        scf.if %cond3A_270 {
          "tpu.trace_start"() <{level = 10 : i32, message = "ep_wait_in"}> : () -> ()
          %mul3A_584 = arith.constant 2 : i32
          %mul3A_585 = arith.muli %mul3A_584, %add3A_185 : i32
          %rem3A_586 = arith.constant 2 : i32
          %rem3A_587 = arith.remui %scan3A_173, %rem3A_586 : i32
          %dma_wait3A_588 = arith.constant 0 : i32
          %dma_wait3A_589 = arith.constant 0 : i32
          %dma_wait3A_590 = tpu.memref_slice %run_scoped3A[%rem3A_587, %dma_wait3A_588, %dma_wait3A_589] : memref<2x2x128xi32, #tpu.memory_space<vmem>> -> memref<1x2x128xi32, #tpu.memory_space<vmem>>
          %dma_wait3A_591 = tpu.memref_squeeze %dma_wait3A_590 : memref<1x2x128xi32, #tpu.memory_space<vmem>> -> memref<2x128xi32, #tpu.memory_space<vmem>>
          %dma_wait3A_592 = arith.constant 0 : i32
          %dma_wait3A_593 = tpu.memref_slice %arg3[%mul3A_585, %dma_wait3A_592] : memref<6400x128xi32, #tpu.memory_space<hbm>> -> memref<2x128xi32, #tpu.memory_space<hbm>>
          %dma_wait3A_594 = tpu.memref_slice %run_scoped3A_7[%rem3A_587] : memref<2x!tpu.dma_semaphore, #tpu.memory_space<semaphore_mem>> -> memref<1x!tpu.dma_semaphore, #tpu.memory_space<semaphore_mem>>
          %dma_wait3A_595 = tpu.memref_squeeze %dma_wait3A_594 : memref<1x!tpu.dma_semaphore, #tpu.memory_space<semaphore_mem>> -> memref<!tpu.dma_semaphore, #tpu.memory_space<semaphore_mem>>
          %dma_wait3A_596 = arith.constant 0 : i32
          %dma_wait3A_597 = arith.constant 0 : i32
          %dma_wait3A_598 = tpu.memref_slice %run_scoped3A[%rem3A_587, %dma_wait3A_596, %dma_wait3A_597] : memref<2x2x128xi32, #tpu.memory_space<vmem>> -> memref<1x2x128xi32, #tpu.memory_space<vmem>>
          %dma_wait3A_599 = tpu.memref_squeeze %dma_wait3A_598 : memref<1x2x128xi32, #tpu.memory_space<vmem>> -> memref<2x128xi32, #tpu.memory_space<vmem>>
          %dma_wait3A_600 = arith.constant 0 : i32
          %dma_wait3A_601 = tpu.memref_slice %arg3[%mul3A_585, %dma_wait3A_600] : memref<6400x128xi32, #tpu.memory_space<hbm>> -> memref<2x128xi32, #tpu.memory_space<hbm>>
          tpu.wait_dma2 semaphore(%dma_wait3A_595 : memref<!tpu.dma_semaphore, #tpu.memory_space<semaphore_mem>>) src(%dma_wait3A_601 : memref<2x128xi32, #tpu.memory_space<hbm>>) dst(%dma_wait3A_599 : memref<2x128xi32, #tpu.memory_space<vmem>>)
          "tpu.trace_stop"() : () -> ()
        } else {
        }
        %ne3A_271 = arith.cmpi ne, %add3A_185, %add3A_194 : i32
        %or3A_272 = arith.constant false
        %or3A_273 = arith.ori %or3A_272, %ne3A_271 : i1
        %or3A_274 = arith.constant false
        %or3A_275 = arith.ori %or3A_273, %or3A_274 : i1
        %or3A_276 = arith.ori %or3A_275, %eq3A_182 : i1
        %convert_element_type3A_277 = arith.extui %or3A_276 : i1 to i32
        %cond3A_278 = arith.constant 0 : i32
        %cond3A_279 = arith.cmpi ne, %convert_element_type3A_277, %cond3A_278 : i32
        scf.if %cond3A_279 {
          "tpu.trace_start"() <{level = 10 : i32, message = "ep_wait_in"}> : () -> ()
          %mul3A_584 = arith.constant 2 : i32
          %mul3A_585 = arith.muli %mul3A_584, %add3A_185 : i32
          %rem3A_586 = arith.constant 2 : i32
          %rem3A_587 = arith.remui %scan3A_175, %rem3A_586 : i32
          %dma_wait3A_588 = arith.constant 0 : i32
          %dma_wait3A_589 = arith.constant 0 : i32
          %dma_wait3A_590 = tpu.memref_slice %run_scoped3A_8[%rem3A_587, %dma_wait3A_588, %dma_wait3A_589] : memref<2x2x128xi32, #tpu.memory_space<vmem>> -> memref<1x2x128xi32, #tpu.memory_space<vmem>>
          %dma_wait3A_591 = tpu.memref_squeeze %dma_wait3A_590 : memref<1x2x128xi32, #tpu.memory_space<vmem>> -> memref<2x128xi32, #tpu.memory_space<vmem>>
          %dma_wait3A_592 = arith.constant 0 : i32
          %dma_wait3A_593 = tpu.memref_slice %arg5[%mul3A_585, %dma_wait3A_592] : memref<6400x128xi32, #tpu.memory_space<hbm>> -> memref<2x128xi32, #tpu.memory_space<hbm>>
          %dma_wait3A_594 = tpu.memref_slice %run_scoped3A_9[%rem3A_587] : memref<2x!tpu.dma_semaphore, #tpu.memory_space<semaphore_mem>> -> memref<1x!tpu.dma_semaphore, #tpu.memory_space<semaphore_mem>>
          %dma_wait3A_595 = tpu.memref_squeeze %dma_wait3A_594 : memref<1x!tpu.dma_semaphore, #tpu.memory_space<semaphore_mem>> -> memref<!tpu.dma_semaphore, #tpu.memory_space<semaphore_mem>>
          %dma_wait3A_596 = arith.constant 0 : i32
          %dma_wait3A_597 = arith.constant 0 : i32
          %dma_wait3A_598 = tpu.memref_slice %run_scoped3A_8[%rem3A_587, %dma_wait3A_596, %dma_wait3A_597] : memref<2x2x128xi32, #tpu.memory_space<vmem>> -> memref<1x2x128xi32, #tpu.memory_space<vmem>>
          %dma_wait3A_599 = tpu.memref_squeeze %dma_wait3A_598 : memref<1x2x128xi32, #tpu.memory_space<vmem>> -> memref<2x128xi32, #tpu.memory_space<vmem>>
          %dma_wait3A_600 = arith.constant 0 : i32
          %dma_wait3A_601 = tpu.memref_slice %arg5[%mul3A_585, %dma_wait3A_600] : memref<6400x128xi32, #tpu.memory_space<hbm>> -> memref<2x128xi32, #tpu.memory_space<hbm>>
          tpu.wait_dma2 semaphore(%dma_wait3A_595 : memref<!tpu.dma_semaphore, #tpu.memory_space<semaphore_mem>>) src(%dma_wait3A_601 : memref<2x128xi32, #tpu.memory_space<hbm>>) dst(%dma_wait3A_599 : memref<2x128xi32, #tpu.memory_space<vmem>>)
          "tpu.trace_stop"() : () -> ()
        } else {
        }
        %ne3A_280 = arith.cmpi ne, %add3A_185, %add3A_194 : i32
        %or3A_281 = arith.constant false
        %or3A_282 = arith.ori %or3A_281, %ne3A_280 : i1
        %or3A_283 = arith.constant false
        %or3A_284 = arith.ori %or3A_282, %or3A_283 : i1
        %or3A_285 = arith.ori %or3A_284, %eq3A_182 : i1
        %convert_element_type3A_286 = arith.extui %or3A_285 : i1 to i32
        %cond3A_287 = arith.constant 0 : i32
        %cond3A_288 = arith.cmpi ne, %convert_element_type3A_286, %cond3A_287 : i32
        scf.if %cond3A_288 {
        } else {
        }
        %ne3A_289 = arith.cmpi ne, %add3A_185, %add3A_194 : i32
        %or3A_290 = arith.constant false
        %or3A_291 = arith.ori %or3A_290, %ne3A_289 : i1
        %or3A_292 = arith.constant false
        %or3A_293 = arith.ori %or3A_291, %or3A_292 : i1
        %or3A_294 = arith.ori %or3A_293, %eq3A_182 : i1
        %convert_element_type3A_295 = arith.extui %or3A_294 : i1 to i32
        %cond3A_296 = arith.constant 0 : i32
        %cond3A_297 = arith.cmpi ne, %convert_element_type3A_295, %cond3A_296 : i32
        scf.if %cond3A_297 {
        } else {
        }
        %rem3A_298 = arith.constant 2 : i32
        %rem3A_299 = arith.remui %scan3A_173, %rem3A_298 : i32
        %rem3A_300 = arith.constant 2 : i32
        %rem3A_301 = arith.remui %scan3A_175, %rem3A_300 : i32
        %rem3A_302 = arith.constant 2 : i32
        %rem3A_303 = arith.remui %scan3A_176, %rem3A_302 : i32
        %rem3A_304 = arith.constant 2 : i32
        %rem3A_305 = arith.remui %scan3A_178, %rem3A_304 : i32
        %dma_start3A_306 = arith.constant 0 : i32
        "tpu.trace_start"() <{level = 10 : i32, message = "ep_run_kernel"}> : () -> ()
        %dma_start3A_307 = arith.constant 0 : i32
        %dma_start3A_308 = arith.constant 0 : i32
        %dma_start3A_309 = tpu.memref_slice %run_scoped3A_10[%rem3A_303, %dma_start3A_307, %dma_start3A_308] : memref<2x256x64xf32, #tpu.memory_space<vmem>> -> memref<1x256x64xf32, #tpu.memory_space<vmem>>
        %dma_start3A_310 = tpu.memref_squeeze %dma_start3A_309 : memref<1x256x64xf32, #tpu.memory_space<vmem>> -> memref<256x64xf32, #tpu.memory_space<vmem>>
        %dma_start3A_311 = arith.constant 0 : i32
        %dma_start3A_312 = arith.constant 0 : i32
        %dma_start3A_313 = tpu.memref_slice %dma_start3A_310[%dma_start3A_311, %dma_start3A_312] : memref<256x64xf32, #tpu.memory_space<vmem>> -> memref<128x64xf32, #tpu.memory_space<vmem>>
        %dma_start3A_314 = arith.constant 0 : i32
        %dma_start3A_315 = arith.constant 0 : i32
        %dma_start3A_316 = tpu.memref_slice %run_scoped3A[%rem3A_299, %dma_start3A_314, %dma_start3A_315] : memref<2x2x128xi32, #tpu.memory_space<vmem>> -> memref<1x2x128xi32, #tpu.memory_space<vmem>>
        %dma_start3A_317 = tpu.memref_squeeze %dma_start3A_316 : memref<1x2x128xi32, #tpu.memory_space<vmem>> -> memref<2x128xi32, #tpu.memory_space<vmem>>
        %dma_start3A_318 = arith.constant 0 : i32
        %dma_start3A_319 = tpu.memref_slice %dma_start3A_317[%dma_start3A_306, %dma_start3A_318] : memref<2x128xi32, #tpu.memory_space<vmem>> -> memref<1x128xi32, #tpu.memory_space<vmem>>
        %dma_start3A_320 = tpu.memref_squeeze %dma_start3A_319 : memref<1x128xi32, #tpu.memory_space<vmem>> -> memref<128xi32, #tpu.memory_space<vmem>>
        %dma_start3A_321 = arith.constant 0 : i32
        %dma_start3A_322 = arith.constant 0 : i32
        %dma_start3A_323 = tpu.memref_slice %arg2[%dma_start3A_321, %dma_start3A_322] : memref<8000x64xf32, #tpu.memory_space<hbm>> -> memref<8000x64xf32, #tpu.memory_space<hbm>>
        tpu.enqueue_indirect_dma source(%dma_start3A_323 : memref<8000x64xf32, #tpu.memory_space<hbm>>) target(%dma_start3A_313 : memref<128x64xf32, #tpu.memory_space<vmem>>) offsets(%dma_start3A_320 : memref<128xi32, #tpu.memory_space<vmem>>) semaphore(%arg8 : memref<!tpu.dma_semaphore, #tpu.memory_space<semaphore_mem>>)
        %dma_start3A_324 = arith.constant 1 : i32
        %dma_start3A_325 = arith.constant 0 : i32
        %dma_start3A_326 = arith.constant 0 : i32
        %dma_start3A_327 = tpu.memref_slice %run_scoped3A_10[%rem3A_303, %dma_start3A_325, %dma_start3A_326] : memref<2x256x64xf32, #tpu.memory_space<vmem>> -> memref<1x256x64xf32, #tpu.memory_space<vmem>>
        %dma_start3A_328 = tpu.memref_squeeze %dma_start3A_327 : memref<1x256x64xf32, #tpu.memory_space<vmem>> -> memref<256x64xf32, #tpu.memory_space<vmem>>
        %dma_start3A_329 = arith.constant 128 : i32
        %dma_start3A_330 = arith.constant 0 : i32
        %dma_start3A_331 = tpu.memref_slice %dma_start3A_328[%dma_start3A_329, %dma_start3A_330] : memref<256x64xf32, #tpu.memory_space<vmem>> -> memref<128x64xf32, #tpu.memory_space<vmem>>
        %dma_start3A_332 = arith.constant 0 : i32
        %dma_start3A_333 = arith.constant 0 : i32
        %dma_start3A_334 = tpu.memref_slice %run_scoped3A[%rem3A_299, %dma_start3A_332, %dma_start3A_333] : memref<2x2x128xi32, #tpu.memory_space<vmem>> -> memref<1x2x128xi32, #tpu.memory_space<vmem>>
        %dma_start3A_335 = tpu.memref_squeeze %dma_start3A_334 : memref<1x2x128xi32, #tpu.memory_space<vmem>> -> memref<2x128xi32, #tpu.memory_space<vmem>>
        %dma_start3A_336 = arith.constant 0 : i32
        %dma_start3A_337 = tpu.memref_slice %dma_start3A_335[%dma_start3A_324, %dma_start3A_336] : memref<2x128xi32, #tpu.memory_space<vmem>> -> memref<1x128xi32, #tpu.memory_space<vmem>>
        %dma_start3A_338 = tpu.memref_squeeze %dma_start3A_337 : memref<1x128xi32, #tpu.memory_space<vmem>> -> memref<128xi32, #tpu.memory_space<vmem>>
        %dma_start3A_339 = arith.constant 0 : i32
        %dma_start3A_340 = arith.constant 0 : i32
        %dma_start3A_341 = tpu.memref_slice %arg2[%dma_start3A_339, %dma_start3A_340] : memref<8000x64xf32, #tpu.memory_space<hbm>> -> memref<8000x64xf32, #tpu.memory_space<hbm>>
        tpu.enqueue_indirect_dma source(%dma_start3A_341 : memref<8000x64xf32, #tpu.memory_space<hbm>>) target(%dma_start3A_331 : memref<128x64xf32, #tpu.memory_space<vmem>>) offsets(%dma_start3A_338 : memref<128xi32, #tpu.memory_space<vmem>>) semaphore(%arg8 : memref<!tpu.dma_semaphore, #tpu.memory_space<semaphore_mem>>)
        %dma_start3A_342 = arith.constant 0 : i32
        %dma_start3A_343 = arith.constant 0 : i32
        %dma_start3A_344 = arith.constant 0 : i32
        %dma_start3A_345 = tpu.memref_slice %run_scoped3A_12[%rem3A_305, %dma_start3A_343, %dma_start3A_344] : memref<2x256x64xf32, #tpu.memory_space<vmem>> -> memref<1x256x64xf32, #tpu.memory_space<vmem>>
        %dma_start3A_346 = tpu.memref_squeeze %dma_start3A_345 : memref<1x256x64xf32, #tpu.memory_space<vmem>> -> memref<256x64xf32, #tpu.memory_space<vmem>>
        %dma_start3A_347 = arith.constant 0 : i32
        %dma_start3A_348 = arith.constant 0 : i32
        %dma_start3A_349 = tpu.memref_slice %dma_start3A_346[%dma_start3A_347, %dma_start3A_348] : memref<256x64xf32, #tpu.memory_space<vmem>> -> memref<128x64xf32, #tpu.memory_space<vmem>>
        %dma_start3A_350 = arith.constant 0 : i32
        %dma_start3A_351 = arith.constant 0 : i32
        %dma_start3A_352 = tpu.memref_slice %run_scoped3A_8[%rem3A_301, %dma_start3A_350, %dma_start3A_351] : memref<2x2x128xi32, #tpu.memory_space<vmem>> -> memref<1x2x128xi32, #tpu.memory_space<vmem>>
        %dma_start3A_353 = tpu.memref_squeeze %dma_start3A_352 : memref<1x2x128xi32, #tpu.memory_space<vmem>> -> memref<2x128xi32, #tpu.memory_space<vmem>>
        %dma_start3A_354 = arith.constant 0 : i32
        %dma_start3A_355 = tpu.memref_slice %dma_start3A_353[%dma_start3A_342, %dma_start3A_354] : memref<2x128xi32, #tpu.memory_space<vmem>> -> memref<1x128xi32, #tpu.memory_space<vmem>>
        %dma_start3A_356 = tpu.memref_squeeze %dma_start3A_355 : memref<1x128xi32, #tpu.memory_space<vmem>> -> memref<128xi32, #tpu.memory_space<vmem>>
        %dma_start3A_357 = arith.constant 0 : i32
        %dma_start3A_358 = arith.constant 0 : i32
        %dma_start3A_359 = tpu.memref_slice %arg4[%dma_start3A_357, %dma_start3A_358] : memref<100000x64xf32, #tpu.memory_space<hbm>> -> memref<100000x64xf32, #tpu.memory_space<hbm>>
        tpu.enqueue_indirect_dma source(%dma_start3A_359 : memref<100000x64xf32, #tpu.memory_space<hbm>>) target(%dma_start3A_349 : memref<128x64xf32, #tpu.memory_space<vmem>>) offsets(%dma_start3A_356 : memref<128xi32, #tpu.memory_space<vmem>>) semaphore(%arg9 : memref<!tpu.dma_semaphore, #tpu.memory_space<semaphore_mem>>)
        %dma_start3A_360 = arith.constant 1 : i32
        %dma_start3A_361 = arith.constant 0 : i32
        %dma_start3A_362 = arith.constant 0 : i32
        %dma_start3A_363 = tpu.memref_slice %run_scoped3A_12[%rem3A_305, %dma_start3A_361, %dma_start3A_362] : memref<2x256x64xf32, #tpu.memory_space<vmem>> -> memref<1x256x64xf32, #tpu.memory_space<vmem>>
        %dma_start3A_364 = tpu.memref_squeeze %dma_start3A_363 : memref<1x256x64xf32, #tpu.memory_space<vmem>> -> memref<256x64xf32, #tpu.memory_space<vmem>>
        %dma_start3A_365 = arith.constant 128 : i32
        %dma_start3A_366 = arith.constant 0 : i32
        %dma_start3A_367 = tpu.memref_slice %dma_start3A_364[%dma_start3A_365, %dma_start3A_366] : memref<256x64xf32, #tpu.memory_space<vmem>> -> memref<128x64xf32, #tpu.memory_space<vmem>>
        %dma_start3A_368 = arith.constant 0 : i32
        %dma_start3A_369 = arith.constant 0 : i32
        %dma_start3A_370 = tpu.memref_slice %run_scoped3A_8[%rem3A_301, %dma_start3A_368, %dma_start3A_369] : memref<2x2x128xi32, #tpu.memory_space<vmem>> -> memref<1x2x128xi32, #tpu.memory_space<vmem>>
        %dma_start3A_371 = tpu.memref_squeeze %dma_start3A_370 : memref<1x2x128xi32, #tpu.memory_space<vmem>> -> memref<2x128xi32, #tpu.memory_space<vmem>>
        %dma_start3A_372 = arith.constant 0 : i32
        %dma_start3A_373 = tpu.memref_slice %dma_start3A_371[%dma_start3A_360, %dma_start3A_372] : memref<2x128xi32, #tpu.memory_space<vmem>> -> memref<1x128xi32, #tpu.memory_space<vmem>>
        %dma_start3A_374 = tpu.memref_squeeze %dma_start3A_373 : memref<1x128xi32, #tpu.memory_space<vmem>> -> memref<128xi32, #tpu.memory_space<vmem>>
        %dma_start3A_375 = arith.constant 0 : i32
        %dma_start3A_376 = arith.constant 0 : i32
        %dma_start3A_377 = tpu.memref_slice %arg4[%dma_start3A_375, %dma_start3A_376] : memref<100000x64xf32, #tpu.memory_space<hbm>> -> memref<100000x64xf32, #tpu.memory_space<hbm>>
        tpu.enqueue_indirect_dma source(%dma_start3A_377 : memref<100000x64xf32, #tpu.memory_space<hbm>>) target(%dma_start3A_367 : memref<128x64xf32, #tpu.memory_space<vmem>>) offsets(%dma_start3A_374 : memref<128xi32, #tpu.memory_space<vmem>>) semaphore(%arg9 : memref<!tpu.dma_semaphore, #tpu.memory_space<semaphore_mem>>)
        %dma_wait3A_378 = arith.constant 0 : i32
        %dma_wait3A_379 = arith.constant 0 : i32
        %dma_wait3A_380 = arith.constant 0 : i32
        %dma_wait3A_381 = tpu.memref_slice %run_scoped3A_10[%rem3A_303, %dma_wait3A_379, %dma_wait3A_380] : memref<2x256x64xf32, #tpu.memory_space<vmem>> -> memref<1x256x64xf32, #tpu.memory_space<vmem>>
        %dma_wait3A_382 = tpu.memref_squeeze %dma_wait3A_381 : memref<1x256x64xf32, #tpu.memory_space<vmem>> -> memref<256x64xf32, #tpu.memory_space<vmem>>
        %dma_wait3A_383 = arith.constant 0 : i32
        %dma_wait3A_384 = arith.constant 0 : i32
        %dma_wait3A_385 = tpu.memref_slice %dma_wait3A_382[%dma_wait3A_383, %dma_wait3A_384] : memref<256x64xf32, #tpu.memory_space<vmem>> -> memref<128x64xf32, #tpu.memory_space<vmem>>
        %dma_wait3A_386 = arith.constant 0 : i32
        %dma_wait3A_387 = arith.constant 0 : i32
        %dma_wait3A_388 = tpu.memref_slice %run_scoped3A[%rem3A_299, %dma_wait3A_386, %dma_wait3A_387] : memref<2x2x128xi32, #tpu.memory_space<vmem>> -> memref<1x2x128xi32, #tpu.memory_space<vmem>>
        %dma_wait3A_389 = tpu.memref_squeeze %dma_wait3A_388 : memref<1x2x128xi32, #tpu.memory_space<vmem>> -> memref<2x128xi32, #tpu.memory_space<vmem>>
        %dma_wait3A_390 = arith.constant 0 : i32
        %dma_wait3A_391 = tpu.memref_slice %dma_wait3A_389[%dma_wait3A_378, %dma_wait3A_390] : memref<2x128xi32, #tpu.memory_space<vmem>> -> memref<1x128xi32, #tpu.memory_space<vmem>>
        %dma_wait3A_392 = tpu.memref_squeeze %dma_wait3A_391 : memref<1x128xi32, #tpu.memory_space<vmem>> -> memref<128xi32, #tpu.memory_space<vmem>>
        %dma_wait3A_393 = arith.constant 0 : i32
        %dma_wait3A_394 = arith.constant 0 : i32
        %dma_wait3A_395 = tpu.memref_slice %arg2[%dma_wait3A_393, %dma_wait3A_394] : memref<8000x64xf32, #tpu.memory_space<hbm>> -> memref<8000x64xf32, #tpu.memory_space<hbm>>
        tpu.wait_indirect_dma semaphore(%arg8 : memref<!tpu.dma_semaphore, #tpu.memory_space<semaphore_mem>>) src(%dma_wait3A_395 : memref<8000x64xf32, #tpu.memory_space<hbm>>) dst(%dma_wait3A_385 : memref<128x64xf32, #tpu.memory_space<vmem>>)
        %dma_wait3A_396 = arith.constant 1 : i32
        %dma_wait3A_397 = arith.constant 0 : i32
        %dma_wait3A_398 = arith.constant 0 : i32
        %dma_wait3A_399 = tpu.memref_slice %run_scoped3A_10[%rem3A_303, %dma_wait3A_397, %dma_wait3A_398] : memref<2x256x64xf32, #tpu.memory_space<vmem>> -> memref<1x256x64xf32, #tpu.memory_space<vmem>>
        %dma_wait3A_400 = tpu.memref_squeeze %dma_wait3A_399 : memref<1x256x64xf32, #tpu.memory_space<vmem>> -> memref<256x64xf32, #tpu.memory_space<vmem>>
        %dma_wait3A_401 = arith.constant 128 : i32
        %dma_wait3A_402 = arith.constant 0 : i32
        %dma_wait3A_403 = tpu.memref_slice %dma_wait3A_400[%dma_wait3A_401, %dma_wait3A_402] : memref<256x64xf32, #tpu.memory_space<vmem>> -> memref<128x64xf32, #tpu.memory_space<vmem>>
        %dma_wait3A_404 = arith.constant 0 : i32
        %dma_wait3A_405 = arith.constant 0 : i32
        %dma_wait3A_406 = tpu.memref_slice %run_scoped3A[%rem3A_299, %dma_wait3A_404, %dma_wait3A_405] : memref<2x2x128xi32, #tpu.memory_space<vmem>> -> memref<1x2x128xi32, #tpu.memory_space<vmem>>
        %dma_wait3A_407 = tpu.memref_squeeze %dma_wait3A_406 : memref<1x2x128xi32, #tpu.memory_space<vmem>> -> memref<2x128xi32, #tpu.memory_space<vmem>>
        %dma_wait3A_408 = arith.constant 0 : i32
        %dma_wait3A_409 = tpu.memref_slice %dma_wait3A_407[%dma_wait3A_396, %dma_wait3A_408] : memref<2x128xi32, #tpu.memory_space<vmem>> -> memref<1x128xi32, #tpu.memory_space<vmem>>
        %dma_wait3A_410 = tpu.memref_squeeze %dma_wait3A_409 : memref<1x128xi32, #tpu.memory_space<vmem>> -> memref<128xi32, #tpu.memory_space<vmem>>
        %dma_wait3A_411 = arith.constant 0 : i32
        %dma_wait3A_412 = arith.constant 0 : i32
        %dma_wait3A_413 = tpu.memref_slice %arg2[%dma_wait3A_411, %dma_wait3A_412] : memref<8000x64xf32, #tpu.memory_space<hbm>> -> memref<8000x64xf32, #tpu.memory_space<hbm>>
        tpu.wait_indirect_dma semaphore(%arg8 : memref<!tpu.dma_semaphore, #tpu.memory_space<semaphore_mem>>) src(%dma_wait3A_413 : memref<8000x64xf32, #tpu.memory_space<hbm>>) dst(%dma_wait3A_403 : memref<128x64xf32, #tpu.memory_space<vmem>>)
        %dma_wait3A_414 = arith.constant 0 : i32
        %dma_wait3A_415 = arith.constant 0 : i32
        %dma_wait3A_416 = arith.constant 0 : i32
        %dma_wait3A_417 = tpu.memref_slice %run_scoped3A_12[%rem3A_305, %dma_wait3A_415, %dma_wait3A_416] : memref<2x256x64xf32, #tpu.memory_space<vmem>> -> memref<1x256x64xf32, #tpu.memory_space<vmem>>
        %dma_wait3A_418 = tpu.memref_squeeze %dma_wait3A_417 : memref<1x256x64xf32, #tpu.memory_space<vmem>> -> memref<256x64xf32, #tpu.memory_space<vmem>>
        %dma_wait3A_419 = arith.constant 0 : i32
        %dma_wait3A_420 = arith.constant 0 : i32
        %dma_wait3A_421 = tpu.memref_slice %dma_wait3A_418[%dma_wait3A_419, %dma_wait3A_420] : memref<256x64xf32, #tpu.memory_space<vmem>> -> memref<128x64xf32, #tpu.memory_space<vmem>>
        %dma_wait3A_422 = arith.constant 0 : i32
        %dma_wait3A_423 = arith.constant 0 : i32
        %dma_wait3A_424 = tpu.memref_slice %run_scoped3A_8[%rem3A_301, %dma_wait3A_422, %dma_wait3A_423] : memref<2x2x128xi32, #tpu.memory_space<vmem>> -> memref<1x2x128xi32, #tpu.memory_space<vmem>>
        %dma_wait3A_425 = tpu.memref_squeeze %dma_wait3A_424 : memref<1x2x128xi32, #tpu.memory_space<vmem>> -> memref<2x128xi32, #tpu.memory_space<vmem>>
        %dma_wait3A_426 = arith.constant 0 : i32
        %dma_wait3A_427 = tpu.memref_slice %dma_wait3A_425[%dma_wait3A_414, %dma_wait3A_426] : memref<2x128xi32, #tpu.memory_space<vmem>> -> memref<1x128xi32, #tpu.memory_space<vmem>>
        %dma_wait3A_428 = tpu.memref_squeeze %dma_wait3A_427 : memref<1x128xi32, #tpu.memory_space<vmem>> -> memref<128xi32, #tpu.memory_space<vmem>>
        %dma_wait3A_429 = arith.constant 0 : i32
        %dma_wait3A_430 = arith.constant 0 : i32
        %dma_wait3A_431 = tpu.memref_slice %arg4[%dma_wait3A_429, %dma_wait3A_430] : memref<100000x64xf32, #tpu.memory_space<hbm>> -> memref<100000x64xf32, #tpu.memory_space<hbm>>
        tpu.wait_indirect_dma semaphore(%arg9 : memref<!tpu.dma_semaphore, #tpu.memory_space<semaphore_mem>>) src(%dma_wait3A_431 : memref<100000x64xf32, #tpu.memory_space<hbm>>) dst(%dma_wait3A_421 : memref<128x64xf32, #tpu.memory_space<vmem>>)
        %dma_wait3A_432 = arith.constant 1 : i32
        %dma_wait3A_433 = arith.constant 0 : i32
        %dma_wait3A_434 = arith.constant 0 : i32
        %dma_wait3A_435 = tpu.memref_slice %run_scoped3A_12[%rem3A_305, %dma_wait3A_433, %dma_wait3A_434] : memref<2x256x64xf32, #tpu.memory_space<vmem>> -> memref<1x256x64xf32, #tpu.memory_space<vmem>>
        %dma_wait3A_436 = tpu.memref_squeeze %dma_wait3A_435 : memref<1x256x64xf32, #tpu.memory_space<vmem>> -> memref<256x64xf32, #tpu.memory_space<vmem>>
        %dma_wait3A_437 = arith.constant 128 : i32
        %dma_wait3A_438 = arith.constant 0 : i32
        %dma_wait3A_439 = tpu.memref_slice %dma_wait3A_436[%dma_wait3A_437, %dma_wait3A_438] : memref<256x64xf32, #tpu.memory_space<vmem>> -> memref<128x64xf32, #tpu.memory_space<vmem>>
        %dma_wait3A_440 = arith.constant 0 : i32
        %dma_wait3A_441 = arith.constant 0 : i32
        %dma_wait3A_442 = tpu.memref_slice %run_scoped3A_8[%rem3A_301, %dma_wait3A_440, %dma_wait3A_441] : memref<2x2x128xi32, #tpu.memory_space<vmem>> -> memref<1x2x128xi32, #tpu.memory_space<vmem>>
        %dma_wait3A_443 = tpu.memref_squeeze %dma_wait3A_442 : memref<1x2x128xi32, #tpu.memory_space<vmem>> -> memref<2x128xi32, #tpu.memory_space<vmem>>
        %dma_wait3A_444 = arith.constant 0 : i32
        %dma_wait3A_445 = tpu.memref_slice %dma_wait3A_443[%dma_wait3A_432, %dma_wait3A_444] : memref<2x128xi32, #tpu.memory_space<vmem>> -> memref<1x128xi32, #tpu.memory_space<vmem>>
        %dma_wait3A_446 = tpu.memref_squeeze %dma_wait3A_445 : memref<1x128xi32, #tpu.memory_space<vmem>> -> memref<128xi32, #tpu.memory_space<vmem>>
        %dma_wait3A_447 = arith.constant 0 : i32
        %dma_wait3A_448 = arith.constant 0 : i32
        %dma_wait3A_449 = tpu.memref_slice %arg4[%dma_wait3A_447, %dma_wait3A_448] : memref<100000x64xf32, #tpu.memory_space<hbm>> -> memref<100000x64xf32, #tpu.memory_space<hbm>>
        tpu.wait_indirect_dma semaphore(%arg9 : memref<!tpu.dma_semaphore, #tpu.memory_space<semaphore_mem>>) src(%dma_wait3A_449 : memref<100000x64xf32, #tpu.memory_space<hbm>>) dst(%dma_wait3A_439 : memref<128x64xf32, #tpu.memory_space<vmem>>)
        "tpu.trace_stop"() : () -> ()
        %ne3A_450 = arith.cmpi ne, %add3A_185, %add3A_203 : i32
        %or3A_451 = arith.constant false
        %or3A_452 = arith.ori %or3A_451, %ne3A_450 : i1
        %or3A_453 = arith.constant false
        %or3A_454 = arith.ori %or3A_452, %or3A_453 : i1
        %or3A_455 = arith.ori %or3A_454, %eq3A_184 : i1
        %convert_element_type3A_456 = arith.extui %or3A_455 : i1 to i32
        %cond3A_457 = arith.constant 0 : i32
        %cond3A_458 = arith.cmpi ne, %convert_element_type3A_456, %cond3A_457 : i32
        scf.if %cond3A_458 {
        } else {
        }
        %and3A_459 = arith.constant false
        %and3A_460 = arith.andi %or3A_455, %and3A_459 : i1
        %ne3A_461 = arith.cmpi ne, %add3A_185, %add3A_203 : i32
        %or3A_462 = arith.constant false
        %or3A_463 = arith.ori %or3A_462, %ne3A_461 : i1
        %or3A_464 = arith.constant false
        %or3A_465 = arith.ori %or3A_463, %or3A_464 : i1
        %or3A_466 = arith.ori %or3A_465, %eq3A_184 : i1
        %convert_element_type3A_467 = arith.extui %or3A_466 : i1 to i32
        %cond3A_468 = arith.constant 0 : i32
        %cond3A_469 = arith.cmpi ne, %convert_element_type3A_467, %cond3A_468 : i32
        scf.if %cond3A_469 {
        } else {
        }
        %and3A_470 = arith.constant false
        %and3A_471 = arith.andi %or3A_466, %and3A_470 : i1
        %ne3A_472 = arith.cmpi ne, %add3A_185, %add3A_203 : i32
        %or3A_473 = arith.constant false
        %or3A_474 = arith.ori %or3A_473, %ne3A_472 : i1
        %or3A_475 = arith.constant false
        %or3A_476 = arith.ori %or3A_474, %or3A_475 : i1
        %or3A_477 = arith.ori %or3A_476, %eq3A_184 : i1
        %convert_element_type3A_478 = arith.extui %or3A_477 : i1 to i32
        %cond3A_479 = arith.constant 0 : i32
        %cond3A_480 = arith.cmpi ne, %convert_element_type3A_478, %cond3A_479 : i32
        scf.if %cond3A_480 {
          "tpu.trace_start"() <{level = 10 : i32, message = "ep_copy_out"}> : () -> ()
          %rem3A_584 = arith.constant 2 : i32
          %rem3A_585 = arith.remui %scan3A_176, %rem3A_584 : i32
          %mul3A_586 = arith.constant 256 : i32
          %mul3A_587 = arith.muli %mul3A_586, %add3A_185 : i32
          %dma_start3A_588 = arith.constant 0 : i32
          %dma_start3A_589 = arith.constant 0 : i32
          %dma_start3A_590 = tpu.memref_slice %run_scoped3A_10[%rem3A_585, %dma_start3A_588, %dma_start3A_589] : memref<2x256x64xf32, #tpu.memory_space<vmem>> -> memref<1x256x64xf32, #tpu.memory_space<vmem>>
          %dma_start3A_591 = tpu.memref_squeeze %dma_start3A_590 : memref<1x256x64xf32, #tpu.memory_space<vmem>> -> memref<256x64xf32, #tpu.memory_space<vmem>>
          %dma_start3A_592 = arith.constant 0 : i32
          %dma_start3A_593 = tpu.memref_slice %arg6[%mul3A_587, %dma_start3A_592] : memref<819200x64xf32, #tpu.memory_space<hbm>> -> memref<256x64xf32, #tpu.memory_space<hbm>>
          %dma_start3A_594 = tpu.memref_slice %run_scoped3A_11[%rem3A_585] : memref<2x!tpu.dma_semaphore, #tpu.memory_space<semaphore_mem>> -> memref<1x!tpu.dma_semaphore, #tpu.memory_space<semaphore_mem>>
          %dma_start3A_595 = tpu.memref_squeeze %dma_start3A_594 : memref<1x!tpu.dma_semaphore, #tpu.memory_space<semaphore_mem>> -> memref<!tpu.dma_semaphore, #tpu.memory_space<semaphore_mem>>
          %dma_start3A_596 = arith.constant 0 : i32
          %dma_start3A_597 = tpu.memref_slice %arg6[%mul3A_587, %dma_start3A_596] : memref<819200x64xf32, #tpu.memory_space<hbm>> -> memref<256x64xf32, #tpu.memory_space<hbm>>
          %dma_start3A_598 = arith.constant 0 : i32
          %dma_start3A_599 = arith.constant 0 : i32
          %dma_start3A_600 = tpu.memref_slice %run_scoped3A_10[%rem3A_585, %dma_start3A_598, %dma_start3A_599] : memref<2x256x64xf32, #tpu.memory_space<vmem>> -> memref<1x256x64xf32, #tpu.memory_space<vmem>>
          %dma_start3A_601 = tpu.memref_squeeze %dma_start3A_600 : memref<1x256x64xf32, #tpu.memory_space<vmem>> -> memref<256x64xf32, #tpu.memory_space<vmem>>
          tpu.enqueue_dma source(%dma_start3A_601 : memref<256x64xf32, #tpu.memory_space<vmem>>) target(%dma_start3A_597 : memref<256x64xf32, #tpu.memory_space<hbm>>) target_semaphore(%dma_start3A_595 : memref<!tpu.dma_semaphore, #tpu.memory_space<semaphore_mem>>)
          "tpu.trace_stop"() : () -> ()
        } else {
        }
        %and3A_481 = arith.constant true
        %and3A_482 = arith.andi %or3A_477, %and3A_481 : i1
        %add3A_483 = arith.constant 1 : i32
        %add3A_484 = arith.addi %scan3A_176, %add3A_483 : i32
        %select_n3A_485 = arith.select %and3A_482, %add3A_484, %scan3A_176 : i32
        %ne3A_486 = arith.cmpi ne, %add3A_185, %add3A_203 : i32
        %or3A_487 = arith.constant false
        %or3A_488 = arith.ori %or3A_487, %ne3A_486 : i1
        %or3A_489 = arith.constant false
        %or3A_490 = arith.ori %or3A_488, %or3A_489 : i1
        %or3A_491 = arith.ori %or3A_490, %eq3A_184 : i1
        %convert_element_type3A_492 = arith.extui %or3A_491 : i1 to i32
        %cond3A_493 = arith.constant 0 : i32
        %cond3A_494 = arith.cmpi ne, %convert_element_type3A_492, %cond3A_493 : i32
        scf.if %cond3A_494 {
          "tpu.trace_start"() <{level = 10 : i32, message = "ep_copy_out"}> : () -> ()
          %rem3A_584 = arith.constant 2 : i32
          %rem3A_585 = arith.remui %scan3A_178, %rem3A_584 : i32
          %mul3A_586 = arith.constant 256 : i32
          %mul3A_587 = arith.muli %mul3A_586, %add3A_185 : i32
          %dma_start3A_588 = arith.constant 0 : i32
          %dma_start3A_589 = arith.constant 0 : i32
          %dma_start3A_590 = tpu.memref_slice %run_scoped3A_12[%rem3A_585, %dma_start3A_588, %dma_start3A_589] : memref<2x256x64xf32, #tpu.memory_space<vmem>> -> memref<1x256x64xf32, #tpu.memory_space<vmem>>
          %dma_start3A_591 = tpu.memref_squeeze %dma_start3A_590 : memref<1x256x64xf32, #tpu.memory_space<vmem>> -> memref<256x64xf32, #tpu.memory_space<vmem>>
          %dma_start3A_592 = arith.constant 0 : i32
          %dma_start3A_593 = tpu.memref_slice %arg7[%mul3A_587, %dma_start3A_592] : memref<819200x64xf32, #tpu.memory_space<hbm>> -> memref<256x64xf32, #tpu.memory_space<hbm>>
          %dma_start3A_594 = tpu.memref_slice %run_scoped3A_13[%rem3A_585] : memref<2x!tpu.dma_semaphore, #tpu.memory_space<semaphore_mem>> -> memref<1x!tpu.dma_semaphore, #tpu.memory_space<semaphore_mem>>
          %dma_start3A_595 = tpu.memref_squeeze %dma_start3A_594 : memref<1x!tpu.dma_semaphore, #tpu.memory_space<semaphore_mem>> -> memref<!tpu.dma_semaphore, #tpu.memory_space<semaphore_mem>>
          %dma_start3A_596 = arith.constant 0 : i32
          %dma_start3A_597 = tpu.memref_slice %arg7[%mul3A_587, %dma_start3A_596] : memref<819200x64xf32, #tpu.memory_space<hbm>> -> memref<256x64xf32, #tpu.memory_space<hbm>>
          %dma_start3A_598 = arith.constant 0 : i32
          %dma_start3A_599 = arith.constant 0 : i32
          %dma_start3A_600 = tpu.memref_slice %run_scoped3A_12[%rem3A_585, %dma_start3A_598, %dma_start3A_599] : memref<2x256x64xf32, #tpu.memory_space<vmem>> -> memref<1x256x64xf32, #tpu.memory_space<vmem>>
          %dma_start3A_601 = tpu.memref_squeeze %dma_start3A_600 : memref<1x256x64xf32, #tpu.memory_space<vmem>> -> memref<256x64xf32, #tpu.memory_space<vmem>>
          tpu.enqueue_dma source(%dma_start3A_601 : memref<256x64xf32, #tpu.memory_space<vmem>>) target(%dma_start3A_597 : memref<256x64xf32, #tpu.memory_space<hbm>>) target_semaphore(%dma_start3A_595 : memref<!tpu.dma_semaphore, #tpu.memory_space<semaphore_mem>>)
          "tpu.trace_stop"() : () -> ()
        } else {
        }
        %and3A_495 = arith.constant true
        %and3A_496 = arith.andi %or3A_491, %and3A_495 : i1
        %add3A_497 = arith.constant 1 : i32
        %add3A_498 = arith.addi %scan3A_178, %add3A_497 : i32
        %select_n3A_499 = arith.select %and3A_496, %add3A_498, %scan3A_178 : i32
        %ne3A_500 = arith.cmpi ne, %add3A_185, %add3A_194 : i32
        %or3A_501 = arith.constant false
        %or3A_502 = arith.ori %or3A_501, %ne3A_500 : i1
        %or3A_503 = arith.constant false
        %or3A_504 = arith.ori %or3A_502, %or3A_503 : i1
        %not3A_505 = arith.constant true
        %not3A_506 = arith.xori %eq3A_182, %not3A_505 : i1
        %and3A_507 = arith.andi %or3A_504, %not3A_506 : i1
        %convert_element_type3A_508 = arith.extui %and3A_507 : i1 to i32
        %cond3A_509 = arith.constant 0 : i32
        %cond3A_510 = arith.cmpi ne, %convert_element_type3A_508, %cond3A_509 : i32
        scf.if %cond3A_510 {
        } else {
        }
        %and3A_511 = arith.constant false
        %and3A_512 = arith.andi %and3A_507, %and3A_511 : i1
        %ne3A_513 = arith.cmpi ne, %add3A_185, %add3A_194 : i32
        %or3A_514 = arith.constant false
        %or3A_515 = arith.ori %or3A_514, %ne3A_513 : i1
        %or3A_516 = arith.constant false
        %or3A_517 = arith.ori %or3A_515, %or3A_516 : i1
        %not3A_518 = arith.constant true
        %not3A_519 = arith.xori %eq3A_182, %not3A_518 : i1
        %and3A_520 = arith.andi %or3A_517, %not3A_519 : i1
        %convert_element_type3A_521 = arith.extui %and3A_520 : i1 to i32
        %cond3A_522 = arith.constant 0 : i32
        %cond3A_523 = arith.cmpi ne, %convert_element_type3A_521, %cond3A_522 : i32
        scf.if %cond3A_523 {
        } else {
        }
        %and3A_524 = arith.constant false
        %and3A_525 = arith.andi %and3A_520, %and3A_524 : i1
        %ne3A_526 = arith.cmpi ne, %add3A_185, %add3A_194 : i32
        %or3A_527 = arith.constant false
        %or3A_528 = arith.ori %or3A_527, %ne3A_526 : i1
        %or3A_529 = arith.constant false
        %or3A_530 = arith.ori %or3A_528, %or3A_529 : i1
        %not3A_531 = arith.constant true
        %not3A_532 = arith.xori %eq3A_182, %not3A_531 : i1
        %and3A_533 = arith.andi %or3A_530, %not3A_532 : i1
        %convert_element_type3A_534 = arith.extui %and3A_533 : i1 to i32
        %cond3A_535 = arith.constant 0 : i32
        %cond3A_536 = arith.cmpi ne, %convert_element_type3A_534, %cond3A_535 : i32
        scf.if %cond3A_536 {
          "tpu.trace_start"() <{level = 10 : i32, message = "ep_wait_out"}> : () -> ()
          %rem3A_584 = arith.constant 2 : i32
          %rem3A_585 = arith.remui %scan3A_177, %rem3A_584 : i32
          %mul3A_586 = arith.constant 256 : i32
          %mul3A_587 = arith.muli %mul3A_586, %add3A_194 : i32
          %dma_wait3A_588 = arith.constant 0 : i32
          %dma_wait3A_589 = arith.constant 0 : i32
          %dma_wait3A_590 = tpu.memref_slice %run_scoped3A_10[%rem3A_585, %dma_wait3A_588, %dma_wait3A_589] : memref<2x256x64xf32, #tpu.memory_space<vmem>> -> memref<1x256x64xf32, #tpu.memory_space<vmem>>
          %dma_wait3A_591 = tpu.memref_squeeze %dma_wait3A_590 : memref<1x256x64xf32, #tpu.memory_space<vmem>> -> memref<256x64xf32, #tpu.memory_space<vmem>>
          %dma_wait3A_592 = arith.constant 0 : i32
          %dma_wait3A_593 = tpu.memref_slice %arg6[%mul3A_587, %dma_wait3A_592] : memref<819200x64xf32, #tpu.memory_space<hbm>> -> memref<256x64xf32, #tpu.memory_space<hbm>>
          %dma_wait3A_594 = tpu.memref_slice %run_scoped3A_11[%rem3A_585] : memref<2x!tpu.dma_semaphore, #tpu.memory_space<semaphore_mem>> -> memref<1x!tpu.dma_semaphore, #tpu.memory_space<semaphore_mem>>
          %dma_wait3A_595 = tpu.memref_squeeze %dma_wait3A_594 : memref<1x!tpu.dma_semaphore, #tpu.memory_space<semaphore_mem>> -> memref<!tpu.dma_semaphore, #tpu.memory_space<semaphore_mem>>
          %dma_wait3A_596 = arith.constant 0 : i32
          %dma_wait3A_597 = tpu.memref_slice %arg6[%mul3A_587, %dma_wait3A_596] : memref<819200x64xf32, #tpu.memory_space<hbm>> -> memref<256x64xf32, #tpu.memory_space<hbm>>
          %dma_wait3A_598 = arith.constant 0 : i32
          %dma_wait3A_599 = arith.constant 0 : i32
          %dma_wait3A_600 = tpu.memref_slice %run_scoped3A_10[%rem3A_585, %dma_wait3A_598, %dma_wait3A_599] : memref<2x256x64xf32, #tpu.memory_space<vmem>> -> memref<1x256x64xf32, #tpu.memory_space<vmem>>
          %dma_wait3A_601 = tpu.memref_squeeze %dma_wait3A_600 : memref<1x256x64xf32, #tpu.memory_space<vmem>> -> memref<256x64xf32, #tpu.memory_space<vmem>>
          tpu.wait_dma2 semaphore(%dma_wait3A_595 : memref<!tpu.dma_semaphore, #tpu.memory_space<semaphore_mem>>) src(%dma_wait3A_601 : memref<256x64xf32, #tpu.memory_space<vmem>>) dst(%dma_wait3A_597 : memref<256x64xf32, #tpu.memory_space<hbm>>)
          "tpu.trace_stop"() : () -> ()
        } else {
        }
        %and3A_537 = arith.constant true
        %and3A_538 = arith.andi %and3A_533, %and3A_537 : i1
        %add3A_539 = arith.constant 1 : i32
        %add3A_540 = arith.addi %scan3A_177, %add3A_539 : i32
        %select_n3A_541 = arith.select %and3A_538, %add3A_540, %scan3A_177 : i32
        %ne3A_542 = arith.cmpi ne, %add3A_185, %add3A_194 : i32
        %or3A_543 = arith.constant false
        %or3A_544 = arith.ori %or3A_543, %ne3A_542 : i1
        %or3A_545 = arith.constant false
        %or3A_546 = arith.ori %or3A_544, %or3A_545 : i1
        %not3A_547 = arith.constant true
        %not3A_548 = arith.xori %eq3A_182, %not3A_547 : i1
        %and3A_549 = arith.andi %or3A_546, %not3A_548 : i1
        %convert_element_type3A_550 = arith.extui %and3A_549 : i1 to i32
        %cond3A_551 = arith.constant 0 : i32
        %cond3A_552 = arith.cmpi ne, %convert_element_type3A_550, %cond3A_551 : i32
        scf.if %cond3A_552 {
          "tpu.trace_start"() <{level = 10 : i32, message = "ep_wait_out"}> : () -> ()
          %rem3A_584 = arith.constant 2 : i32
          %rem3A_585 = arith.remui %scan3A_179, %rem3A_584 : i32
          %mul3A_586 = arith.constant 256 : i32
          %mul3A_587 = arith.muli %mul3A_586, %add3A_194 : i32
          %dma_wait3A_588 = arith.constant 0 : i32
          %dma_wait3A_589 = arith.constant 0 : i32
          %dma_wait3A_590 = tpu.memref_slice %run_scoped3A_12[%rem3A_585, %dma_wait3A_588, %dma_wait3A_589] : memref<2x256x64xf32, #tpu.memory_space<vmem>> -> memref<1x256x64xf32, #tpu.memory_space<vmem>>
          %dma_wait3A_591 = tpu.memref_squeeze %dma_wait3A_590 : memref<1x256x64xf32, #tpu.memory_space<vmem>> -> memref<256x64xf32, #tpu.memory_space<vmem>>
          %dma_wait3A_592 = arith.constant 0 : i32
          %dma_wait3A_593 = tpu.memref_slice %arg7[%mul3A_587, %dma_wait3A_592] : memref<819200x64xf32, #tpu.memory_space<hbm>> -> memref<256x64xf32, #tpu.memory_space<hbm>>
          %dma_wait3A_594 = tpu.memref_slice %run_scoped3A_13[%rem3A_585] : memref<2x!tpu.dma_semaphore, #tpu.memory_space<semaphore_mem>> -> memref<1x!tpu.dma_semaphore, #tpu.memory_space<semaphore_mem>>
          %dma_wait3A_595 = tpu.memref_squeeze %dma_wait3A_594 : memref<1x!tpu.dma_semaphore, #tpu.memory_space<semaphore_mem>> -> memref<!tpu.dma_semaphore, #tpu.memory_space<semaphore_mem>>
          %dma_wait3A_596 = arith.constant 0 : i32
          %dma_wait3A_597 = tpu.memref_slice %arg7[%mul3A_587, %dma_wait3A_596] : memref<819200x64xf32, #tpu.memory_space<hbm>> -> memref<256x64xf32, #tpu.memory_space<hbm>>
          %dma_wait3A_598 = arith.constant 0 : i32
          %dma_wait3A_599 = arith.constant 0 : i32
          %dma_wait3A_600 = tpu.memref_slice %run_scoped3A_12[%rem3A_585, %dma_wait3A_598, %dma_wait3A_599] : memref<2x256x64xf32, #tpu.memory_space<vmem>> -> memref<1x256x64xf32, #tpu.memory_space<vmem>>
          %dma_wait3A_601 = tpu.memref_squeeze %dma_wait3A_600 : memref<1x256x64xf32, #tpu.memory_space<vmem>> -> memref<256x64xf32, #tpu.memory_space<vmem>>
          tpu.wait_dma2 semaphore(%dma_wait3A_595 : memref<!tpu.dma_semaphore, #tpu.memory_space<semaphore_mem>>) src(%dma_wait3A_601 : memref<256x64xf32, #tpu.memory_space<vmem>>) dst(%dma_wait3A_597 : memref<256x64xf32, #tpu.memory_space<hbm>>)
          "tpu.trace_stop"() : () -> ()
        } else {
        }
        %and3A_553 = arith.constant true
        %and3A_554 = arith.andi %and3A_549, %and3A_553 : i1
        %add3A_555 = arith.constant 1 : i32
        %add3A_556 = arith.addi %scan3A_179, %add3A_555 : i32
        %select_n3A_557 = arith.select %and3A_554, %add3A_556, %scan3A_179 : i32
        %ne3A_558 = arith.cmpi ne, %add3A_185, %add3A_203 : i32
        %or3A_559 = arith.constant false
        %or3A_560 = arith.ori %or3A_559, %ne3A_558 : i1
        %or3A_561 = arith.constant false
        %or3A_562 = arith.ori %or3A_560, %or3A_561 : i1
        %or3A_563 = arith.ori %or3A_562, %eq3A_184 : i1
        %add3A_564 = arith.constant 1 : i32
        %add3A_565 = arith.addi %scan3A_173, %add3A_564 : i32
        %select_n3A_566 = arith.select %or3A_563, %add3A_565, %scan3A_173 : i32
        %ne3A_567 = arith.cmpi ne, %add3A_185, %add3A_203 : i32
        %or3A_568 = arith.constant false
        %or3A_569 = arith.ori %or3A_568, %ne3A_567 : i1
        %or3A_570 = arith.constant false
        %or3A_571 = arith.ori %or3A_569, %or3A_570 : i1
        %or3A_572 = arith.ori %or3A_571, %eq3A_184 : i1
        %add3A_573 = arith.constant 1 : i32
        %add3A_574 = arith.addi %scan3A_175, %add3A_573 : i32
        %select_n3A_575 = arith.select %or3A_572, %add3A_574, %scan3A_175 : i32
        %add3A_576 = arith.constant 1 : i32
        %add3A_577 = arith.addi %scan3A_180, %add3A_576 : i32
        %select_n3A_578 = arith.constant true
        %select_n3A_579 = arith.select %select_n3A_578, %add3A_577, %scan3A_180 : i32
        %eq3A_580 = arith.constant 100 : i32
        %eq3A_581 = arith.cmpi eq, %select_n3A_579, %eq3A_580 : i32
        %select_n3A_582 = arith.constant 0 : i32
        %select_n3A_583 = arith.select %eq3A_581, %select_n3A_582, %select_n3A_579 : i32
        scf.yield %select_n3A_223, %select_n3A_566, %select_n3A_241, %select_n3A_575, %select_n3A_485, %select_n3A_541, %select_n3A_499, %select_n3A_557, %select_n3A_583 : i32, i32, i32, i32, i32, i32, i32, i32, i32
      }
      %scan3A_100 = arith.constant 100 : i32
      %sub3A = arith.constant 1 : i32
      %sub3A_101 = arith.subi %scan3A_99#8, %sub3A : i32
      %select_n3A_102 = arith.constant true
      %select_n3A_103 = arith.select %select_n3A_102, %sub3A_101, %scan3A_99#8 : i32
      %eq3A_104 = arith.constant -1 : i32
      %eq3A_105 = arith.cmpi eq, %select_n3A_103, %eq3A_104 : i32
      %select_n3A_106 = arith.constant 99 : i32
      %select_n3A_107 = arith.select %eq3A_105, %select_n3A_106, %select_n3A_103 : i32
      %add3A_108 = arith.addi %select_n3A_107, %mul3A_6 : i32
      %sub3A_109 = arith.constant 1 : i32
      %sub3A_110 = arith.subi %select_n3A_107, %sub3A_109 : i32
      %select_n3A_111 = arith.constant true
      %select_n3A_112 = arith.select %select_n3A_111, %sub3A_110, %select_n3A_107 : i32
      %eq3A_113 = arith.constant -1 : i32
      %eq3A_114 = arith.cmpi eq, %select_n3A_112, %eq3A_113 : i32
      %select_n3A_115 = arith.constant 99 : i32
      %select_n3A_116 = arith.select %eq3A_114, %select_n3A_115, %select_n3A_112 : i32
      %add3A_117 = arith.addi %select_n3A_116, %mul3A_6 : i32
      %add3A_118 = arith.constant 1 : i32
      %add3A_119 = arith.addi %select_n3A_107, %add3A_118 : i32
      %select_n3A_120 = arith.constant true
      %select_n3A_121 = arith.select %select_n3A_120, %add3A_119, %select_n3A_107 : i32
      %eq3A_122 = arith.constant 100 : i32
      %eq3A_123 = arith.cmpi eq, %select_n3A_121, %eq3A_122 : i32
      %select_n3A_124 = arith.constant 0 : i32
      %select_n3A_125 = arith.select %eq3A_123, %select_n3A_124, %select_n3A_121 : i32
      %add3A_126 = arith.addi %select_n3A_125, %mul3A_6 : i32
      %add3A_127 = arith.constant 1 : i32
      %add3A_128 = arith.addi %select_n3A_125, %add3A_127 : i32
      %select_n3A_129 = arith.constant true
      %select_n3A_130 = arith.select %select_n3A_129, %add3A_128, %select_n3A_125 : i32
      %eq3A_131 = arith.constant 100 : i32
      %eq3A_132 = arith.cmpi eq, %select_n3A_130, %eq3A_131 : i32
      %select_n3A_133 = arith.constant 0 : i32
      %select_n3A_134 = arith.select %eq3A_132, %select_n3A_133, %select_n3A_130 : i32
      %add3A_135 = arith.addi %select_n3A_134, %mul3A_6 : i32
      "tpu.trace_start"() <{level = 10 : i32, message = "ep_finalize"}> : () -> ()
      %rem3A_136 = arith.constant 2 : i32
      %rem3A_137 = arith.remui %scan3A_99#5, %rem3A_136 : i32
      %mul3A_138 = arith.constant 256 : i32
      %mul3A_139 = arith.muli %mul3A_138, %add3A_108 : i32
      %dma_wait3A = arith.constant 0 : i32
      %dma_wait3A_140 = arith.constant 0 : i32
      %dma_wait3A_141 = tpu.memref_slice %run_scoped3A_10[%rem3A_137, %dma_wait3A, %dma_wait3A_140] : memref<2x256x64xf32, #tpu.memory_space<vmem>> -> memref<1x256x64xf32, #tpu.memory_space<vmem>>
      %dma_wait3A_142 = tpu.memref_squeeze %dma_wait3A_141 : memref<1x256x64xf32, #tpu.memory_space<vmem>> -> memref<256x64xf32, #tpu.memory_space<vmem>>
      %dma_wait3A_143 = arith.constant 0 : i32
      %dma_wait3A_144 = tpu.memref_slice %arg6[%mul3A_139, %dma_wait3A_143] : memref<819200x64xf32, #tpu.memory_space<hbm>> -> memref<256x64xf32, #tpu.memory_space<hbm>>
      %dma_wait3A_145 = tpu.memref_slice %run_scoped3A_11[%rem3A_137] : memref<2x!tpu.dma_semaphore, #tpu.memory_space<semaphore_mem>> -> memref<1x!tpu.dma_semaphore, #tpu.memory_space<semaphore_mem>>
      %dma_wait3A_146 = tpu.memref_squeeze %dma_wait3A_145 : memref<1x!tpu.dma_semaphore, #tpu.memory_space<semaphore_mem>> -> memref<!tpu.dma_semaphore, #tpu.memory_space<semaphore_mem>>
      %dma_wait3A_147 = arith.constant 0 : i32
      %dma_wait3A_148 = tpu.memref_slice %arg6[%mul3A_139, %dma_wait3A_147] : memref<819200x64xf32, #tpu.memory_space<hbm>> -> memref<256x64xf32, #tpu.memory_space<hbm>>
      %dma_wait3A_149 = arith.constant 0 : i32
      %dma_wait3A_150 = arith.constant 0 : i32
      %dma_wait3A_151 = tpu.memref_slice %run_scoped3A_10[%rem3A_137, %dma_wait3A_149, %dma_wait3A_150] : memref<2x256x64xf32, #tpu.memory_space<vmem>> -> memref<1x256x64xf32, #tpu.memory_space<vmem>>
      %dma_wait3A_152 = tpu.memref_squeeze %dma_wait3A_151 : memref<1x256x64xf32, #tpu.memory_space<vmem>> -> memref<256x64xf32, #tpu.memory_space<vmem>>
      tpu.wait_dma2 semaphore(%dma_wait3A_146 : memref<!tpu.dma_semaphore, #tpu.memory_space<semaphore_mem>>) src(%dma_wait3A_152 : memref<256x64xf32, #tpu.memory_space<vmem>>) dst(%dma_wait3A_148 : memref<256x64xf32, #tpu.memory_space<hbm>>)
      %rem3A_153 = arith.constant 2 : i32
      %rem3A_154 = arith.remui %scan3A_99#7, %rem3A_153 : i32
      %mul3A_155 = arith.constant 256 : i32
      %mul3A_156 = arith.muli %mul3A_155, %add3A_108 : i32
      %dma_wait3A_157 = arith.constant 0 : i32
      %dma_wait3A_158 = arith.constant 0 : i32
      %dma_wait3A_159 = tpu.memref_slice %run_scoped3A_12[%rem3A_154, %dma_wait3A_157, %dma_wait3A_158] : memref<2x256x64xf32, #tpu.memory_space<vmem>> -> memref<1x256x64xf32, #tpu.memory_space<vmem>>
      %dma_wait3A_160 = tpu.memref_squeeze %dma_wait3A_159 : memref<1x256x64xf32, #tpu.memory_space<vmem>> -> memref<256x64xf32, #tpu.memory_space<vmem>>
      %dma_wait3A_161 = arith.constant 0 : i32
      %dma_wait3A_162 = tpu.memref_slice %arg7[%mul3A_156, %dma_wait3A_161] : memref<819200x64xf32, #tpu.memory_space<hbm>> -> memref<256x64xf32, #tpu.memory_space<hbm>>
      %dma_wait3A_163 = tpu.memref_slice %run_scoped3A_13[%rem3A_154] : memref<2x!tpu.dma_semaphore, #tpu.memory_space<semaphore_mem>> -> memref<1x!tpu.dma_semaphore, #tpu.memory_space<semaphore_mem>>
      %dma_wait3A_164 = tpu.memref_squeeze %dma_wait3A_163 : memref<1x!tpu.dma_semaphore, #tpu.memory_space<semaphore_mem>> -> memref<!tpu.dma_semaphore, #tpu.memory_space<semaphore_mem>>
      %dma_wait3A_165 = arith.constant 0 : i32
      %dma_wait3A_166 = tpu.memref_slice %arg7[%mul3A_156, %dma_wait3A_165] : memref<819200x64xf32, #tpu.memory_space<hbm>> -> memref<256x64xf32, #tpu.memory_space<hbm>>
      %dma_wait3A_167 = arith.constant 0 : i32
      %dma_wait3A_168 = arith.constant 0 : i32
      %dma_wait3A_169 = tpu.memref_slice %run_scoped3A_12[%rem3A_154, %dma_wait3A_167, %dma_wait3A_168] : memref<2x256x64xf32, #tpu.memory_space<vmem>> -> memref<1x256x64xf32, #tpu.memory_space<vmem>>
      %dma_wait3A_170 = tpu.memref_squeeze %dma_wait3A_169 : memref<1x256x64xf32, #tpu.memory_space<vmem>> -> memref<256x64xf32, #tpu.memory_space<vmem>>
      tpu.wait_dma2 semaphore(%dma_wait3A_164 : memref<!tpu.dma_semaphore, #tpu.memory_space<semaphore_mem>>) src(%dma_wait3A_170 : memref<256x64xf32, #tpu.memory_space<vmem>>) dst(%dma_wait3A_166 : memref<256x64xf32, #tpu.memory_space<hbm>>)
      "tpu.trace_stop"() : () -> ()
      tpu.yield
    }) : () -> ()
    return
  }
}

#map = affine_map<(d0, d1) -> (0, 0)>
module attributes {stable_mosaic.version = 14 : i64} {
  func.func @k(%arg0: i32, %arg1: i32, %arg2: memref<26000x64xf32, #tpu.memory_space<hbm>>, %arg3: memref<832x128xi32, #tpu.memory_space<hbm>>, %arg4: memref<106496x64xf32, #tpu.memory_space<hbm>>, %arg5: memref<!tpu.dma_semaphore, #tpu.memory_space<semaphore_mem>>) attributes {dimension_semantics = [#tpu.dimension_semantics<core_parallel>, #tpu.dimension_semantics<subcore_parallel>], iteration_bounds = array<i64: 2, 16>, scalar_prefetch = 0 : i64, scratch_operands = 1 : i64, tpu.core_type = #tpu.core_type<sc_vector_subcore>, window_params = [{transform_indices = #map}, {transform_indices = #map}, {transform_indices = #map}]} {
    %mul3A = arith.constant 1 : i32
    %mul3A_0 = arith.muli %arg1, %mul3A : i32
    %add3A = arith.constant 0 : i32
    %add3A_1 = arith.addi %add3A, %mul3A_0 : i32
    %mul3A_2 = arith.constant 16 : i32
    %mul3A_3 = arith.muli %arg0, %mul3A_2 : i32
    %add3A_4 = arith.addi %add3A_1, %mul3A_3 : i32
    %mul3A_5 = arith.constant 13 : i32
    %mul3A_6 = arith.muli %add3A_4, %mul3A_5 : i32
    "tpu.region"() ({
      %run_scoped3A = memref.alloca() : memref<2x2x128xi32, #tpu.memory_space<vmem>>
      %run_scoped3A_7 = tpu.sem_alloc : memref<2x!tpu.dma_semaphore, #tpu.memory_space<semaphore_mem>>
      %run_scoped3A_8 = memref.alloca() : memref<2x256x64xf32, #tpu.memory_space<vmem>>
      %run_scoped3A_9 = tpu.sem_alloc : memref<2x!tpu.dma_semaphore, #tpu.memory_space<semaphore_mem>>
      %add3A_10 = arith.constant 0 : i32
      %add3A_11 = arith.addi %add3A_10, %mul3A_6 : i32
      %select_n3A = arith.constant true
      %select_n3A_12 = arith.constant 0 : i32
      %select_n3A_13 = arith.constant -1 : i32
      %select_n3A_14 = arith.select %select_n3A, %select_n3A_13, %select_n3A_12 : i32
      %eq3A = arith.constant -1 : i32
      %eq3A_15 = arith.cmpi eq, %select_n3A_14, %eq3A : i32
      %select_n3A_16 = arith.constant 12 : i32
      %select_n3A_17 = arith.select %eq3A_15, %select_n3A_16, %select_n3A_14 : i32
      %add3A_18 = arith.addi %select_n3A_17, %mul3A_6 : i32
      %select_n3A_19 = arith.constant true
      %select_n3A_20 = arith.constant 0 : i32
      %select_n3A_21 = arith.constant 1 : i32
      %select_n3A_22 = arith.select %select_n3A_19, %select_n3A_21, %select_n3A_20 : i32
      %eq3A_23 = arith.constant 13 : i32
      %eq3A_24 = arith.cmpi eq, %select_n3A_22, %eq3A_23 : i32
      %select_n3A_25 = arith.constant 0 : i32
      %select_n3A_26 = arith.select %eq3A_24, %select_n3A_25, %select_n3A_22 : i32
      %add3A_27 = arith.addi %select_n3A_26, %mul3A_6 : i32
      %add3A_28 = arith.constant 1 : i32
      %add3A_29 = arith.addi %select_n3A_26, %add3A_28 : i32
      %select_n3A_30 = arith.constant true
      %select_n3A_31 = arith.select %select_n3A_30, %add3A_29, %select_n3A_26 : i32
      %eq3A_32 = arith.constant 13 : i32
      %eq3A_33 = arith.cmpi eq, %select_n3A_31, %eq3A_32 : i32
      %select_n3A_34 = arith.constant 0 : i32
      %select_n3A_35 = arith.select %eq3A_33, %select_n3A_34, %select_n3A_31 : i32
      %add3A_36 = arith.addi %select_n3A_35, %mul3A_6 : i32
      "tpu.trace_start"() <{level = 10 : i32, message = "ep_initialize_0"}> : () -> ()
      %rem3A = arith.constant 0 : i32
      %rem3A_37 = arith.constant 2 : i32
      %rem3A_38 = arith.remui %rem3A, %rem3A_37 : i32
      %mul3A_39 = arith.constant 2 : i32
      %mul3A_40 = arith.muli %mul3A_39, %add3A_11 : i32
      %dma_start3A = arith.constant 0 : i32
      %dma_start3A_41 = arith.constant 0 : i32
      %dma_start3A_42 = tpu.memref_slice %run_scoped3A[%rem3A_38, %dma_start3A, %dma_start3A_41] : memref<2x2x128xi32, #tpu.memory_space<vmem>> -> memref<1x2x128xi32, #tpu.memory_space<vmem>>
      %dma_start3A_43 = tpu.memref_squeeze %dma_start3A_42 : memref<1x2x128xi32, #tpu.memory_space<vmem>> -> memref<2x128xi32, #tpu.memory_space<vmem>>
      %dma_start3A_44 = arith.constant 0 : i32
      %dma_start3A_45 = tpu.memref_slice %arg3[%mul3A_40, %dma_start3A_44] : memref<832x128xi32, #tpu.memory_space<hbm>> -> memref<2x128xi32, #tpu.memory_space<hbm>>
      %dma_start3A_46 = tpu.memref_slice %run_scoped3A_7[%rem3A_38] : memref<2x!tpu.dma_semaphore, #tpu.memory_space<semaphore_mem>> -> memref<1x!tpu.dma_semaphore, #tpu.memory_space<semaphore_mem>>
      %dma_start3A_47 = tpu.memref_squeeze %dma_start3A_46 : memref<1x!tpu.dma_semaphore, #tpu.memory_space<semaphore_mem>> -> memref<!tpu.dma_semaphore, #tpu.memory_space<semaphore_mem>>
      %dma_start3A_48 = arith.constant 0 : i32
      %dma_start3A_49 = arith.constant 0 : i32
      %dma_start3A_50 = tpu.memref_slice %run_scoped3A[%rem3A_38, %dma_start3A_48, %dma_start3A_49] : memref<2x2x128xi32, #tpu.memory_space<vmem>> -> memref<1x2x128xi32, #tpu.memory_space<vmem>>
      %dma_start3A_51 = tpu.memref_squeeze %dma_start3A_50 : memref<1x2x128xi32, #tpu.memory_space<vmem>> -> memref<2x128xi32, #tpu.memory_space<vmem>>
      %dma_start3A_52 = arith.constant 0 : i32
      %dma_start3A_53 = tpu.memref_slice %arg3[%mul3A_40, %dma_start3A_52] : memref<832x128xi32, #tpu.memory_space<hbm>> -> memref<2x128xi32, #tpu.memory_space<hbm>>
      tpu.enqueue_dma source(%dma_start3A_53 : memref<2x128xi32, #tpu.memory_space<hbm>>) target(%dma_start3A_51 : memref<2x128xi32, #tpu.memory_space<vmem>>) target_semaphore(%dma_start3A_47 : memref<!tpu.dma_semaphore, #tpu.memory_space<semaphore_mem>>)
      %add3A_54 = arith.constant 0 : i32
      %add3A_55 = arith.constant 1 : i32
      %add3A_56 = arith.addi %add3A_54, %add3A_55 : i32
      %select_n3A_57 = arith.constant true
      %select_n3A_58 = arith.constant 0 : i32
      %select_n3A_59 = arith.select %select_n3A_57, %add3A_56, %select_n3A_58 : i32
      "tpu.trace_stop"() : () -> ()
      %scan3A = arith.constant 0 : i32
      %scan3A_60 = arith.constant 0 : i32
      %scan3A_61 = arith.constant 0 : i32
      %scan3A_62 = arith.constant 0 : i32
      %scan3A_63 = arith.constant 0 : i32
      %scan3A_64 = arith.constant 13 : i32
      %scan3A_65 = arith.addi %scan3A_63, %scan3A_64 : i32
      %scan3A_66 = arith.constant 1 : i32
      %scan3A_67:5 = scf.for %scan3A_121 = %scan3A_63 to %scan3A_65 step %scan3A_66 iter_args(%scan3A_122 = %select_n3A_59, %scan3A_123 = %scan3A, %scan3A_124 = %scan3A_60, %scan3A_125 = %scan3A_61, %scan3A_126 = %scan3A_62) -> (i32, i32, i32, i32, i32)  : i32 {
        %eq3A_127 = arith.constant 0 : i32
        %eq3A_128 = arith.cmpi eq, %scan3A_121, %eq3A_127 : i32
        %eq3A_129 = arith.constant 12 : i32
        %eq3A_130 = arith.cmpi eq, %scan3A_121, %eq3A_129 : i32
        %add3A_131 = arith.addi %scan3A_126, %mul3A_6 : i32
        %sub3A_132 = arith.constant 1 : i32
        %sub3A_133 = arith.subi %scan3A_126, %sub3A_132 : i32
        %select_n3A_134 = arith.constant true
        %select_n3A_135 = arith.select %select_n3A_134, %sub3A_133, %scan3A_126 : i32
        %eq3A_136 = arith.constant -1 : i32
        %eq3A_137 = arith.cmpi eq, %select_n3A_135, %eq3A_136 : i32
        %select_n3A_138 = arith.constant 12 : i32
        %select_n3A_139 = arith.select %eq3A_137, %select_n3A_138, %select_n3A_135 : i32
        %add3A_140 = arith.addi %select_n3A_139, %mul3A_6 : i32
        %add3A_141 = arith.constant 1 : i32
        %add3A_142 = arith.addi %scan3A_126, %add3A_141 : i32
        %select_n3A_143 = arith.constant true
        %select_n3A_144 = arith.select %select_n3A_143, %add3A_142, %scan3A_126 : i32
        %eq3A_145 = arith.constant 13 : i32
        %eq3A_146 = arith.cmpi eq, %select_n3A_144, %eq3A_145 : i32
        %select_n3A_147 = arith.constant 0 : i32
        %select_n3A_148 = arith.select %eq3A_146, %select_n3A_147, %select_n3A_144 : i32
        %add3A_149 = arith.addi %select_n3A_148, %mul3A_6 : i32
        %add3A_150 = arith.constant 1 : i32
        %add3A_151 = arith.addi %select_n3A_148, %add3A_150 : i32
        %select_n3A_152 = arith.constant true
        %select_n3A_153 = arith.select %select_n3A_152, %add3A_151, %select_n3A_148 : i32
        %eq3A_154 = arith.constant 13 : i32
        %eq3A_155 = arith.cmpi eq, %select_n3A_153, %eq3A_154 : i32
        %select_n3A_156 = arith.constant 0 : i32
        %select_n3A_157 = arith.select %eq3A_155, %select_n3A_156, %select_n3A_153 : i32
        %add3A_158 = arith.addi %select_n3A_157, %mul3A_6 : i32
        %ne3A = arith.cmpi ne, %add3A_131, %add3A_149 : i32
        %or3A = arith.constant false
        %or3A_159 = arith.ori %or3A, %ne3A : i1
        %or3A_160 = arith.constant false
        %or3A_161 = arith.ori %or3A_159, %or3A_160 : i1
        %ge3A = arith.constant 12 : i32
        %ge3A_162 = arith.cmpi sge, %scan3A_121, %ge3A : i32
        %not3A = arith.constant true
        %not3A_163 = arith.xori %ge3A_162, %not3A : i1
        %and3A = arith.andi %or3A_161, %not3A_163 : i1
        %convert_element_type3A = arith.extui %and3A : i1 to i32
        %cond3A = arith.constant 0 : i32
        %cond3A_164 = arith.cmpi ne, %convert_element_type3A, %cond3A : i32
        scf.if %cond3A_164 {
          "tpu.trace_start"() <{level = 10 : i32, message = "ep_copy_in"}> : () -> ()
          %rem3A_345 = arith.constant 2 : i32
          %rem3A_346 = arith.remui %scan3A_122, %rem3A_345 : i32
          %mul3A_347 = arith.constant 2 : i32
          %mul3A_348 = arith.muli %mul3A_347, %add3A_149 : i32
          %dma_start3A_349 = arith.constant 0 : i32
          %dma_start3A_350 = arith.constant 0 : i32
          %dma_start3A_351 = tpu.memref_slice %run_scoped3A[%rem3A_346, %dma_start3A_349, %dma_start3A_350] : memref<2x2x128xi32, #tpu.memory_space<vmem>> -> memref<1x2x128xi32, #tpu.memory_space<vmem>>
          %dma_start3A_352 = tpu.memref_squeeze %dma_start3A_351 : memref<1x2x128xi32, #tpu.memory_space<vmem>> -> memref<2x128xi32, #tpu.memory_space<vmem>>
          %dma_start3A_353 = arith.constant 0 : i32
          %dma_start3A_354 = tpu.memref_slice %arg3[%mul3A_348, %dma_start3A_353] : memref<832x128xi32, #tpu.memory_space<hbm>> -> memref<2x128xi32, #tpu.memory_space<hbm>>
          %dma_start3A_355 = tpu.memref_slice %run_scoped3A_7[%rem3A_346] : memref<2x!tpu.dma_semaphore, #tpu.memory_space<semaphore_mem>> -> memref<1x!tpu.dma_semaphore, #tpu.memory_space<semaphore_mem>>
          %dma_start3A_356 = tpu.memref_squeeze %dma_start3A_355 : memref<1x!tpu.dma_semaphore, #tpu.memory_space<semaphore_mem>> -> memref<!tpu.dma_semaphore, #tpu.memory_space<semaphore_mem>>
          %dma_start3A_357 = arith.constant 0 : i32
          %dma_start3A_358 = arith.constant 0 : i32
          %dma_start3A_359 = tpu.memref_slice %run_scoped3A[%rem3A_346, %dma_start3A_357, %dma_start3A_358] : memref<2x2x128xi32, #tpu.memory_space<vmem>> -> memref<1x2x128xi32, #tpu.memory_space<vmem>>
          %dma_start3A_360 = tpu.memref_squeeze %dma_start3A_359 : memref<1x2x128xi32, #tpu.memory_space<vmem>> -> memref<2x128xi32, #tpu.memory_space<vmem>>
          %dma_start3A_361 = arith.constant 0 : i32
          %dma_start3A_362 = tpu.memref_slice %arg3[%mul3A_348, %dma_start3A_361] : memref<832x128xi32, #tpu.memory_space<hbm>> -> memref<2x128xi32, #tpu.memory_space<hbm>>
          tpu.enqueue_dma source(%dma_start3A_362 : memref<2x128xi32, #tpu.memory_space<hbm>>) target(%dma_start3A_360 : memref<2x128xi32, #tpu.memory_space<vmem>>) target_semaphore(%dma_start3A_356 : memref<!tpu.dma_semaphore, #tpu.memory_space<semaphore_mem>>)
          "tpu.trace_stop"() : () -> ()
        } else {
        }
        %and3A_165 = arith.constant true
        %and3A_166 = arith.andi %and3A, %and3A_165 : i1
        %add3A_167 = arith.constant 1 : i32
        %add3A_168 = arith.addi %scan3A_122, %add3A_167 : i32
        %select_n3A_169 = arith.select %and3A_166, %add3A_168, %scan3A_122 : i32
        %ne3A_170 = arith.cmpi ne, %add3A_131, %add3A_149 : i32
        %or3A_171 = arith.constant false
        %or3A_172 = arith.ori %or3A_171, %ne3A_170 : i1
        %or3A_173 = arith.constant false
        %or3A_174 = arith.ori %or3A_172, %or3A_173 : i1
        %ge3A_175 = arith.constant 12 : i32
        %ge3A_176 = arith.cmpi sge, %scan3A_121, %ge3A_175 : i32
        %not3A_177 = arith.constant true
        %not3A_178 = arith.xori %ge3A_176, %not3A_177 : i1
        %and3A_179 = arith.andi %or3A_174, %not3A_178 : i1
        %ne3A_180 = arith.cmpi ne, %add3A_131, %add3A_140 : i32
        %or3A_181 = arith.constant false
        %or3A_182 = arith.ori %or3A_181, %ne3A_180 : i1
        %or3A_183 = arith.constant false
        %or3A_184 = arith.ori %or3A_182, %or3A_183 : i1
        %or3A_185 = arith.ori %or3A_184, %eq3A_128 : i1
        %convert_element_type3A_186 = arith.extui %or3A_185 : i1 to i32
        %cond3A_187 = arith.constant 0 : i32
        %cond3A_188 = arith.cmpi ne, %convert_element_type3A_186, %cond3A_187 : i32
        scf.if %cond3A_188 {
          "tpu.trace_start"() <{level = 10 : i32, message = "ep_wait_in"}> : () -> ()
          %mul3A_345 = arith.constant 2 : i32
          %mul3A_346 = arith.muli %mul3A_345, %add3A_131 : i32
          %rem3A_347 = arith.constant 2 : i32
          %rem3A_348 = arith.remui %scan3A_123, %rem3A_347 : i32
          %dma_wait3A_349 = arith.constant 0 : i32
          %dma_wait3A_350 = arith.constant 0 : i32
          %dma_wait3A_351 = tpu.memref_slice %run_scoped3A[%rem3A_348, %dma_wait3A_349, %dma_wait3A_350] : memref<2x2x128xi32, #tpu.memory_space<vmem>> -> memref<1x2x128xi32, #tpu.memory_space<vmem>>
          %dma_wait3A_352 = tpu.memref_squeeze %dma_wait3A_351 : memref<1x2x128xi32, #tpu.memory_space<vmem>> -> memref<2x128xi32, #tpu.memory_space<vmem>>
          %dma_wait3A_353 = arith.constant 0 : i32
          %dma_wait3A_354 = tpu.memref_slice %arg3[%mul3A_346, %dma_wait3A_353] : memref<832x128xi32, #tpu.memory_space<hbm>> -> memref<2x128xi32, #tpu.memory_space<hbm>>
          %dma_wait3A_355 = tpu.memref_slice %run_scoped3A_7[%rem3A_348] : memref<2x!tpu.dma_semaphore, #tpu.memory_space<semaphore_mem>> -> memref<1x!tpu.dma_semaphore, #tpu.memory_space<semaphore_mem>>
          %dma_wait3A_356 = tpu.memref_squeeze %dma_wait3A_355 : memref<1x!tpu.dma_semaphore, #tpu.memory_space<semaphore_mem>> -> memref<!tpu.dma_semaphore, #tpu.memory_space<semaphore_mem>>
          %dma_wait3A_357 = arith.constant 0 : i32
          %dma_wait3A_358 = arith.constant 0 : i32
          %dma_wait3A_359 = tpu.memref_slice %run_scoped3A[%rem3A_348, %dma_wait3A_357, %dma_wait3A_358] : memref<2x2x128xi32, #tpu.memory_space<vmem>> -> memref<1x2x128xi32, #tpu.memory_space<vmem>>
          %dma_wait3A_360 = tpu.memref_squeeze %dma_wait3A_359 : memref<1x2x128xi32, #tpu.memory_space<vmem>> -> memref<2x128xi32, #tpu.memory_space<vmem>>
          %dma_wait3A_361 = arith.constant 0 : i32
          %dma_wait3A_362 = tpu.memref_slice %arg3[%mul3A_346, %dma_wait3A_361] : memref<832x128xi32, #tpu.memory_space<hbm>> -> memref<2x128xi32, #tpu.memory_space<hbm>>
          tpu.wait_dma2 semaphore(%dma_wait3A_356 : memref<!tpu.dma_semaphore, #tpu.memory_space<semaphore_mem>>) src(%dma_wait3A_362 : memref<2x128xi32, #tpu.memory_space<hbm>>) dst(%dma_wait3A_360 : memref<2x128xi32, #tpu.memory_space<vmem>>)
          "tpu.trace_stop"() : () -> ()
        } else {
        }
        %ne3A_189 = arith.cmpi ne, %add3A_131, %add3A_140 : i32
        %or3A_190 = arith.constant false
        %or3A_191 = arith.ori %or3A_190, %ne3A_189 : i1
        %or3A_192 = arith.constant false
        %or3A_193 = arith.ori %or3A_191, %or3A_192 : i1
        %or3A_194 = arith.ori %or3A_193, %eq3A_128 : i1
        %convert_element_type3A_195 = arith.extui %or3A_194 : i1 to i32
        %cond3A_196 = arith.constant 0 : i32
        %cond3A_197 = arith.cmpi ne, %convert_element_type3A_195, %cond3A_196 : i32
        scf.if %cond3A_197 {
        } else {
        }
        %rem3A_198 = arith.constant 2 : i32
        %rem3A_199 = arith.remui %scan3A_123, %rem3A_198 : i32
        %rem3A_200 = arith.constant 2 : i32
        %rem3A_201 = arith.remui %scan3A_124, %rem3A_200 : i32
        %dma_start3A_202 = arith.constant 0 : i32
        "tpu.trace_start"() <{level = 10 : i32, message = "ep_run_kernel"}> : () -> ()
        %dma_start3A_203 = arith.constant 0 : i32
        %dma_start3A_204 = arith.constant 0 : i32
        %dma_start3A_205 = tpu.memref_slice %run_scoped3A_8[%rem3A_201, %dma_start3A_203, %dma_start3A_204] : memref<2x256x64xf32, #tpu.memory_space<vmem>> -> memref<1x256x64xf32, #tpu.memory_space<vmem>>
        %dma_start3A_206 = tpu.memref_squeeze %dma_start3A_205 : memref<1x256x64xf32, #tpu.memory_space<vmem>> -> memref<256x64xf32, #tpu.memory_space<vmem>>
        %dma_start3A_207 = arith.constant 0 : i32
        %dma_start3A_208 = arith.constant 0 : i32
        %dma_start3A_209 = tpu.memref_slice %dma_start3A_206[%dma_start3A_207, %dma_start3A_208] : memref<256x64xf32, #tpu.memory_space<vmem>> -> memref<128x64xf32, #tpu.memory_space<vmem>>
        %dma_start3A_210 = arith.constant 0 : i32
        %dma_start3A_211 = arith.constant 0 : i32
        %dma_start3A_212 = tpu.memref_slice %run_scoped3A[%rem3A_199, %dma_start3A_210, %dma_start3A_211] : memref<2x2x128xi32, #tpu.memory_space<vmem>> -> memref<1x2x128xi32, #tpu.memory_space<vmem>>
        %dma_start3A_213 = tpu.memref_squeeze %dma_start3A_212 : memref<1x2x128xi32, #tpu.memory_space<vmem>> -> memref<2x128xi32, #tpu.memory_space<vmem>>
        %dma_start3A_214 = arith.constant 0 : i32
        %dma_start3A_215 = tpu.memref_slice %dma_start3A_213[%dma_start3A_202, %dma_start3A_214] : memref<2x128xi32, #tpu.memory_space<vmem>> -> memref<1x128xi32, #tpu.memory_space<vmem>>
        %dma_start3A_216 = tpu.memref_squeeze %dma_start3A_215 : memref<1x128xi32, #tpu.memory_space<vmem>> -> memref<128xi32, #tpu.memory_space<vmem>>
        %dma_start3A_217 = arith.constant 0 : i32
        %dma_start3A_218 = arith.constant 0 : i32
        %dma_start3A_219 = tpu.memref_slice %arg2[%dma_start3A_217, %dma_start3A_218] : memref<26000x64xf32, #tpu.memory_space<hbm>> -> memref<26000x64xf32, #tpu.memory_space<hbm>>
        tpu.enqueue_indirect_dma source(%dma_start3A_219 : memref<26000x64xf32, #tpu.memory_space<hbm>>) target(%dma_start3A_209 : memref<128x64xf32, #tpu.memory_space<vmem>>) offsets(%dma_start3A_216 : memref<128xi32, #tpu.memory_space<vmem>>) semaphore(%arg5 : memref<!tpu.dma_semaphore, #tpu.memory_space<semaphore_mem>>)
        %dma_start3A_220 = arith.constant 1 : i32
        %dma_start3A_221 = arith.constant 0 : i32
        %dma_start3A_222 = arith.constant 0 : i32
        %dma_start3A_223 = tpu.memref_slice %run_scoped3A_8[%rem3A_201, %dma_start3A_221, %dma_start3A_222] : memref<2x256x64xf32, #tpu.memory_space<vmem>> -> memref<1x256x64xf32, #tpu.memory_space<vmem>>
        %dma_start3A_224 = tpu.memref_squeeze %dma_start3A_223 : memref<1x256x64xf32, #tpu.memory_space<vmem>> -> memref<256x64xf32, #tpu.memory_space<vmem>>
        %dma_start3A_225 = arith.constant 128 : i32
        %dma_start3A_226 = arith.constant 0 : i32
        %dma_start3A_227 = tpu.memref_slice %dma_start3A_224[%dma_start3A_225, %dma_start3A_226] : memref<256x64xf32, #tpu.memory_space<vmem>> -> memref<128x64xf32, #tpu.memory_space<vmem>>
        %dma_start3A_228 = arith.constant 0 : i32
        %dma_start3A_229 = arith.constant 0 : i32
        %dma_start3A_230 = tpu.memref_slice %run_scoped3A[%rem3A_199, %dma_start3A_228, %dma_start3A_229] : memref<2x2x128xi32, #tpu.memory_space<vmem>> -> memref<1x2x128xi32, #tpu.memory_space<vmem>>
        %dma_start3A_231 = tpu.memref_squeeze %dma_start3A_230 : memref<1x2x128xi32, #tpu.memory_space<vmem>> -> memref<2x128xi32, #tpu.memory_space<vmem>>
        %dma_start3A_232 = arith.constant 0 : i32
        %dma_start3A_233 = tpu.memref_slice %dma_start3A_231[%dma_start3A_220, %dma_start3A_232] : memref<2x128xi32, #tpu.memory_space<vmem>> -> memref<1x128xi32, #tpu.memory_space<vmem>>
        %dma_start3A_234 = tpu.memref_squeeze %dma_start3A_233 : memref<1x128xi32, #tpu.memory_space<vmem>> -> memref<128xi32, #tpu.memory_space<vmem>>
        %dma_start3A_235 = arith.constant 0 : i32
        %dma_start3A_236 = arith.constant 0 : i32
        %dma_start3A_237 = tpu.memref_slice %arg2[%dma_start3A_235, %dma_start3A_236] : memref<26000x64xf32, #tpu.memory_space<hbm>> -> memref<26000x64xf32, #tpu.memory_space<hbm>>
        tpu.enqueue_indirect_dma source(%dma_start3A_237 : memref<26000x64xf32, #tpu.memory_space<hbm>>) target(%dma_start3A_227 : memref<128x64xf32, #tpu.memory_space<vmem>>) offsets(%dma_start3A_234 : memref<128xi32, #tpu.memory_space<vmem>>) semaphore(%arg5 : memref<!tpu.dma_semaphore, #tpu.memory_space<semaphore_mem>>)
        %dma_wait3A_238 = arith.constant 0 : i32
        %dma_wait3A_239 = arith.constant 0 : i32
        %dma_wait3A_240 = arith.constant 0 : i32
        %dma_wait3A_241 = tpu.memref_slice %run_scoped3A_8[%rem3A_201, %dma_wait3A_239, %dma_wait3A_240] : memref<2x256x64xf32, #tpu.memory_space<vmem>> -> memref<1x256x64xf32, #tpu.memory_space<vmem>>
        %dma_wait3A_242 = tpu.memref_squeeze %dma_wait3A_241 : memref<1x256x64xf32, #tpu.memory_space<vmem>> -> memref<256x64xf32, #tpu.memory_space<vmem>>
        %dma_wait3A_243 = arith.constant 0 : i32
        %dma_wait3A_244 = arith.constant 0 : i32
        %dma_wait3A_245 = tpu.memref_slice %dma_wait3A_242[%dma_wait3A_243, %dma_wait3A_244] : memref<256x64xf32, #tpu.memory_space<vmem>> -> memref<128x64xf32, #tpu.memory_space<vmem>>
        %dma_wait3A_246 = arith.constant 0 : i32
        %dma_wait3A_247 = arith.constant 0 : i32
        %dma_wait3A_248 = tpu.memref_slice %run_scoped3A[%rem3A_199, %dma_wait3A_246, %dma_wait3A_247] : memref<2x2x128xi32, #tpu.memory_space<vmem>> -> memref<1x2x128xi32, #tpu.memory_space<vmem>>
        %dma_wait3A_249 = tpu.memref_squeeze %dma_wait3A_248 : memref<1x2x128xi32, #tpu.memory_space<vmem>> -> memref<2x128xi32, #tpu.memory_space<vmem>>
        %dma_wait3A_250 = arith.constant 0 : i32
        %dma_wait3A_251 = tpu.memref_slice %dma_wait3A_249[%dma_wait3A_238, %dma_wait3A_250] : memref<2x128xi32, #tpu.memory_space<vmem>> -> memref<1x128xi32, #tpu.memory_space<vmem>>
        %dma_wait3A_252 = tpu.memref_squeeze %dma_wait3A_251 : memref<1x128xi32, #tpu.memory_space<vmem>> -> memref<128xi32, #tpu.memory_space<vmem>>
        %dma_wait3A_253 = arith.constant 0 : i32
        %dma_wait3A_254 = arith.constant 0 : i32
        %dma_wait3A_255 = tpu.memref_slice %arg2[%dma_wait3A_253, %dma_wait3A_254] : memref<26000x64xf32, #tpu.memory_space<hbm>> -> memref<26000x64xf32, #tpu.memory_space<hbm>>
        tpu.wait_indirect_dma semaphore(%arg5 : memref<!tpu.dma_semaphore, #tpu.memory_space<semaphore_mem>>) src(%dma_wait3A_255 : memref<26000x64xf32, #tpu.memory_space<hbm>>) dst(%dma_wait3A_245 : memref<128x64xf32, #tpu.memory_space<vmem>>)
        %dma_wait3A_256 = arith.constant 1 : i32
        %dma_wait3A_257 = arith.constant 0 : i32
        %dma_wait3A_258 = arith.constant 0 : i32
        %dma_wait3A_259 = tpu.memref_slice %run_scoped3A_8[%rem3A_201, %dma_wait3A_257, %dma_wait3A_258] : memref<2x256x64xf32, #tpu.memory_space<vmem>> -> memref<1x256x64xf32, #tpu.memory_space<vmem>>
        %dma_wait3A_260 = tpu.memref_squeeze %dma_wait3A_259 : memref<1x256x64xf32, #tpu.memory_space<vmem>> -> memref<256x64xf32, #tpu.memory_space<vmem>>
        %dma_wait3A_261 = arith.constant 128 : i32
        %dma_wait3A_262 = arith.constant 0 : i32
        %dma_wait3A_263 = tpu.memref_slice %dma_wait3A_260[%dma_wait3A_261, %dma_wait3A_262] : memref<256x64xf32, #tpu.memory_space<vmem>> -> memref<128x64xf32, #tpu.memory_space<vmem>>
        %dma_wait3A_264 = arith.constant 0 : i32
        %dma_wait3A_265 = arith.constant 0 : i32
        %dma_wait3A_266 = tpu.memref_slice %run_scoped3A[%rem3A_199, %dma_wait3A_264, %dma_wait3A_265] : memref<2x2x128xi32, #tpu.memory_space<vmem>> -> memref<1x2x128xi32, #tpu.memory_space<vmem>>
        %dma_wait3A_267 = tpu.memref_squeeze %dma_wait3A_266 : memref<1x2x128xi32, #tpu.memory_space<vmem>> -> memref<2x128xi32, #tpu.memory_space<vmem>>
        %dma_wait3A_268 = arith.constant 0 : i32
        %dma_wait3A_269 = tpu.memref_slice %dma_wait3A_267[%dma_wait3A_256, %dma_wait3A_268] : memref<2x128xi32, #tpu.memory_space<vmem>> -> memref<1x128xi32, #tpu.memory_space<vmem>>
        %dma_wait3A_270 = tpu.memref_squeeze %dma_wait3A_269 : memref<1x128xi32, #tpu.memory_space<vmem>> -> memref<128xi32, #tpu.memory_space<vmem>>
        %dma_wait3A_271 = arith.constant 0 : i32
        %dma_wait3A_272 = arith.constant 0 : i32
        %dma_wait3A_273 = tpu.memref_slice %arg2[%dma_wait3A_271, %dma_wait3A_272] : memref<26000x64xf32, #tpu.memory_space<hbm>> -> memref<26000x64xf32, #tpu.memory_space<hbm>>
        tpu.wait_indirect_dma semaphore(%arg5 : memref<!tpu.dma_semaphore, #tpu.memory_space<semaphore_mem>>) src(%dma_wait3A_273 : memref<26000x64xf32, #tpu.memory_space<hbm>>) dst(%dma_wait3A_263 : memref<128x64xf32, #tpu.memory_space<vmem>>)
        "tpu.trace_stop"() : () -> ()
        %ne3A_274 = arith.cmpi ne, %add3A_131, %add3A_149 : i32
        %or3A_275 = arith.constant false
        %or3A_276 = arith.ori %or3A_275, %ne3A_274 : i1
        %or3A_277 = arith.constant false
        %or3A_278 = arith.ori %or3A_276, %or3A_277 : i1
        %or3A_279 = arith.ori %or3A_278, %eq3A_130 : i1
        %convert_element_type3A_280 = arith.extui %or3A_279 : i1 to i32
        %cond3A_281 = arith.constant 0 : i32
        %cond3A_282 = arith.cmpi ne, %convert_element_type3A_280, %cond3A_281 : i32
        scf.if %cond3A_282 {
        } else {
        }
        %and3A_283 = arith.constant false
        %and3A_284 = arith.andi %or3A_279, %and3A_283 : i1
        %ne3A_285 = arith.cmpi ne, %add3A_131, %add3A_149 : i32
        %or3A_286 = arith.constant false
        %or3A_287 = arith.ori %or3A_286, %ne3A_285 : i1
        %or3A_288 = arith.constant false
        %or3A_289 = arith.ori %or3A_287, %or3A_288 : i1
        %or3A_290 = arith.ori %or3A_289, %eq3A_130 : i1
        %convert_element_type3A_291 = arith.extui %or3A_290 : i1 to i32
        %cond3A_292 = arith.constant 0 : i32
        %cond3A_293 = arith.cmpi ne, %convert_element_type3A_291, %cond3A_292 : i32
        scf.if %cond3A_293 {
          "tpu.trace_start"() <{level = 10 : i32, message = "ep_copy_out"}> : () -> ()
          %rem3A_345 = arith.constant 2 : i32
          %rem3A_346 = arith.remui %scan3A_124, %rem3A_345 : i32
          %mul3A_347 = arith.constant 256 : i32
          %mul3A_348 = arith.muli %mul3A_347, %add3A_131 : i32
          %dma_start3A_349 = arith.constant 0 : i32
          %dma_start3A_350 = arith.constant 0 : i32
          %dma_start3A_351 = tpu.memref_slice %run_scoped3A_8[%rem3A_346, %dma_start3A_349, %dma_start3A_350] : memref<2x256x64xf32, #tpu.memory_space<vmem>> -> memref<1x256x64xf32, #tpu.memory_space<vmem>>
          %dma_start3A_352 = tpu.memref_squeeze %dma_start3A_351 : memref<1x256x64xf32, #tpu.memory_space<vmem>> -> memref<256x64xf32, #tpu.memory_space<vmem>>
          %dma_start3A_353 = arith.constant 0 : i32
          %dma_start3A_354 = tpu.memref_slice %arg4[%mul3A_348, %dma_start3A_353] : memref<106496x64xf32, #tpu.memory_space<hbm>> -> memref<256x64xf32, #tpu.memory_space<hbm>>
          %dma_start3A_355 = tpu.memref_slice %run_scoped3A_9[%rem3A_346] : memref<2x!tpu.dma_semaphore, #tpu.memory_space<semaphore_mem>> -> memref<1x!tpu.dma_semaphore, #tpu.memory_space<semaphore_mem>>
          %dma_start3A_356 = tpu.memref_squeeze %dma_start3A_355 : memref<1x!tpu.dma_semaphore, #tpu.memory_space<semaphore_mem>> -> memref<!tpu.dma_semaphore, #tpu.memory_space<semaphore_mem>>
          %dma_start3A_357 = arith.constant 0 : i32
          %dma_start3A_358 = tpu.memref_slice %arg4[%mul3A_348, %dma_start3A_357] : memref<106496x64xf32, #tpu.memory_space<hbm>> -> memref<256x64xf32, #tpu.memory_space<hbm>>
          %dma_start3A_359 = arith.constant 0 : i32
          %dma_start3A_360 = arith.constant 0 : i32
          %dma_start3A_361 = tpu.memref_slice %run_scoped3A_8[%rem3A_346, %dma_start3A_359, %dma_start3A_360] : memref<2x256x64xf32, #tpu.memory_space<vmem>> -> memref<1x256x64xf32, #tpu.memory_space<vmem>>
          %dma_start3A_362 = tpu.memref_squeeze %dma_start3A_361 : memref<1x256x64xf32, #tpu.memory_space<vmem>> -> memref<256x64xf32, #tpu.memory_space<vmem>>
          tpu.enqueue_dma source(%dma_start3A_362 : memref<256x64xf32, #tpu.memory_space<vmem>>) target(%dma_start3A_358 : memref<256x64xf32, #tpu.memory_space<hbm>>) target_semaphore(%dma_start3A_356 : memref<!tpu.dma_semaphore, #tpu.memory_space<semaphore_mem>>)
          "tpu.trace_stop"() : () -> ()
        } else {
        }
        %and3A_294 = arith.constant true
        %and3A_295 = arith.andi %or3A_290, %and3A_294 : i1
        %add3A_296 = arith.constant 1 : i32
        %add3A_297 = arith.addi %scan3A_124, %add3A_296 : i32
        %select_n3A_298 = arith.select %and3A_295, %add3A_297, %scan3A_124 : i32
        %ne3A_299 = arith.cmpi ne, %add3A_131, %add3A_140 : i32
        %or3A_300 = arith.constant false
        %or3A_301 = arith.ori %or3A_300, %ne3A_299 : i1
        %or3A_302 = arith.constant false
        %or3A_303 = arith.ori %or3A_301, %or3A_302 : i1
        %not3A_304 = arith.constant true
        %not3A_305 = arith.xori %eq3A_128, %not3A_304 : i1
        %and3A_306 = arith.andi %or3A_303, %not3A_305 : i1
        %convert_element_type3A_307 = arith.extui %and3A_306 : i1 to i32
        %cond3A_308 = arith.constant 0 : i32
        %cond3A_309 = arith.cmpi ne, %convert_element_type3A_307, %cond3A_308 : i32
        scf.if %cond3A_309 {
        } else {
        }
        %and3A_310 = arith.constant false
        %and3A_311 = arith.andi %and3A_306, %and3A_310 : i1
        %ne3A_312 = arith.cmpi ne, %add3A_131, %add3A_140 : i32
        %or3A_313 = arith.constant false
        %or3A_314 = arith.ori %or3A_313, %ne3A_312 : i1
        %or3A_315 = arith.constant false
        %or3A_316 = arith.ori %or3A_314, %or3A_315 : i1
        %not3A_317 = arith.constant true
        %not3A_318 = arith.xori %eq3A_128, %not3A_317 : i1
        %and3A_319 = arith.andi %or3A_316, %not3A_318 : i1
        %convert_element_type3A_320 = arith.extui %and3A_319 : i1 to i32
        %cond3A_321 = arith.constant 0 : i32
        %cond3A_322 = arith.cmpi ne, %convert_element_type3A_320, %cond3A_321 : i32
        scf.if %cond3A_322 {
          "tpu.trace_start"() <{level = 10 : i32, message = "ep_wait_out"}> : () -> ()
          %rem3A_345 = arith.constant 2 : i32
          %rem3A_346 = arith.remui %scan3A_125, %rem3A_345 : i32
          %mul3A_347 = arith.constant 256 : i32
          %mul3A_348 = arith.muli %mul3A_347, %add3A_140 : i32
          %dma_wait3A_349 = arith.constant 0 : i32
          %dma_wait3A_350 = arith.constant 0 : i32
          %dma_wait3A_351 = tpu.memref_slice %run_scoped3A_8[%rem3A_346, %dma_wait3A_349, %dma_wait3A_350] : memref<2x256x64xf32, #tpu.memory_space<vmem>> -> memref<1x256x64xf32, #tpu.memory_space<vmem>>
          %dma_wait3A_352 = tpu.memref_squeeze %dma_wait3A_351 : memref<1x256x64xf32, #tpu.memory_space<vmem>> -> memref<256x64xf32, #tpu.memory_space<vmem>>
          %dma_wait3A_353 = arith.constant 0 : i32
          %dma_wait3A_354 = tpu.memref_slice %arg4[%mul3A_348, %dma_wait3A_353] : memref<106496x64xf32, #tpu.memory_space<hbm>> -> memref<256x64xf32, #tpu.memory_space<hbm>>
          %dma_wait3A_355 = tpu.memref_slice %run_scoped3A_9[%rem3A_346] : memref<2x!tpu.dma_semaphore, #tpu.memory_space<semaphore_mem>> -> memref<1x!tpu.dma_semaphore, #tpu.memory_space<semaphore_mem>>
          %dma_wait3A_356 = tpu.memref_squeeze %dma_wait3A_355 : memref<1x!tpu.dma_semaphore, #tpu.memory_space<semaphore_mem>> -> memref<!tpu.dma_semaphore, #tpu.memory_space<semaphore_mem>>
          %dma_wait3A_357 = arith.constant 0 : i32
          %dma_wait3A_358 = tpu.memref_slice %arg4[%mul3A_348, %dma_wait3A_357] : memref<106496x64xf32, #tpu.memory_space<hbm>> -> memref<256x64xf32, #tpu.memory_space<hbm>>
          %dma_wait3A_359 = arith.constant 0 : i32
          %dma_wait3A_360 = arith.constant 0 : i32
          %dma_wait3A_361 = tpu.memref_slice %run_scoped3A_8[%rem3A_346, %dma_wait3A_359, %dma_wait3A_360] : memref<2x256x64xf32, #tpu.memory_space<vmem>> -> memref<1x256x64xf32, #tpu.memory_space<vmem>>
          %dma_wait3A_362 = tpu.memref_squeeze %dma_wait3A_361 : memref<1x256x64xf32, #tpu.memory_space<vmem>> -> memref<256x64xf32, #tpu.memory_space<vmem>>
          tpu.wait_dma2 semaphore(%dma_wait3A_356 : memref<!tpu.dma_semaphore, #tpu.memory_space<semaphore_mem>>) src(%dma_wait3A_362 : memref<256x64xf32, #tpu.memory_space<vmem>>) dst(%dma_wait3A_358 : memref<256x64xf32, #tpu.memory_space<hbm>>)
          "tpu.trace_stop"() : () -> ()
        } else {
        }
        %and3A_323 = arith.constant true
        %and3A_324 = arith.andi %and3A_319, %and3A_323 : i1
        %add3A_325 = arith.constant 1 : i32
        %add3A_326 = arith.addi %scan3A_125, %add3A_325 : i32
        %select_n3A_327 = arith.select %and3A_324, %add3A_326, %scan3A_125 : i32
        %ne3A_328 = arith.cmpi ne, %add3A_131, %add3A_149 : i32
        %or3A_329 = arith.constant false
        %or3A_330 = arith.ori %or3A_329, %ne3A_328 : i1
        %or3A_331 = arith.constant false
        %or3A_332 = arith.ori %or3A_330, %or3A_331 : i1
        %or3A_333 = arith.ori %or3A_332, %eq3A_130 : i1
        %add3A_334 = arith.constant 1 : i32
        %add3A_335 = arith.addi %scan3A_123, %add3A_334 : i32
        %select_n3A_336 = arith.select %or3A_333, %add3A_335, %scan3A_123 : i32
        %add3A_337 = arith.constant 1 : i32
        %add3A_338 = arith.addi %scan3A_126, %add3A_337 : i32
        %select_n3A_339 = arith.constant true
        %select_n3A_340 = arith.select %select_n3A_339, %add3A_338, %scan3A_126 : i32
        %eq3A_341 = arith.constant 13 : i32
        %eq3A_342 = arith.cmpi eq, %select_n3A_340, %eq3A_341 : i32
        %select_n3A_343 = arith.constant 0 : i32
        %select_n3A_344 = arith.select %eq3A_342, %select_n3A_343, %select_n3A_340 : i32
        scf.yield %select_n3A_169, %select_n3A_336, %select_n3A_298, %select_n3A_327, %select_n3A_344 : i32, i32, i32, i32, i32
      }
      %scan3A_68 = arith.constant 13 : i32
      %sub3A = arith.constant 1 : i32
      %sub3A_69 = arith.subi %scan3A_67#4, %sub3A : i32
      %select_n3A_70 = arith.constant true
      %select_n3A_71 = arith.select %select_n3A_70, %sub3A_69, %scan3A_67#4 : i32
      %eq3A_72 = arith.constant -1 : i32
      %eq3A_73 = arith.cmpi eq, %select_n3A_71, %eq3A_72 : i32
      %select_n3A_74 = arith.constant 12 : i32
      %select_n3A_75 = arith.select %eq3A_73, %select_n3A_74, %select_n3A_71 : i32
      %add3A_76 = arith.addi %select_n3A_75, %mul3A_6 : i32
      %sub3A_77 = arith.constant 1 : i32
      %sub3A_78 = arith.subi %select_n3A_75, %sub3A_77 : i32
      %select_n3A_79 = arith.constant true
      %select_n3A_80 = arith.select %select_n3A_79, %sub3A_78, %select_n3A_75 : i32
      %eq3A_81 = arith.constant -1 : i32
      %eq3A_82 = arith.cmpi eq, %select_n3A_80, %eq3A_81 : i32
      %select_n3A_83 = arith.constant 12 : i32
      %select_n3A_84 = arith.select %eq3A_82, %select_n3A_83, %select_n3A_80 : i32
      %add3A_85 = arith.addi %select_n3A_84, %mul3A_6 : i32
      %add3A_86 = arith.constant 1 : i32
      %add3A_87 = arith.addi %select_n3A_75, %add3A_86 : i32
      %select_n3A_88 = arith.constant true
      %select_n3A_89 = arith.select %select_n3A_88, %add3A_87, %select_n3A_75 : i32
      %eq3A_90 = arith.constant 13 : i32
      %eq3A_91 = arith.cmpi eq, %select_n3A_89, %eq3A_90 : i32
      %select_n3A_92 = arith.constant 0 : i32
      %select_n3A_93 = arith.select %eq3A_91, %select_n3A_92, %select_n3A_89 : i32
      %add3A_94 = arith.addi %select_n3A_93, %mul3A_6 : i32
      %add3A_95 = arith.constant 1 : i32
      %add3A_96 = arith.addi %select_n3A_93, %add3A_95 : i32
      %select_n3A_97 = arith.constant true
      %select_n3A_98 = arith.select %select_n3A_97, %add3A_96, %select_n3A_93 : i32
      %eq3A_99 = arith.constant 13 : i32
      %eq3A_100 = arith.cmpi eq, %select_n3A_98, %eq3A_99 : i32
      %select_n3A_101 = arith.constant 0 : i32
      %select_n3A_102 = arith.select %eq3A_100, %select_n3A_101, %select_n3A_98 : i32
      %add3A_103 = arith.addi %select_n3A_102, %mul3A_6 : i32
      "tpu.trace_start"() <{level = 10 : i32, message = "ep_finalize"}> : () -> ()
      %rem3A_104 = arith.constant 2 : i32
      %rem3A_105 = arith.remui %scan3A_67#3, %rem3A_104 : i32
      %mul3A_106 = arith.constant 256 : i32
      %mul3A_107 = arith.muli %mul3A_106, %add3A_76 : i32
      %dma_wait3A = arith.constant 0 : i32
      %dma_wait3A_108 = arith.constant 0 : i32
      %dma_wait3A_109 = tpu.memref_slice %run_scoped3A_8[%rem3A_105, %dma_wait3A, %dma_wait3A_108] : memref<2x256x64xf32, #tpu.memory_space<vmem>> -> memref<1x256x64xf32, #tpu.memory_space<vmem>>
      %dma_wait3A_110 = tpu.memref_squeeze %dma_wait3A_109 : memref<1x256x64xf32, #tpu.memory_space<vmem>> -> memref<256x64xf32, #tpu.memory_space<vmem>>
      %dma_wait3A_111 = arith.constant 0 : i32
      %dma_wait3A_112 = tpu.memref_slice %arg4[%mul3A_107, %dma_wait3A_111] : memref<106496x64xf32, #tpu.memory_space<hbm>> -> memref<256x64xf32, #tpu.memory_space<hbm>>
      %dma_wait3A_113 = tpu.memref_slice %run_scoped3A_9[%rem3A_105] : memref<2x!tpu.dma_semaphore, #tpu.memory_space<semaphore_mem>> -> memref<1x!tpu.dma_semaphore, #tpu.memory_space<semaphore_mem>>
      %dma_wait3A_114 = tpu.memref_squeeze %dma_wait3A_113 : memref<1x!tpu.dma_semaphore, #tpu.memory_space<semaphore_mem>> -> memref<!tpu.dma_semaphore, #tpu.memory_space<semaphore_mem>>
      %dma_wait3A_115 = arith.constant 0 : i32
      %dma_wait3A_116 = tpu.memref_slice %arg4[%mul3A_107, %dma_wait3A_115] : memref<106496x64xf32, #tpu.memory_space<hbm>> -> memref<256x64xf32, #tpu.memory_space<hbm>>
      %dma_wait3A_117 = arith.constant 0 : i32
      %dma_wait3A_118 = arith.constant 0 : i32
      %dma_wait3A_119 = tpu.memref_slice %run_scoped3A_8[%rem3A_105, %dma_wait3A_117, %dma_wait3A_118] : memref<2x256x64xf32, #tpu.memory_space<vmem>> -> memref<1x256x64xf32, #tpu.memory_space<vmem>>
      %dma_wait3A_120 = tpu.memref_squeeze %dma_wait3A_119 : memref<1x256x64xf32, #tpu.memory_space<vmem>> -> memref<256x64xf32, #tpu.memory_space<vmem>>
      tpu.wait_dma2 semaphore(%dma_wait3A_114 : memref<!tpu.dma_semaphore, #tpu.memory_space<semaphore_mem>>) src(%dma_wait3A_120 : memref<256x64xf32, #tpu.memory_space<vmem>>) dst(%dma_wait3A_116 : memref<256x64xf32, #tpu.memory_space<hbm>>)
      "tpu.trace_stop"() : () -> ()
      tpu.yield
    }) : () -> ()
    return
  }
}

#map = affine_map<(d0, d1) -> (0, 0)>
module attributes {stable_mosaic.version = 14 : i64} {
  func.func @k(%arg0: i32, %arg1: i32, %arg2: memref<1000000x64xf32, #tpu.memory_space<hbm>>, %arg3: memref<6400x128xi32, #tpu.memory_space<hbm>>, %arg4: memref<819200x64xf32, #tpu.memory_space<hbm>>, %arg5: memref<!tpu.dma_semaphore, #tpu.memory_space<semaphore_mem>>) attributes {dimension_semantics = [#tpu.dimension_semantics<core_parallel>, #tpu.dimension_semantics<subcore_parallel>], iteration_bounds = array<i64: 2, 16>, scalar_prefetch = 0 : i64, scratch_operands = 1 : i64, tpu.core_type = #tpu.core_type<sc_vector_subcore>, window_params = [{transform_indices = #map}, {transform_indices = #map}, {transform_indices = #map}]} {
    %mul3A = arith.constant 1 : i32
    %mul3A_0 = arith.muli %arg1, %mul3A : i32
    %add3A = arith.constant 0 : i32
    %add3A_1 = arith.addi %add3A, %mul3A_0 : i32
    %mul3A_2 = arith.constant 16 : i32
    %mul3A_3 = arith.muli %arg0, %mul3A_2 : i32
    %add3A_4 = arith.addi %add3A_1, %mul3A_3 : i32
    %mul3A_5 = arith.constant 100 : i32
    %mul3A_6 = arith.muli %add3A_4, %mul3A_5 : i32
    "tpu.region"() ({
      %run_scoped3A = memref.alloca() : memref<2x2x128xi32, #tpu.memory_space<vmem>>
      %run_scoped3A_7 = tpu.sem_alloc : memref<2x!tpu.dma_semaphore, #tpu.memory_space<semaphore_mem>>
      %run_scoped3A_8 = memref.alloca() : memref<2x256x64xf32, #tpu.memory_space<vmem>>
      %run_scoped3A_9 = tpu.sem_alloc : memref<2x!tpu.dma_semaphore, #tpu.memory_space<semaphore_mem>>
      %add3A_10 = arith.constant 0 : i32
      %add3A_11 = arith.addi %add3A_10, %mul3A_6 : i32
      %select_n3A = arith.constant true
      %select_n3A_12 = arith.constant 0 : i32
      %select_n3A_13 = arith.constant -1 : i32
      %select_n3A_14 = arith.select %select_n3A, %select_n3A_13, %select_n3A_12 : i32
      %eq3A = arith.constant -1 : i32
      %eq3A_15 = arith.cmpi eq, %select_n3A_14, %eq3A : i32
      %select_n3A_16 = arith.constant 99 : i32
      %select_n3A_17 = arith.select %eq3A_15, %select_n3A_16, %select_n3A_14 : i32
      %add3A_18 = arith.addi %select_n3A_17, %mul3A_6 : i32
      %select_n3A_19 = arith.constant true
      %select_n3A_20 = arith.constant 0 : i32
      %select_n3A_21 = arith.constant 1 : i32
      %select_n3A_22 = arith.select %select_n3A_19, %select_n3A_21, %select_n3A_20 : i32
      %eq3A_23 = arith.constant 100 : i32
      %eq3A_24 = arith.cmpi eq, %select_n3A_22, %eq3A_23 : i32
      %select_n3A_25 = arith.constant 0 : i32
      %select_n3A_26 = arith.select %eq3A_24, %select_n3A_25, %select_n3A_22 : i32
      %add3A_27 = arith.addi %select_n3A_26, %mul3A_6 : i32
      %add3A_28 = arith.constant 1 : i32
      %add3A_29 = arith.addi %select_n3A_26, %add3A_28 : i32
      %select_n3A_30 = arith.constant true
      %select_n3A_31 = arith.select %select_n3A_30, %add3A_29, %select_n3A_26 : i32
      %eq3A_32 = arith.constant 100 : i32
      %eq3A_33 = arith.cmpi eq, %select_n3A_31, %eq3A_32 : i32
      %select_n3A_34 = arith.constant 0 : i32
      %select_n3A_35 = arith.select %eq3A_33, %select_n3A_34, %select_n3A_31 : i32
      %add3A_36 = arith.addi %select_n3A_35, %mul3A_6 : i32
      "tpu.trace_start"() <{level = 10 : i32, message = "ep_initialize_0"}> : () -> ()
      %rem3A = arith.constant 0 : i32
      %rem3A_37 = arith.constant 2 : i32
      %rem3A_38 = arith.remui %rem3A, %rem3A_37 : i32
      %mul3A_39 = arith.constant 2 : i32
      %mul3A_40 = arith.muli %mul3A_39, %add3A_11 : i32
      %dma_start3A = arith.constant 0 : i32
      %dma_start3A_41 = arith.constant 0 : i32
      %dma_start3A_42 = tpu.memref_slice %run_scoped3A[%rem3A_38, %dma_start3A, %dma_start3A_41] : memref<2x2x128xi32, #tpu.memory_space<vmem>> -> memref<1x2x128xi32, #tpu.memory_space<vmem>>
      %dma_start3A_43 = tpu.memref_squeeze %dma_start3A_42 : memref<1x2x128xi32, #tpu.memory_space<vmem>> -> memref<2x128xi32, #tpu.memory_space<vmem>>
      %dma_start3A_44 = arith.constant 0 : i32
      %dma_start3A_45 = tpu.memref_slice %arg3[%mul3A_40, %dma_start3A_44] : memref<6400x128xi32, #tpu.memory_space<hbm>> -> memref<2x128xi32, #tpu.memory_space<hbm>>
      %dma_start3A_46 = tpu.memref_slice %run_scoped3A_7[%rem3A_38] : memref<2x!tpu.dma_semaphore, #tpu.memory_space<semaphore_mem>> -> memref<1x!tpu.dma_semaphore, #tpu.memory_space<semaphore_mem>>
      %dma_start3A_47 = tpu.memref_squeeze %dma_start3A_46 : memref<1x!tpu.dma_semaphore, #tpu.memory_space<semaphore_mem>> -> memref<!tpu.dma_semaphore, #tpu.memory_space<semaphore_mem>>
      %dma_start3A_48 = arith.constant 0 : i32
      %dma_start3A_49 = arith.constant 0 : i32
      %dma_start3A_50 = tpu.memref_slice %run_scoped3A[%rem3A_38, %dma_start3A_48, %dma_start3A_49] : memref<2x2x128xi32, #tpu.memory_space<vmem>> -> memref<1x2x128xi32, #tpu.memory_space<vmem>>
      %dma_start3A_51 = tpu.memref_squeeze %dma_start3A_50 : memref<1x2x128xi32, #tpu.memory_space<vmem>> -> memref<2x128xi32, #tpu.memory_space<vmem>>
      %dma_start3A_52 = arith.constant 0 : i32
      %dma_start3A_53 = tpu.memref_slice %arg3[%mul3A_40, %dma_start3A_52] : memref<6400x128xi32, #tpu.memory_space<hbm>> -> memref<2x128xi32, #tpu.memory_space<hbm>>
      tpu.enqueue_dma source(%dma_start3A_53 : memref<2x128xi32, #tpu.memory_space<hbm>>) target(%dma_start3A_51 : memref<2x128xi32, #tpu.memory_space<vmem>>) target_semaphore(%dma_start3A_47 : memref<!tpu.dma_semaphore, #tpu.memory_space<semaphore_mem>>)
      %add3A_54 = arith.constant 0 : i32
      %add3A_55 = arith.constant 1 : i32
      %add3A_56 = arith.addi %add3A_54, %add3A_55 : i32
      %select_n3A_57 = arith.constant true
      %select_n3A_58 = arith.constant 0 : i32
      %select_n3A_59 = arith.select %select_n3A_57, %add3A_56, %select_n3A_58 : i32
      "tpu.trace_stop"() : () -> ()
      %scan3A = arith.constant 0 : i32
      %scan3A_60 = arith.constant 0 : i32
      %scan3A_61 = arith.constant 0 : i32
      %scan3A_62 = arith.constant 0 : i32
      %scan3A_63 = arith.constant 0 : i32
      %scan3A_64 = arith.constant 100 : i32
      %scan3A_65 = arith.addi %scan3A_63, %scan3A_64 : i32
      %scan3A_66 = arith.constant 1 : i32
      %scan3A_67:5 = scf.for %scan3A_121 = %scan3A_63 to %scan3A_65 step %scan3A_66 iter_args(%scan3A_122 = %select_n3A_59, %scan3A_123 = %scan3A, %scan3A_124 = %scan3A_60, %scan3A_125 = %scan3A_61, %scan3A_126 = %scan3A_62) -> (i32, i32, i32, i32, i32)  : i32 {
        %eq3A_127 = arith.constant 0 : i32
        %eq3A_128 = arith.cmpi eq, %scan3A_121, %eq3A_127 : i32
        %eq3A_129 = arith.constant 99 : i32
        %eq3A_130 = arith.cmpi eq, %scan3A_121, %eq3A_129 : i32
        %add3A_131 = arith.addi %scan3A_126, %mul3A_6 : i32
        %sub3A_132 = arith.constant 1 : i32
        %sub3A_133 = arith.subi %scan3A_126, %sub3A_132 : i32
        %select_n3A_134 = arith.constant true
        %select_n3A_135 = arith.select %select_n3A_134, %sub3A_133, %scan3A_126 : i32
        %eq3A_136 = arith.constant -1 : i32
        %eq3A_137 = arith.cmpi eq, %select_n3A_135, %eq3A_136 : i32
        %select_n3A_138 = arith.constant 99 : i32
        %select_n3A_139 = arith.select %eq3A_137, %select_n3A_138, %select_n3A_135 : i32
        %add3A_140 = arith.addi %select_n3A_139, %mul3A_6 : i32
        %add3A_141 = arith.constant 1 : i32
        %add3A_142 = arith.addi %scan3A_126, %add3A_141 : i32
        %select_n3A_143 = arith.constant true
        %select_n3A_144 = arith.select %select_n3A_143, %add3A_142, %scan3A_126 : i32
        %eq3A_145 = arith.constant 100 : i32
        %eq3A_146 = arith.cmpi eq, %select_n3A_144, %eq3A_145 : i32
        %select_n3A_147 = arith.constant 0 : i32
        %select_n3A_148 = arith.select %eq3A_146, %select_n3A_147, %select_n3A_144 : i32
        %add3A_149 = arith.addi %select_n3A_148, %mul3A_6 : i32
        %add3A_150 = arith.constant 1 : i32
        %add3A_151 = arith.addi %select_n3A_148, %add3A_150 : i32
        %select_n3A_152 = arith.constant true
        %select_n3A_153 = arith.select %select_n3A_152, %add3A_151, %select_n3A_148 : i32
        %eq3A_154 = arith.constant 100 : i32
        %eq3A_155 = arith.cmpi eq, %select_n3A_153, %eq3A_154 : i32
        %select_n3A_156 = arith.constant 0 : i32
        %select_n3A_157 = arith.select %eq3A_155, %select_n3A_156, %select_n3A_153 : i32
        %add3A_158 = arith.addi %select_n3A_157, %mul3A_6 : i32
        %ne3A = arith.cmpi ne, %add3A_131, %add3A_149 : i32
        %or3A = arith.constant false
        %or3A_159 = arith.ori %or3A, %ne3A : i1
        %or3A_160 = arith.constant false
        %or3A_161 = arith.ori %or3A_159, %or3A_160 : i1
        %ge3A = arith.constant 99 : i32
        %ge3A_162 = arith.cmpi sge, %scan3A_121, %ge3A : i32
        %not3A = arith.constant true
        %not3A_163 = arith.xori %ge3A_162, %not3A : i1
        %and3A = arith.andi %or3A_161, %not3A_163 : i1
        %convert_element_type3A = arith.extui %and3A : i1 to i32
        %cond3A = arith.constant 0 : i32
        %cond3A_164 = arith.cmpi ne, %convert_element_type3A, %cond3A : i32
        scf.if %cond3A_164 {
          "tpu.trace_start"() <{level = 10 : i32, message = "ep_copy_in"}> : () -> ()
          %rem3A_345 = arith.constant 2 : i32
          %rem3A_346 = arith.remui %scan3A_122, %rem3A_345 : i32
          %mul3A_347 = arith.constant 2 : i32
          %mul3A_348 = arith.muli %mul3A_347, %add3A_149 : i32
          %dma_start3A_349 = arith.constant 0 : i32
          %dma_start3A_350 = arith.constant 0 : i32
          %dma_start3A_351 = tpu.memref_slice %run_scoped3A[%rem3A_346, %dma_start3A_349, %dma_start3A_350] : memref<2x2x128xi32, #tpu.memory_space<vmem>> -> memref<1x2x128xi32, #tpu.memory_space<vmem>>
          %dma_start3A_352 = tpu.memref_squeeze %dma_start3A_351 : memref<1x2x128xi32, #tpu.memory_space<vmem>> -> memref<2x128xi32, #tpu.memory_space<vmem>>
          %dma_start3A_353 = arith.constant 0 : i32
          %dma_start3A_354 = tpu.memref_slice %arg3[%mul3A_348, %dma_start3A_353] : memref<6400x128xi32, #tpu.memory_space<hbm>> -> memref<2x128xi32, #tpu.memory_space<hbm>>
          %dma_start3A_355 = tpu.memref_slice %run_scoped3A_7[%rem3A_346] : memref<2x!tpu.dma_semaphore, #tpu.memory_space<semaphore_mem>> -> memref<1x!tpu.dma_semaphore, #tpu.memory_space<semaphore_mem>>
          %dma_start3A_356 = tpu.memref_squeeze %dma_start3A_355 : memref<1x!tpu.dma_semaphore, #tpu.memory_space<semaphore_mem>> -> memref<!tpu.dma_semaphore, #tpu.memory_space<semaphore_mem>>
          %dma_start3A_357 = arith.constant 0 : i32
          %dma_start3A_358 = arith.constant 0 : i32
          %dma_start3A_359 = tpu.memref_slice %run_scoped3A[%rem3A_346, %dma_start3A_357, %dma_start3A_358] : memref<2x2x128xi32, #tpu.memory_space<vmem>> -> memref<1x2x128xi32, #tpu.memory_space<vmem>>
          %dma_start3A_360 = tpu.memref_squeeze %dma_start3A_359 : memref<1x2x128xi32, #tpu.memory_space<vmem>> -> memref<2x128xi32, #tpu.memory_space<vmem>>
          %dma_start3A_361 = arith.constant 0 : i32
          %dma_start3A_362 = tpu.memref_slice %arg3[%mul3A_348, %dma_start3A_361] : memref<6400x128xi32, #tpu.memory_space<hbm>> -> memref<2x128xi32, #tpu.memory_space<hbm>>
          tpu.enqueue_dma source(%dma_start3A_362 : memref<2x128xi32, #tpu.memory_space<hbm>>) target(%dma_start3A_360 : memref<2x128xi32, #tpu.memory_space<vmem>>) target_semaphore(%dma_start3A_356 : memref<!tpu.dma_semaphore, #tpu.memory_space<semaphore_mem>>)
          "tpu.trace_stop"() : () -> ()
        } else {
        }
        %and3A_165 = arith.constant true
        %and3A_166 = arith.andi %and3A, %and3A_165 : i1
        %add3A_167 = arith.constant 1 : i32
        %add3A_168 = arith.addi %scan3A_122, %add3A_167 : i32
        %select_n3A_169 = arith.select %and3A_166, %add3A_168, %scan3A_122 : i32
        %ne3A_170 = arith.cmpi ne, %add3A_131, %add3A_149 : i32
        %or3A_171 = arith.constant false
        %or3A_172 = arith.ori %or3A_171, %ne3A_170 : i1
        %or3A_173 = arith.constant false
        %or3A_174 = arith.ori %or3A_172, %or3A_173 : i1
        %ge3A_175 = arith.constant 99 : i32
        %ge3A_176 = arith.cmpi sge, %scan3A_121, %ge3A_175 : i32
        %not3A_177 = arith.constant true
        %not3A_178 = arith.xori %ge3A_176, %not3A_177 : i1
        %and3A_179 = arith.andi %or3A_174, %not3A_178 : i1
        %ne3A_180 = arith.cmpi ne, %add3A_131, %add3A_140 : i32
        %or3A_181 = arith.constant false
        %or3A_182 = arith.ori %or3A_181, %ne3A_180 : i1
        %or3A_183 = arith.constant false
        %or3A_184 = arith.ori %or3A_182, %or3A_183 : i1
        %or3A_185 = arith.ori %or3A_184, %eq3A_128 : i1
        %convert_element_type3A_186 = arith.extui %or3A_185 : i1 to i32
        %cond3A_187 = arith.constant 0 : i32
        %cond3A_188 = arith.cmpi ne, %convert_element_type3A_186, %cond3A_187 : i32
        scf.if %cond3A_188 {
          "tpu.trace_start"() <{level = 10 : i32, message = "ep_wait_in"}> : () -> ()
          %mul3A_345 = arith.constant 2 : i32
          %mul3A_346 = arith.muli %mul3A_345, %add3A_131 : i32
          %rem3A_347 = arith.constant 2 : i32
          %rem3A_348 = arith.remui %scan3A_123, %rem3A_347 : i32
          %dma_wait3A_349 = arith.constant 0 : i32
          %dma_wait3A_350 = arith.constant 0 : i32
          %dma_wait3A_351 = tpu.memref_slice %run_scoped3A[%rem3A_348, %dma_wait3A_349, %dma_wait3A_350] : memref<2x2x128xi32, #tpu.memory_space<vmem>> -> memref<1x2x128xi32, #tpu.memory_space<vmem>>
          %dma_wait3A_352 = tpu.memref_squeeze %dma_wait3A_351 : memref<1x2x128xi32, #tpu.memory_space<vmem>> -> memref<2x128xi32, #tpu.memory_space<vmem>>
          %dma_wait3A_353 = arith.constant 0 : i32
          %dma_wait3A_354 = tpu.memref_slice %arg3[%mul3A_346, %dma_wait3A_353] : memref<6400x128xi32, #tpu.memory_space<hbm>> -> memref<2x128xi32, #tpu.memory_space<hbm>>
          %dma_wait3A_355 = tpu.memref_slice %run_scoped3A_7[%rem3A_348] : memref<2x!tpu.dma_semaphore, #tpu.memory_space<semaphore_mem>> -> memref<1x!tpu.dma_semaphore, #tpu.memory_space<semaphore_mem>>
          %dma_wait3A_356 = tpu.memref_squeeze %dma_wait3A_355 : memref<1x!tpu.dma_semaphore, #tpu.memory_space<semaphore_mem>> -> memref<!tpu.dma_semaphore, #tpu.memory_space<semaphore_mem>>
          %dma_wait3A_357 = arith.constant 0 : i32
          %dma_wait3A_358 = arith.constant 0 : i32
          %dma_wait3A_359 = tpu.memref_slice %run_scoped3A[%rem3A_348, %dma_wait3A_357, %dma_wait3A_358] : memref<2x2x128xi32, #tpu.memory_space<vmem>> -> memref<1x2x128xi32, #tpu.memory_space<vmem>>
          %dma_wait3A_360 = tpu.memref_squeeze %dma_wait3A_359 : memref<1x2x128xi32, #tpu.memory_space<vmem>> -> memref<2x128xi32, #tpu.memory_space<vmem>>
          %dma_wait3A_361 = arith.constant 0 : i32
          %dma_wait3A_362 = tpu.memref_slice %arg3[%mul3A_346, %dma_wait3A_361] : memref<6400x128xi32, #tpu.memory_space<hbm>> -> memref<2x128xi32, #tpu.memory_space<hbm>>
          tpu.wait_dma2 semaphore(%dma_wait3A_356 : memref<!tpu.dma_semaphore, #tpu.memory_space<semaphore_mem>>) src(%dma_wait3A_362 : memref<2x128xi32, #tpu.memory_space<hbm>>) dst(%dma_wait3A_360 : memref<2x128xi32, #tpu.memory_space<vmem>>)
          "tpu.trace_stop"() : () -> ()
        } else {
        }
        %ne3A_189 = arith.cmpi ne, %add3A_131, %add3A_140 : i32
        %or3A_190 = arith.constant false
        %or3A_191 = arith.ori %or3A_190, %ne3A_189 : i1
        %or3A_192 = arith.constant false
        %or3A_193 = arith.ori %or3A_191, %or3A_192 : i1
        %or3A_194 = arith.ori %or3A_193, %eq3A_128 : i1
        %convert_element_type3A_195 = arith.extui %or3A_194 : i1 to i32
        %cond3A_196 = arith.constant 0 : i32
        %cond3A_197 = arith.cmpi ne, %convert_element_type3A_195, %cond3A_196 : i32
        scf.if %cond3A_197 {
        } else {
        }
        %rem3A_198 = arith.constant 2 : i32
        %rem3A_199 = arith.remui %scan3A_123, %rem3A_198 : i32
        %rem3A_200 = arith.constant 2 : i32
        %rem3A_201 = arith.remui %scan3A_124, %rem3A_200 : i32
        %dma_start3A_202 = arith.constant 0 : i32
        "tpu.trace_start"() <{level = 10 : i32, message = "ep_run_kernel"}> : () -> ()
        %dma_start3A_203 = arith.constant 0 : i32
        %dma_start3A_204 = arith.constant 0 : i32
        %dma_start3A_205 = tpu.memref_slice %run_scoped3A_8[%rem3A_201, %dma_start3A_203, %dma_start3A_204] : memref<2x256x64xf32, #tpu.memory_space<vmem>> -> memref<1x256x64xf32, #tpu.memory_space<vmem>>
        %dma_start3A_206 = tpu.memref_squeeze %dma_start3A_205 : memref<1x256x64xf32, #tpu.memory_space<vmem>> -> memref<256x64xf32, #tpu.memory_space<vmem>>
        %dma_start3A_207 = arith.constant 0 : i32
        %dma_start3A_208 = arith.constant 0 : i32
        %dma_start3A_209 = tpu.memref_slice %dma_start3A_206[%dma_start3A_207, %dma_start3A_208] : memref<256x64xf32, #tpu.memory_space<vmem>> -> memref<128x64xf32, #tpu.memory_space<vmem>>
        %dma_start3A_210 = arith.constant 0 : i32
        %dma_start3A_211 = arith.constant 0 : i32
        %dma_start3A_212 = tpu.memref_slice %run_scoped3A[%rem3A_199, %dma_start3A_210, %dma_start3A_211] : memref<2x2x128xi32, #tpu.memory_space<vmem>> -> memref<1x2x128xi32, #tpu.memory_space<vmem>>
        %dma_start3A_213 = tpu.memref_squeeze %dma_start3A_212 : memref<1x2x128xi32, #tpu.memory_space<vmem>> -> memref<2x128xi32, #tpu.memory_space<vmem>>
        %dma_start3A_214 = arith.constant 0 : i32
        %dma_start3A_215 = tpu.memref_slice %dma_start3A_213[%dma_start3A_202, %dma_start3A_214] : memref<2x128xi32, #tpu.memory_space<vmem>> -> memref<1x128xi32, #tpu.memory_space<vmem>>
        %dma_start3A_216 = tpu.memref_squeeze %dma_start3A_215 : memref<1x128xi32, #tpu.memory_space<vmem>> -> memref<128xi32, #tpu.memory_space<vmem>>
        %dma_start3A_217 = arith.constant 0 : i32
        %dma_start3A_218 = arith.constant 0 : i32
        %dma_start3A_219 = tpu.memref_slice %arg2[%dma_start3A_217, %dma_start3A_218] : memref<1000000x64xf32, #tpu.memory_space<hbm>> -> memref<1000000x64xf32, #tpu.memory_space<hbm>>
        tpu.enqueue_indirect_dma source(%dma_start3A_219 : memref<1000000x64xf32, #tpu.memory_space<hbm>>) target(%dma_start3A_209 : memref<128x64xf32, #tpu.memory_space<vmem>>) offsets(%dma_start3A_216 : memref<128xi32, #tpu.memory_space<vmem>>) semaphore(%arg5 : memref<!tpu.dma_semaphore, #tpu.memory_space<semaphore_mem>>)
        %dma_start3A_220 = arith.constant 1 : i32
        %dma_start3A_221 = arith.constant 0 : i32
        %dma_start3A_222 = arith.constant 0 : i32
        %dma_start3A_223 = tpu.memref_slice %run_scoped3A_8[%rem3A_201, %dma_start3A_221, %dma_start3A_222] : memref<2x256x64xf32, #tpu.memory_space<vmem>> -> memref<1x256x64xf32, #tpu.memory_space<vmem>>
        %dma_start3A_224 = tpu.memref_squeeze %dma_start3A_223 : memref<1x256x64xf32, #tpu.memory_space<vmem>> -> memref<256x64xf32, #tpu.memory_space<vmem>>
        %dma_start3A_225 = arith.constant 128 : i32
        %dma_start3A_226 = arith.constant 0 : i32
        %dma_start3A_227 = tpu.memref_slice %dma_start3A_224[%dma_start3A_225, %dma_start3A_226] : memref<256x64xf32, #tpu.memory_space<vmem>> -> memref<128x64xf32, #tpu.memory_space<vmem>>
        %dma_start3A_228 = arith.constant 0 : i32
        %dma_start3A_229 = arith.constant 0 : i32
        %dma_start3A_230 = tpu.memref_slice %run_scoped3A[%rem3A_199, %dma_start3A_228, %dma_start3A_229] : memref<2x2x128xi32, #tpu.memory_space<vmem>> -> memref<1x2x128xi32, #tpu.memory_space<vmem>>
        %dma_start3A_231 = tpu.memref_squeeze %dma_start3A_230 : memref<1x2x128xi32, #tpu.memory_space<vmem>> -> memref<2x128xi32, #tpu.memory_space<vmem>>
        %dma_start3A_232 = arith.constant 0 : i32
        %dma_start3A_233 = tpu.memref_slice %dma_start3A_231[%dma_start3A_220, %dma_start3A_232] : memref<2x128xi32, #tpu.memory_space<vmem>> -> memref<1x128xi32, #tpu.memory_space<vmem>>
        %dma_start3A_234 = tpu.memref_squeeze %dma_start3A_233 : memref<1x128xi32, #tpu.memory_space<vmem>> -> memref<128xi32, #tpu.memory_space<vmem>>
        %dma_start3A_235 = arith.constant 0 : i32
        %dma_start3A_236 = arith.constant 0 : i32
        %dma_start3A_237 = tpu.memref_slice %arg2[%dma_start3A_235, %dma_start3A_236] : memref<1000000x64xf32, #tpu.memory_space<hbm>> -> memref<1000000x64xf32, #tpu.memory_space<hbm>>
        tpu.enqueue_indirect_dma source(%dma_start3A_237 : memref<1000000x64xf32, #tpu.memory_space<hbm>>) target(%dma_start3A_227 : memref<128x64xf32, #tpu.memory_space<vmem>>) offsets(%dma_start3A_234 : memref<128xi32, #tpu.memory_space<vmem>>) semaphore(%arg5 : memref<!tpu.dma_semaphore, #tpu.memory_space<semaphore_mem>>)
        %dma_wait3A_238 = arith.constant 0 : i32
        %dma_wait3A_239 = arith.constant 0 : i32
        %dma_wait3A_240 = arith.constant 0 : i32
        %dma_wait3A_241 = tpu.memref_slice %run_scoped3A_8[%rem3A_201, %dma_wait3A_239, %dma_wait3A_240] : memref<2x256x64xf32, #tpu.memory_space<vmem>> -> memref<1x256x64xf32, #tpu.memory_space<vmem>>
        %dma_wait3A_242 = tpu.memref_squeeze %dma_wait3A_241 : memref<1x256x64xf32, #tpu.memory_space<vmem>> -> memref<256x64xf32, #tpu.memory_space<vmem>>
        %dma_wait3A_243 = arith.constant 0 : i32
        %dma_wait3A_244 = arith.constant 0 : i32
        %dma_wait3A_245 = tpu.memref_slice %dma_wait3A_242[%dma_wait3A_243, %dma_wait3A_244] : memref<256x64xf32, #tpu.memory_space<vmem>> -> memref<128x64xf32, #tpu.memory_space<vmem>>
        %dma_wait3A_246 = arith.constant 0 : i32
        %dma_wait3A_247 = arith.constant 0 : i32
        %dma_wait3A_248 = tpu.memref_slice %run_scoped3A[%rem3A_199, %dma_wait3A_246, %dma_wait3A_247] : memref<2x2x128xi32, #tpu.memory_space<vmem>> -> memref<1x2x128xi32, #tpu.memory_space<vmem>>
        %dma_wait3A_249 = tpu.memref_squeeze %dma_wait3A_248 : memref<1x2x128xi32, #tpu.memory_space<vmem>> -> memref<2x128xi32, #tpu.memory_space<vmem>>
        %dma_wait3A_250 = arith.constant 0 : i32
        %dma_wait3A_251 = tpu.memref_slice %dma_wait3A_249[%dma_wait3A_238, %dma_wait3A_250] : memref<2x128xi32, #tpu.memory_space<vmem>> -> memref<1x128xi32, #tpu.memory_space<vmem>>
        %dma_wait3A_252 = tpu.memref_squeeze %dma_wait3A_251 : memref<1x128xi32, #tpu.memory_space<vmem>> -> memref<128xi32, #tpu.memory_space<vmem>>
        %dma_wait3A_253 = arith.constant 0 : i32
        %dma_wait3A_254 = arith.constant 0 : i32
        %dma_wait3A_255 = tpu.memref_slice %arg2[%dma_wait3A_253, %dma_wait3A_254] : memref<1000000x64xf32, #tpu.memory_space<hbm>> -> memref<1000000x64xf32, #tpu.memory_space<hbm>>
        tpu.wait_indirect_dma semaphore(%arg5 : memref<!tpu.dma_semaphore, #tpu.memory_space<semaphore_mem>>) src(%dma_wait3A_255 : memref<1000000x64xf32, #tpu.memory_space<hbm>>) dst(%dma_wait3A_245 : memref<128x64xf32, #tpu.memory_space<vmem>>)
        %dma_wait3A_256 = arith.constant 1 : i32
        %dma_wait3A_257 = arith.constant 0 : i32
        %dma_wait3A_258 = arith.constant 0 : i32
        %dma_wait3A_259 = tpu.memref_slice %run_scoped3A_8[%rem3A_201, %dma_wait3A_257, %dma_wait3A_258] : memref<2x256x64xf32, #tpu.memory_space<vmem>> -> memref<1x256x64xf32, #tpu.memory_space<vmem>>
        %dma_wait3A_260 = tpu.memref_squeeze %dma_wait3A_259 : memref<1x256x64xf32, #tpu.memory_space<vmem>> -> memref<256x64xf32, #tpu.memory_space<vmem>>
        %dma_wait3A_261 = arith.constant 128 : i32
        %dma_wait3A_262 = arith.constant 0 : i32
        %dma_wait3A_263 = tpu.memref_slice %dma_wait3A_260[%dma_wait3A_261, %dma_wait3A_262] : memref<256x64xf32, #tpu.memory_space<vmem>> -> memref<128x64xf32, #tpu.memory_space<vmem>>
        %dma_wait3A_264 = arith.constant 0 : i32
        %dma_wait3A_265 = arith.constant 0 : i32
        %dma_wait3A_266 = tpu.memref_slice %run_scoped3A[%rem3A_199, %dma_wait3A_264, %dma_wait3A_265] : memref<2x2x128xi32, #tpu.memory_space<vmem>> -> memref<1x2x128xi32, #tpu.memory_space<vmem>>
        %dma_wait3A_267 = tpu.memref_squeeze %dma_wait3A_266 : memref<1x2x128xi32, #tpu.memory_space<vmem>> -> memref<2x128xi32, #tpu.memory_space<vmem>>
        %dma_wait3A_268 = arith.constant 0 : i32
        %dma_wait3A_269 = tpu.memref_slice %dma_wait3A_267[%dma_wait3A_256, %dma_wait3A_268] : memref<2x128xi32, #tpu.memory_space<vmem>> -> memref<1x128xi32, #tpu.memory_space<vmem>>
        %dma_wait3A_270 = tpu.memref_squeeze %dma_wait3A_269 : memref<1x128xi32, #tpu.memory_space<vmem>> -> memref<128xi32, #tpu.memory_space<vmem>>
        %dma_wait3A_271 = arith.constant 0 : i32
        %dma_wait3A_272 = arith.constant 0 : i32
        %dma_wait3A_273 = tpu.memref_slice %arg2[%dma_wait3A_271, %dma_wait3A_272] : memref<1000000x64xf32, #tpu.memory_space<hbm>> -> memref<1000000x64xf32, #tpu.memory_space<hbm>>
        tpu.wait_indirect_dma semaphore(%arg5 : memref<!tpu.dma_semaphore, #tpu.memory_space<semaphore_mem>>) src(%dma_wait3A_273 : memref<1000000x64xf32, #tpu.memory_space<hbm>>) dst(%dma_wait3A_263 : memref<128x64xf32, #tpu.memory_space<vmem>>)
        "tpu.trace_stop"() : () -> ()
        %ne3A_274 = arith.cmpi ne, %add3A_131, %add3A_149 : i32
        %or3A_275 = arith.constant false
        %or3A_276 = arith.ori %or3A_275, %ne3A_274 : i1
        %or3A_277 = arith.constant false
        %or3A_278 = arith.ori %or3A_276, %or3A_277 : i1
        %or3A_279 = arith.ori %or3A_278, %eq3A_130 : i1
        %convert_element_type3A_280 = arith.extui %or3A_279 : i1 to i32
        %cond3A_281 = arith.constant 0 : i32
        %cond3A_282 = arith.cmpi ne, %convert_element_type3A_280, %cond3A_281 : i32
        scf.if %cond3A_282 {
        } else {
        }
        %and3A_283 = arith.constant false
        %and3A_284 = arith.andi %or3A_279, %and3A_283 : i1
        %ne3A_285 = arith.cmpi ne, %add3A_131, %add3A_149 : i32
        %or3A_286 = arith.constant false
        %or3A_287 = arith.ori %or3A_286, %ne3A_285 : i1
        %or3A_288 = arith.constant false
        %or3A_289 = arith.ori %or3A_287, %or3A_288 : i1
        %or3A_290 = arith.ori %or3A_289, %eq3A_130 : i1
        %convert_element_type3A_291 = arith.extui %or3A_290 : i1 to i32
        %cond3A_292 = arith.constant 0 : i32
        %cond3A_293 = arith.cmpi ne, %convert_element_type3A_291, %cond3A_292 : i32
        scf.if %cond3A_293 {
          "tpu.trace_start"() <{level = 10 : i32, message = "ep_copy_out"}> : () -> ()
          %rem3A_345 = arith.constant 2 : i32
          %rem3A_346 = arith.remui %scan3A_124, %rem3A_345 : i32
          %mul3A_347 = arith.constant 256 : i32
          %mul3A_348 = arith.muli %mul3A_347, %add3A_131 : i32
          %dma_start3A_349 = arith.constant 0 : i32
          %dma_start3A_350 = arith.constant 0 : i32
          %dma_start3A_351 = tpu.memref_slice %run_scoped3A_8[%rem3A_346, %dma_start3A_349, %dma_start3A_350] : memref<2x256x64xf32, #tpu.memory_space<vmem>> -> memref<1x256x64xf32, #tpu.memory_space<vmem>>
          %dma_start3A_352 = tpu.memref_squeeze %dma_start3A_351 : memref<1x256x64xf32, #tpu.memory_space<vmem>> -> memref<256x64xf32, #tpu.memory_space<vmem>>
          %dma_start3A_353 = arith.constant 0 : i32
          %dma_start3A_354 = tpu.memref_slice %arg4[%mul3A_348, %dma_start3A_353] : memref<819200x64xf32, #tpu.memory_space<hbm>> -> memref<256x64xf32, #tpu.memory_space<hbm>>
          %dma_start3A_355 = tpu.memref_slice %run_scoped3A_9[%rem3A_346] : memref<2x!tpu.dma_semaphore, #tpu.memory_space<semaphore_mem>> -> memref<1x!tpu.dma_semaphore, #tpu.memory_space<semaphore_mem>>
          %dma_start3A_356 = tpu.memref_squeeze %dma_start3A_355 : memref<1x!tpu.dma_semaphore, #tpu.memory_space<semaphore_mem>> -> memref<!tpu.dma_semaphore, #tpu.memory_space<semaphore_mem>>
          %dma_start3A_357 = arith.constant 0 : i32
          %dma_start3A_358 = tpu.memref_slice %arg4[%mul3A_348, %dma_start3A_357] : memref<819200x64xf32, #tpu.memory_space<hbm>> -> memref<256x64xf32, #tpu.memory_space<hbm>>
          %dma_start3A_359 = arith.constant 0 : i32
          %dma_start3A_360 = arith.constant 0 : i32
          %dma_start3A_361 = tpu.memref_slice %run_scoped3A_8[%rem3A_346, %dma_start3A_359, %dma_start3A_360] : memref<2x256x64xf32, #tpu.memory_space<vmem>> -> memref<1x256x64xf32, #tpu.memory_space<vmem>>
          %dma_start3A_362 = tpu.memref_squeeze %dma_start3A_361 : memref<1x256x64xf32, #tpu.memory_space<vmem>> -> memref<256x64xf32, #tpu.memory_space<vmem>>
          tpu.enqueue_dma source(%dma_start3A_362 : memref<256x64xf32, #tpu.memory_space<vmem>>) target(%dma_start3A_358 : memref<256x64xf32, #tpu.memory_space<hbm>>) target_semaphore(%dma_start3A_356 : memref<!tpu.dma_semaphore, #tpu.memory_space<semaphore_mem>>)
          "tpu.trace_stop"() : () -> ()
        } else {
        }
        %and3A_294 = arith.constant true
        %and3A_295 = arith.andi %or3A_290, %and3A_294 : i1
        %add3A_296 = arith.constant 1 : i32
        %add3A_297 = arith.addi %scan3A_124, %add3A_296 : i32
        %select_n3A_298 = arith.select %and3A_295, %add3A_297, %scan3A_124 : i32
        %ne3A_299 = arith.cmpi ne, %add3A_131, %add3A_140 : i32
        %or3A_300 = arith.constant false
        %or3A_301 = arith.ori %or3A_300, %ne3A_299 : i1
        %or3A_302 = arith.constant false
        %or3A_303 = arith.ori %or3A_301, %or3A_302 : i1
        %not3A_304 = arith.constant true
        %not3A_305 = arith.xori %eq3A_128, %not3A_304 : i1
        %and3A_306 = arith.andi %or3A_303, %not3A_305 : i1
        %convert_element_type3A_307 = arith.extui %and3A_306 : i1 to i32
        %cond3A_308 = arith.constant 0 : i32
        %cond3A_309 = arith.cmpi ne, %convert_element_type3A_307, %cond3A_308 : i32
        scf.if %cond3A_309 {
        } else {
        }
        %and3A_310 = arith.constant false
        %and3A_311 = arith.andi %and3A_306, %and3A_310 : i1
        %ne3A_312 = arith.cmpi ne, %add3A_131, %add3A_140 : i32
        %or3A_313 = arith.constant false
        %or3A_314 = arith.ori %or3A_313, %ne3A_312 : i1
        %or3A_315 = arith.constant false
        %or3A_316 = arith.ori %or3A_314, %or3A_315 : i1
        %not3A_317 = arith.constant true
        %not3A_318 = arith.xori %eq3A_128, %not3A_317 : i1
        %and3A_319 = arith.andi %or3A_316, %not3A_318 : i1
        %convert_element_type3A_320 = arith.extui %and3A_319 : i1 to i32
        %cond3A_321 = arith.constant 0 : i32
        %cond3A_322 = arith.cmpi ne, %convert_element_type3A_320, %cond3A_321 : i32
        scf.if %cond3A_322 {
          "tpu.trace_start"() <{level = 10 : i32, message = "ep_wait_out"}> : () -> ()
          %rem3A_345 = arith.constant 2 : i32
          %rem3A_346 = arith.remui %scan3A_125, %rem3A_345 : i32
          %mul3A_347 = arith.constant 256 : i32
          %mul3A_348 = arith.muli %mul3A_347, %add3A_140 : i32
          %dma_wait3A_349 = arith.constant 0 : i32
          %dma_wait3A_350 = arith.constant 0 : i32
          %dma_wait3A_351 = tpu.memref_slice %run_scoped3A_8[%rem3A_346, %dma_wait3A_349, %dma_wait3A_350] : memref<2x256x64xf32, #tpu.memory_space<vmem>> -> memref<1x256x64xf32, #tpu.memory_space<vmem>>
          %dma_wait3A_352 = tpu.memref_squeeze %dma_wait3A_351 : memref<1x256x64xf32, #tpu.memory_space<vmem>> -> memref<256x64xf32, #tpu.memory_space<vmem>>
          %dma_wait3A_353 = arith.constant 0 : i32
          %dma_wait3A_354 = tpu.memref_slice %arg4[%mul3A_348, %dma_wait3A_353] : memref<819200x64xf32, #tpu.memory_space<hbm>> -> memref<256x64xf32, #tpu.memory_space<hbm>>
          %dma_wait3A_355 = tpu.memref_slice %run_scoped3A_9[%rem3A_346] : memref<2x!tpu.dma_semaphore, #tpu.memory_space<semaphore_mem>> -> memref<1x!tpu.dma_semaphore, #tpu.memory_space<semaphore_mem>>
          %dma_wait3A_356 = tpu.memref_squeeze %dma_wait3A_355 : memref<1x!tpu.dma_semaphore, #tpu.memory_space<semaphore_mem>> -> memref<!tpu.dma_semaphore, #tpu.memory_space<semaphore_mem>>
          %dma_wait3A_357 = arith.constant 0 : i32
          %dma_wait3A_358 = tpu.memref_slice %arg4[%mul3A_348, %dma_wait3A_357] : memref<819200x64xf32, #tpu.memory_space<hbm>> -> memref<256x64xf32, #tpu.memory_space<hbm>>
          %dma_wait3A_359 = arith.constant 0 : i32
          %dma_wait3A_360 = arith.constant 0 : i32
          %dma_wait3A_361 = tpu.memref_slice %run_scoped3A_8[%rem3A_346, %dma_wait3A_359, %dma_wait3A_360] : memref<2x256x64xf32, #tpu.memory_space<vmem>> -> memref<1x256x64xf32, #tpu.memory_space<vmem>>
          %dma_wait3A_362 = tpu.memref_squeeze %dma_wait3A_361 : memref<1x256x64xf32, #tpu.memory_space<vmem>> -> memref<256x64xf32, #tpu.memory_space<vmem>>
          tpu.wait_dma2 semaphore(%dma_wait3A_356 : memref<!tpu.dma_semaphore, #tpu.memory_space<semaphore_mem>>) src(%dma_wait3A_362 : memref<256x64xf32, #tpu.memory_space<vmem>>) dst(%dma_wait3A_358 : memref<256x64xf32, #tpu.memory_space<hbm>>)
          "tpu.trace_stop"() : () -> ()
        } else {
        }
        %and3A_323 = arith.constant true
        %and3A_324 = arith.andi %and3A_319, %and3A_323 : i1
        %add3A_325 = arith.constant 1 : i32
        %add3A_326 = arith.addi %scan3A_125, %add3A_325 : i32
        %select_n3A_327 = arith.select %and3A_324, %add3A_326, %scan3A_125 : i32
        %ne3A_328 = arith.cmpi ne, %add3A_131, %add3A_149 : i32
        %or3A_329 = arith.constant false
        %or3A_330 = arith.ori %or3A_329, %ne3A_328 : i1
        %or3A_331 = arith.constant false
        %or3A_332 = arith.ori %or3A_330, %or3A_331 : i1
        %or3A_333 = arith.ori %or3A_332, %eq3A_130 : i1
        %add3A_334 = arith.constant 1 : i32
        %add3A_335 = arith.addi %scan3A_123, %add3A_334 : i32
        %select_n3A_336 = arith.select %or3A_333, %add3A_335, %scan3A_123 : i32
        %add3A_337 = arith.constant 1 : i32
        %add3A_338 = arith.addi %scan3A_126, %add3A_337 : i32
        %select_n3A_339 = arith.constant true
        %select_n3A_340 = arith.select %select_n3A_339, %add3A_338, %scan3A_126 : i32
        %eq3A_341 = arith.constant 100 : i32
        %eq3A_342 = arith.cmpi eq, %select_n3A_340, %eq3A_341 : i32
        %select_n3A_343 = arith.constant 0 : i32
        %select_n3A_344 = arith.select %eq3A_342, %select_n3A_343, %select_n3A_340 : i32
        scf.yield %select_n3A_169, %select_n3A_336, %select_n3A_298, %select_n3A_327, %select_n3A_344 : i32, i32, i32, i32, i32
      }
      %scan3A_68 = arith.constant 100 : i32
      %sub3A = arith.constant 1 : i32
      %sub3A_69 = arith.subi %scan3A_67#4, %sub3A : i32
      %select_n3A_70 = arith.constant true
      %select_n3A_71 = arith.select %select_n3A_70, %sub3A_69, %scan3A_67#4 : i32
      %eq3A_72 = arith.constant -1 : i32
      %eq3A_73 = arith.cmpi eq, %select_n3A_71, %eq3A_72 : i32
      %select_n3A_74 = arith.constant 99 : i32
      %select_n3A_75 = arith.select %eq3A_73, %select_n3A_74, %select_n3A_71 : i32
      %add3A_76 = arith.addi %select_n3A_75, %mul3A_6 : i32
      %sub3A_77 = arith.constant 1 : i32
      %sub3A_78 = arith.subi %select_n3A_75, %sub3A_77 : i32
      %select_n3A_79 = arith.constant true
      %select_n3A_80 = arith.select %select_n3A_79, %sub3A_78, %select_n3A_75 : i32
      %eq3A_81 = arith.constant -1 : i32
      %eq3A_82 = arith.cmpi eq, %select_n3A_80, %eq3A_81 : i32
      %select_n3A_83 = arith.constant 99 : i32
      %select_n3A_84 = arith.select %eq3A_82, %select_n3A_83, %select_n3A_80 : i32
      %add3A_85 = arith.addi %select_n3A_84, %mul3A_6 : i32
      %add3A_86 = arith.constant 1 : i32
      %add3A_87 = arith.addi %select_n3A_75, %add3A_86 : i32
      %select_n3A_88 = arith.constant true
      %select_n3A_89 = arith.select %select_n3A_88, %add3A_87, %select_n3A_75 : i32
      %eq3A_90 = arith.constant 100 : i32
      %eq3A_91 = arith.cmpi eq, %select_n3A_89, %eq3A_90 : i32
      %select_n3A_92 = arith.constant 0 : i32
      %select_n3A_93 = arith.select %eq3A_91, %select_n3A_92, %select_n3A_89 : i32
      %add3A_94 = arith.addi %select_n3A_93, %mul3A_6 : i32
      %add3A_95 = arith.constant 1 : i32
      %add3A_96 = arith.addi %select_n3A_93, %add3A_95 : i32
      %select_n3A_97 = arith.constant true
      %select_n3A_98 = arith.select %select_n3A_97, %add3A_96, %select_n3A_93 : i32
      %eq3A_99 = arith.constant 100 : i32
      %eq3A_100 = arith.cmpi eq, %select_n3A_98, %eq3A_99 : i32
      %select_n3A_101 = arith.constant 0 : i32
      %select_n3A_102 = arith.select %eq3A_100, %select_n3A_101, %select_n3A_98 : i32
      %add3A_103 = arith.addi %select_n3A_102, %mul3A_6 : i32
      "tpu.trace_start"() <{level = 10 : i32, message = "ep_finalize"}> : () -> ()
      %rem3A_104 = arith.constant 2 : i32
      %rem3A_105 = arith.remui %scan3A_67#3, %rem3A_104 : i32
      %mul3A_106 = arith.constant 256 : i32
      %mul3A_107 = arith.muli %mul3A_106, %add3A_76 : i32
      %dma_wait3A = arith.constant 0 : i32
      %dma_wait3A_108 = arith.constant 0 : i32
      %dma_wait3A_109 = tpu.memref_slice %run_scoped3A_8[%rem3A_105, %dma_wait3A, %dma_wait3A_108] : memref<2x256x64xf32, #tpu.memory_space<vmem>> -> memref<1x256x64xf32, #tpu.memory_space<vmem>>
      %dma_wait3A_110 = tpu.memref_squeeze %dma_wait3A_109 : memref<1x256x64xf32, #tpu.memory_space<vmem>> -> memref<256x64xf32, #tpu.memory_space<vmem>>
      %dma_wait3A_111 = arith.constant 0 : i32
      %dma_wait3A_112 = tpu.memref_slice %arg4[%mul3A_107, %dma_wait3A_111] : memref<819200x64xf32, #tpu.memory_space<hbm>> -> memref<256x64xf32, #tpu.memory_space<hbm>>
      %dma_wait3A_113 = tpu.memref_slice %run_scoped3A_9[%rem3A_105] : memref<2x!tpu.dma_semaphore, #tpu.memory_space<semaphore_mem>> -> memref<1x!tpu.dma_semaphore, #tpu.memory_space<semaphore_mem>>
      %dma_wait3A_114 = tpu.memref_squeeze %dma_wait3A_113 : memref<1x!tpu.dma_semaphore, #tpu.memory_space<semaphore_mem>> -> memref<!tpu.dma_semaphore, #tpu.memory_space<semaphore_mem>>
      %dma_wait3A_115 = arith.constant 0 : i32
      %dma_wait3A_116 = tpu.memref_slice %arg4[%mul3A_107, %dma_wait3A_115] : memref<819200x64xf32, #tpu.memory_space<hbm>> -> memref<256x64xf32, #tpu.memory_space<hbm>>
      %dma_wait3A_117 = arith.constant 0 : i32
      %dma_wait3A_118 = arith.constant 0 : i32
      %dma_wait3A_119 = tpu.memref_slice %run_scoped3A_8[%rem3A_105, %dma_wait3A_117, %dma_wait3A_118] : memref<2x256x64xf32, #tpu.memory_space<vmem>> -> memref<1x256x64xf32, #tpu.memory_space<vmem>>
      %dma_wait3A_120 = tpu.memref_squeeze %dma_wait3A_119 : memref<1x256x64xf32, #tpu.memory_space<vmem>> -> memref<256x64xf32, #tpu.memory_space<vmem>>
      tpu.wait_dma2 semaphore(%dma_wait3A_114 : memref<!tpu.dma_semaphore, #tpu.memory_space<semaphore_mem>>) src(%dma_wait3A_120 : memref<256x64xf32, #tpu.memory_space<vmem>>) dst(%dma_wait3A_116 : memref<256x64xf32, #tpu.memory_space<hbm>>)
      "tpu.trace_stop"() : () -> ()
      tpu.yield
    }) : () -> ()
    return
  }
}

module attributes {stable_mosaic.version = 14 : i64} {
  func.func @body(%arg0: i32, %arg1: memref<8192x128xf32, #tpu.memory_space<vmem>>, %arg2: memref<128x128xf32, #tpu.memory_space<vmem>>, %arg3: memref<1x128xf32, #tpu.memory_space<vmem>>, %arg4: memref<16384x64xf32, #tpu.memory_space<vmem>>) attributes {dimension_semantics = [#tpu.dimension_semantics<arbitrary>], iteration_bounds = array<i64: 50>, scalar_prefetch = 0 : i64, scratch_operands = 0 : i64, tpu.core_type = #tpu.core_type<tc>, window_params = [{transform_indices = @transform_0, window_bounds = array<i64: 8192, 128>}, {pipeline_mode = #tpu.pipeline_mode<synchronous>, transform_indices = @transform_1, window_bounds = array<i64: 128, 128>}, {pipeline_mode = #tpu.pipeline_mode<synchronous>, transform_indices = @transform_2, window_bounds = array<i64: 1, 128>}, {transform_indices = @transform_3, window_bounds = array<i64: 16384, 64>}]} {
    %get3A = arith.constant 0 : index
    %get3A_0 = arith.constant 0 : index
    %get3A_1 = vector.load %arg1[%get3A, %get3A_0] : memref<8192x128xf32, #tpu.memory_space<vmem>>, vector<8192x128xf32>
    %get3A_2 = arith.constant 0 : index
    %get3A_3 = arith.constant 0 : index
    %get3A_4 = vector.load %arg2[%get3A_2, %get3A_3] : memref<128x128xf32, #tpu.memory_space<vmem>>, vector<128x128xf32>
    %dot_general3A = arith.constant dense<0.000000e+00> : vector<8192x128xf32>
    %dot_general3A_5 = tpu.matmul %get3A_1, %get3A_4, %dot_general3A {dimension_numbers = #tpu.dot_dimension_numbers<[1], [0], [0], [1], [0, 0, 1, 1], [], []>, transpose_lhs_hint = false} : vector<8192x128xf32>, vector<128x128xf32>, vector<8192x128xf32> -> vector<8192x128xf32>
    %get3A_6 = arith.constant 0 : index
    %get3A_7 = arith.constant 0 : index
    %get3A_8 = vector.load %arg3[%get3A_6, %get3A_7] : memref<1x128xf32, #tpu.memory_space<vmem>>, vector<1x128xf32>
    %add3A = vector.broadcast %get3A_8 : vector<1x128xf32> to vector<8192x128xf32>
    %add3A_9 = arith.addf %dot_general3A_5, %add3A : vector<8192x128xf32>
    %slice3A = vector.extract_strided_slice %add3A_9 {offsets = [0, 0], sizes = [8192, 64], strides = [1, 1]} : vector<8192x128xf32> to vector<8192x64xf32>
    %swap3A = arith.constant 0 : index
    %swap3A_10 = arith.constant 0 : index
    %swap3A_11 = tpu.strided_load %arg4[%swap3A, %swap3A_10] {strides = array<i32: 2, 1>} : memref<16384x64xf32, #tpu.memory_space<vmem>>, vector<8192x64xf32>
    tpu.strided_store %arg4[%swap3A, %swap3A_10], %slice3A {strides = array<i32: 2, 1>} : memref<16384x64xf32, #tpu.memory_space<vmem>>, vector<8192x64xf32>
    %slice3A_12 = vector.extract_strided_slice %add3A_9 {offsets = [0, 64], sizes = [8192, 64], strides = [1, 1]} : vector<8192x128xf32> to vector<8192x64xf32>
    %swap3A_13 = arith.constant 1 : index
    %swap3A_14 = arith.constant 0 : index
    %swap3A_15 = tpu.strided_load %arg4[%swap3A_13, %swap3A_14] {strides = array<i32: 2, 1>} : memref<16384x64xf32, #tpu.memory_space<vmem>>, vector<8192x64xf32>
    tpu.strided_store %arg4[%swap3A_13, %swap3A_14], %slice3A_12 {strides = array<i32: 2, 1>} : memref<16384x64xf32, #tpu.memory_space<vmem>>, vector<8192x64xf32>
    return
  }
  func.func @transform_0(%arg0: i32) -> (i32, i32) {
    %c0_i32 = arith.constant 0 : i32
    %c0_i32_0 = arith.constant 0 : i32
    return %arg0, %c0_i32 : i32, i32
  }
  func.func @transform_1(%arg0: i32) -> (i32, i32) {
    %c0_i32 = arith.constant 0 : i32
    %c0_i32_0 = arith.constant 0 : i32
    %c0_i32_1 = arith.constant 0 : i32
    return %c0_i32, %c0_i32_0 : i32, i32
  }
  func.func @transform_2(%arg0: i32) -> (i32, i32) {
    %c0_i32 = arith.constant 0 : i32
    %c0_i32_0 = arith.constant 0 : i32
    %c0_i32_1 = arith.constant 0 : i32
    return %c0_i32, %c0_i32_0 : i32, i32
  }
  func.func @transform_3(%arg0: i32) -> (i32, i32) {
    %c0_i32 = arith.constant 0 : i32
    %c0_i32_0 = arith.constant 0 : i32
    return %arg0, %c0_i32 : i32, i32
  }
}

module attributes {stable_mosaic.version = 14 : i64} {
  func.func @body(%arg0: i32, %arg1: memref<2048x128xf32, #tpu.memory_space<vmem>>, %arg2: memref<64x64xf32, #tpu.memory_space<vmem>>, %arg3: memref<1x64x4096xf32, #tpu.memory_space<vmem>>) attributes {dimension_semantics = [#tpu.dimension_semantics<arbitrary>], iteration_bounds = array<i64: 26>, scalar_prefetch = 0 : i64, scratch_operands = 0 : i64, tpu.core_type = #tpu.core_type<tc>, window_params = [{transform_indices = @transform_0, window_bounds = array<i64: 2048, 128>}, {pipeline_mode = #tpu.pipeline_mode<synchronous>, transform_indices = @transform_1, window_bounds = array<i64: 64, 64>}, {transform_indices = @transform_2, window_bounds = array<i64: 1, 64, 4096>}]} {
    %get3A = arith.constant 0 : index
    %get3A_0 = arith.constant 0 : index
    %get3A_1 = vector.load %arg1[%get3A, %get3A_0] : memref<2048x128xf32, #tpu.memory_space<vmem>>, vector<2048x128xf32>
    %get3A_2 = arith.constant 0 : index
    %get3A_3 = arith.constant 0 : index
    %get3A_4 = vector.load %arg2[%get3A_2, %get3A_3] : memref<64x64xf32, #tpu.memory_space<vmem>>, vector<64x64xf32>
    %slice3A = vector.extract_strided_slice %get3A_1 {offsets = [0, 0], sizes = [2048, 64], strides = [1, 1]} : vector<2048x128xf32> to vector<2048x64xf32>
    %dot_general3A = arith.constant dense<0.000000e+00> : vector<64x2048xf32>
    %dot_general3A_5 = tpu.matmul %get3A_4, %slice3A, %dot_general3A {dimension_numbers = #tpu.dot_dimension_numbers<[1], [1], [0], [0], [0, 0, 1, 0], [], []>, transpose_lhs_hint = false} : vector<64x64xf32>, vector<2048x64xf32>, vector<64x2048xf32> -> vector<64x2048xf32>
    %swap3A = arith.constant 0 : index
    %swap3A_6 = arith.constant 0 : index
    %swap3A_7 = arith.constant 0 : index
    %swap3A_8 = vector.load %arg3[%swap3A, %swap3A_6, %swap3A_7] : memref<1x64x4096xf32, #tpu.memory_space<vmem>>, vector<1x64x2048xf32>
    %swap3A_9 = vector.shape_cast %swap3A_8 : vector<1x64x2048xf32> to vector<64x2048xf32>
    %swap3A_10 = vector.shape_cast %dot_general3A_5 : vector<64x2048xf32> to vector<1x64x2048xf32>
    tpu.vector_store %arg3[%swap3A, %swap3A_6, %swap3A_7], %swap3A_10 {strides = array<i32>} : memref<1x64x4096xf32, #tpu.memory_space<vmem>>, vector<1x64x2048xf32>,
    %get3A_11 = arith.constant 0 : index
    %get3A_12 = arith.constant 0 : index
    %get3A_13 = vector.load %arg2[%get3A_11, %get3A_12] : memref<64x64xf32, #tpu.memory_space<vmem>>, vector<64x64xf32>
    %slice3A_14 = vector.extract_strided_slice %get3A_1 {offsets = [0, 64], sizes = [2048, 64], strides = [1, 1]} : vector<2048x128xf32> to vector<2048x64xf32>
    %dot_general3A_15 = arith.constant dense<0.000000e+00> : vector<64x2048xf32>
    %dot_general3A_16 = tpu.matmul %get3A_13, %slice3A_14, %dot_general3A_15 {dimension_numbers = #tpu.dot_dimension_numbers<[1], [1], [0], [0], [0, 0, 1, 0], [], []>, transpose_lhs_hint = false} : vector<64x64xf32>, vector<2048x64xf32>, vector<64x2048xf32> -> vector<64x2048xf32>
    %swap3A_17 = arith.constant 0 : index
    %swap3A_18 = arith.constant 0 : index
    %swap3A_19 = arith.constant 2048 : index
    %swap3A_20 = vector.load %arg3[%swap3A_17, %swap3A_18, %swap3A_19] : memref<1x64x4096xf32, #tpu.memory_space<vmem>>, vector<1x64x2048xf32>
    %swap3A_21 = vector.shape_cast %swap3A_20 : vector<1x64x2048xf32> to vector<64x2048xf32>
    %swap3A_22 = vector.shape_cast %dot_general3A_16 : vector<64x2048xf32> to vector<1x64x2048xf32>
    tpu.vector_store %arg3[%swap3A_17, %swap3A_18, %swap3A_19], %swap3A_22 {strides = array<i32>} : memref<1x64x4096xf32, #tpu.memory_space<vmem>>, vector<1x64x2048xf32>,
    return
  }
  func.func @transform_0(%arg0: i32) -> (i32, i32) {
    %c0_i32 = arith.constant 0 : i32
    %c0_i32_0 = arith.constant 0 : i32
    return %arg0, %c0_i32 : i32, i32
  }
  func.func @transform_1(%arg0: i32) -> (i32, i32) {
    %c0_i32 = arith.constant 0 : i32
    %c0_i32_0 = arith.constant 0 : i32
    %c0_i32_1 = arith.constant 0 : i32
    return %c0_i32, %c0_i32_0 : i32, i32
  }
  func.func @transform_2(%arg0: i32) -> (i32, i32, i32) {
    %c0_i32 = arith.constant 0 : i32
    %c0_i32_0 = arith.constant 0 : i32
    %c0_i32_1 = arith.constant 0 : i32
    return %arg0, %c0_i32, %c0_i32_0 : i32, i32, i32
  }
}

</mosaic_0001>

<sc_bundles>
// kernel: kernel.12.cloned.1.call-start
scs
__scs_entry_jumppad:
0x0: {  	(pc) =	sbr.rel $0x88, $3  }
0x1: {  	(tag) =	ssettag $0x0;
	lr =	simm.s32 $0x1  }
0x2: {  	[smem:$0x3F93] =	sst lr;
	_ =	strace $0xD0000000  }
0x3: {  	_ = 	snop  }
0x4: {  	_ = 	snop  }
0x5: {  	_ = 	snop  }
0x6: {  	_ = 	snop  }
0x7: {  	_ = 	snop  }
__scs_overlays_trampoline_lowered:
0x8: {  	[smem:$0x3FA2] =	sst s0  }
0x9: {  	[smem:$0x3FA3] =	sst s1  }
0xa: {  	[smem:$0x3FA4] =	sst s2  }
0xb: {  	[smem:$0x3FA5] =	sst s3  }
0xc: {  	[smem:$0x3FA6] =	sst s4  }
0xd: {  	[smem:$0x3FA7] =	sst s5  }
0xe: {  	[smem:$0x3FA8] =	sst s6  }
0xf: {  	[smem:$0x3FA9] =	sst s7  }
0x10: {  	[smem:$0x3FAA] =	sst s8  }
0x11: {  	[smem:$0x3FAB] =	sst s9;
	s0 =	simm.s32 @!p0 $0x0  }
0x12: {  	s1 =	sld [smem:$0x3F91];
	s0 =	simm.s32 @p0 $0x1  }
0x13: {  	[smem:$0x3FAC] =	sst s0;
	s0 =	simm.s32 @!p1 $0x0  }
0x14: {  	s2 =	sld [smem:$0x3F90];
	s0 =	simm.s32 @p1 $0x1  }
0x15: {  	[smem:$0x3FAD] =	sst s0;
	s0 =	simm.s32 @!p2 $0x0  }
0x16: {  	s3 =	sld [smem:$0x3FDB];
	s0 =	simm.s32 @p2 $0x1  }
0x17: {  	s4 =	simm.s32 $0x1BF5;
	[smem:$0x3FAF] =	sst s0  }
0x18: {  	s0 =	sld [smem:$0x3F92];
	_ =	swait.ge [sflag:s4], $0x0  }
0x19: {  	s7 =	sld [smem:$0x3F93]  }
0x1a: {  	s8 =	sadd.s32 $0xFFFFE003, lr  }
0x1b: {  	s9 =	sadd.s32 $0xFFFFFEF7, lr;
	s5 =	simm.s32 $0xFFFFFFFF;
	p2 =	slt.u32 s8, $0xFFFFF086  }
0x1c: {  	p1 =	slt.u32 s9, $0xF7A;
	s5 =	simm.s32 @!p2 $0x0  }
0x1d: {  	s5 =	simm.s32 @p1 $0x1;
	p0 =	seq.s32 s7, s2  }
0x1e: {  	s7 =	smul.u32 @!p0 $0xF7A, s2;
	p2 =	seq.s32 @!p0 s5, $0x0  }
0x1f: {  	s9 =	smul.u32 $0xF7A, s1;
	s8 =	simm.s32 @!p0 $0x1BF5;
	p2 =	por !p2, p0  }
0x20: {  	[sflag:s8] =	ssyncset.s32 @!p0 $0xFFFFF086;
	s6 =	sadd.s32 @!p0 s3, s7;
	s7 =	simm.s32 @!p0 $0x108  }
0x21: {  	s3 =	sadd.s32 s3, s9;
	s6 =	sadd.s32 @!p0 $0x88, s6;
	s7 =	simm.s32 @p2 $0x1082  }
0x22: {  	[simem:s7], [sflag:s8] =	dma.local @!p0 [hbm:s6], $0xF7A  }
0x23: {  	s9 =	sor.u32 $0xD0000000, s2;
	s6 =	simm.s32 $0x108;
	_ =	swait.ge @!p0 [sflag:s8], $0x0  }
0x24: {  	s3 =	sadd.s32 $0x88, s3;
	s6 =	simm.s32 @!p1 $0x1082;
	[sflag:s4] =	ssyncset.s32 $0xFFFFF086  }
0x25: {  	[simem:s6], [sflag:s4] =	dma.local [hbm:s3], $0xF7A  }
0x26: {  	[smem:$0x3F93] =	sst s1;
	(tag) =	ssettag s2;
	_ =	strace s9  }
0x27: {  	s1 =	sld [smem:$0x3FA3]  }
0x28: {  	s2 =	sld [smem:$0x3FA4]  }
0x29: {  	s4 =	sld [smem:$0x3FA6]  }
0x2a: {  	p0 =	seq.s32 s5, $0x0;
	s5 =	sld [smem:$0x3FA7]  }
0x2b: {  	s6 =	sld [smem:$0x3FA8]  }
0x2c: {  	s7 =	sld [smem:$0x3FA9]  }
0x2d: {  	s3 =	simm.s32 $0x108;
	s8 =	sld [smem:$0x3FAA]  }
0x2e: {  	s3 =	simm.s32 @!p0 $0x1082;
	s9 =	sld [smem:$0x3FAB]  }
0x2f: {  	lr =	sadd.s32 s0, s3;
	s0 =	sld [smem:$0x3FA2]  }
0x30: {  	s3 =	sld [smem:$0x3FA5]  }
0x31: {  	[smem:$0x3FAE] =	sst s10  }
0x32: {  	s10 =	sld [smem:$0x3FAC];
	_ =	sdelay $0x3  }
0x33: {  	p0 =	seq.s32 s10, $0x1;
	s10 =	sld [smem:$0x3FAE];
	_ =	sdelay $0x3  }
0x34: {  	[smem:$0x3FAE] =	sst s10  }
0x35: {  	s10 =	sld [smem:$0x3FAD];
	_ =	sdelay $0x3  }
0x36: {  	p1 =	seq.s32 s10, $0x1;
	s10 =	sld [smem:$0x3FAE];
	_ =	sdelay $0x3  }
0x37: {  	[smem:$0x3FAE] =	sst s10  }
0x38: {  	s10 =	sld [smem:$0x3FAF]  }
0x39: {  	_ = 	snop;
	(pc) =	sbr.ind lr, $3  }
0x3a: {  	_ = 	snop  }
0x3b: {  	_ = 	snop  }
0x3c: {  	p2 =	seq.s32 s10, $0x1;
	s10 =	sld [smem:$0x3FAE]  }
0x3d: {  	_ =	shalt  }
0x3e: {  	_ =	shalt  }
0x3f: {  	_ =	shalt  }
0x40: {  	_ =	shalt  }
0x41: {  	_ =	shalt  }
0x42: {  	_ =	shalt  }
0x43: {  	_ =	shalt  }
0x44: {  	_ =	shalt  }
0x45: {  	_ =	shalt  }
0x46: {  	_ =	shalt  }
0x47: {  	_ =	shalt  }
0x48: {  	_ =	shalt  }
0x49: {  	_ =	shalt  }
0x4a: {  	_ =	shalt  }
0x4b: {  	_ =	shalt  }
0x4c: {  	_ =	shalt  }
0x4d: {  	_ =	shalt  }
0x4e: {  	_ =	shalt  }
0x4f: {  	_ =	shalt  }
0x50: {  	_ =	shalt  }
0x51: {  	_ =	shalt  }
0x52: {  	_ =	shalt  }
0x53: {  	_ =	shalt  }
0x54: {  	_ =	shalt  }
0x55: {  	_ =	shalt  }
0x56: {  	_ =	shalt  }
0x57: {  	_ =	shalt  }
0x58: {  	_ =	shalt  }
0x59: {  	_ =	shalt  }
0x5a: {  	_ =	shalt  }
0x5b: {  	_ =	shalt  }
0x5c: {  	_ =	shalt  }
0x5d: {  	_ =	shalt  }
0x5e: {  	_ =	shalt  }
0x5f: {  	_ =	shalt  }
0x60: {  	_ =	shalt  }
0x61: {  	_ =	shalt  }
0x62: {  	_ =	shalt  }
0x63: {  	_ =	shalt  }
0x64: {  	_ =	shalt  }
0x65: {  	_ =	shalt  }
0x66: {  	_ =	shalt  }
0x67: {  	_ =	shalt  }
0x68: {  	_ =	shalt  }
0x69: {  	_ =	shalt  }
0x6a: {  	_ =	shalt  }
0x6b: {  	_ =	shalt  }
0x6c: {  	_ =	shalt  }
0x6d: {  	_ =	shalt  }
0x6e: {  	_ =	shalt  }
0x6f: {  	_ =	shalt  }
0x70: {  	_ =	shalt  }
0x71: {  	_ =	shalt  }
0x72: {  	_ =	shalt  }
0x73: {  	_ =	shalt  }
0x74: {  	_ =	shalt  }
0x75: {  	_ =	shalt  }
0x76: {  	_ =	shalt  }
0x77: {  	_ =	shalt  }
0x78: {  	_ =	shalt  }
0x79: {  	_ =	shalt  }
0x7a: {  	_ =	shalt  }
0x7b: {  	_ =	shalt  }
0x7c: {  	_ =	shalt  }
0x7d: {  	_ =	shalt  }
0x7e: {  	_ =	shalt  }
0x7f: {  	_ =	shalt  }
0x80: {  	_ =	shalt  }
0x81: {  	_ =	shalt  }
0x82: {  	_ =	shalt  }
0x83: {  	_ =	shalt  }
0x84: {  	_ =	shalt  }
0x85: {  	_ =	shalt  }
0x86: {  	_ =	shalt  }
0x87: {  	_ =	shalt  }
.Lfunc_end0:
.L_simem_size_0:
called_computation.4_lowered:
.L_overlay_start_0:
0x88: {  	s2 =	sld [smem:$0x3FD9]  }
0x89: {  	s3 =	sld [smem:$0x3FFE];
	_ =	sdelay $0x1  }
0x8a: {  	s1 =	srdreg.scid  }
0x8b: {  	s0 =	sand.u32 $0x1, s1  }
0x8c: {  	s14 =	sshll.u32 s0, $0xA;
	s2 =	sadd.s32 s3, s2  }
0x8d: {  	s2 =	sadd.s32 s2, s14  }
0x8e: {  	[smem:$0x3FBA] =	sst s2  }
0x8f: {  	_ = 	snop  }
0x90: {  	s2 =	sld [smem:$0x3FD0];
	_ =	sdelay $0x2  }
0x91: {  	s15 =	simm.s32 $0xD;
	s4 =	simm.s32 $0x10  }
0x92: {  	[smem:s4], [sflag:s15] =	dma.local [hbm:s2], $0x1  }
0x93: {  	_ =	swait.eq [sflag:s15], $0x1  }
0x94: {  	s16 =	sld [smem:$0x10];
	[sflag:s15] =	ssyncset.done $0x0  }
0x95: {  	s17 =	sld [smem:$0x11];
	[sflag:s15] =	ssyncadd.s32 $0xFFFFFFFF  }
0x96: {  	s18 =	sld [smem:$0x13];
	(tm) =	ssettm $0x1  }
0x97: {  	s5 =	sld [smem:$0x3FFB];
	_ =	sdelay $0x3  }
0x98: {  	_ =	strace s5  }
0x99: {  	s5 =	sld [smem:$0x3FFC];
	_ =	sdelay $0x3  }
0x9a: {  	_ =	strace s5  }
0x9b: {  	s5 =	sld [smem:$0x3FFD];
	_ =	sdelay $0x3  }
0x9c: {  	_ =	strace s5  }
0x9d: {  	_ =	strace $0x8FFFFFFF  }
0x9e: {  	s19 =	sld [smem:$0x3FDB];
	_ =	sdelay $0x1  }
0x9f: {  	s6 =	simm.s32 $_scs_section_size  }
0xa0: {  	s7 =	simm.s32 $_size__tile_overlayer_lowered;
	s8 =	simm.s32 $_tile_overlayer_lowered  }
0xa1: {  	s22 =	simm.s32 $0x1BFF;
	s21 =	sshll.u32 s8, $0x1;
	s5 =	sadd.s32 s6, s19  }
0xa2: {  	s9 =	simm.s32 $0x0;
	s20 =	sshll.u32 s7, $0x1;
	s7 =	sadd.s32 s21, s5  }
0xa3: {  	[timem:s9], [sflag:s22] =	dma.local [hbm:s7], s20  }
0xa4: {  	_ =	swait.ge [sflag:s22], s20  }
0xa5: {  	s6 =	ssub.s32 $0x0, s20;
	[sflag:s22] =	ssyncset.done $0x0  }
0xa6: {  	[sflag:s22] =	ssyncadd.s32 s6;
	_ =	sdelay $0x1  }
0xa7: {  	s23 =	simm.s32 $0x1B8B  }
0xa8: {  	_ =	swait.ge [sflag:s23], $0x1  }
0xa9: {  	[sflag:s23] =	ssyncset.done $0x0  }
0xaa: {  	s25 =	simm.s32 $0x1B8E;
	s24 =	sld [smem:$0x3FFE];
	[sflag:s23] =	ssyncadd.s32 $0xFFFFFFFF  }
0xab: {  	s26 =	simm.s32 $execute0_lowered;
	[smem:$0x3FD2] =	sst s25  }
0xac: {  	s7 =	sshll.u32 s26, $0x1;
	_ =	strace $0x80000046;
	[dreg:$0x1] =	wrdreg $0xFFFFFFFF  }
0xad: {  	s28 =	simm.s32 $_size_execute0_lowered;
	s5 =	sadd.s32 s5, s7;
	[dreg:$0x0] =	wrdreg $0x0  }
0xae: {  	s7 =	sshll.u32 s28, $0x1;
	[dreg:$0x2] =	wrdreg s5  }
0xaf: {  	[dreg:$0x3] =	wrdreg s7  }
0xb0: {  	[dreg:$0x4] =	wrdreg $0xC0  }
0xb1: {  	_ =	task [dreg:s9], $0x5FFFF  }
0xb2: {  	[dreg:$0x1] =	wrdreg $0xFFFFFFFF  }
0xb3: {  	[dreg:$0x0] =	wrdreg $0x60  }
0xb4: {  	[dreg:$0x2] =	wrdreg s24  }
0xb5: {  	[dreg:$0x3] =	wrdreg s16  }
0xb6: {  	[dreg:$0x4] =	wrdreg s17  }
0xb7: {  	[dreg:$0x5] =	wrdreg s18  }
0xb8: {  	[dreg:$0x6] =	wrdreg $0xA  }
0xb9: {  	_ =	task.clear_ibuf [dreg:s9], $0x7FFFF;
	_ =	strace $0x90000046  }
0xba: {  	s29 =	simm.s32 $0xA;
	_ =	strace $0x80000053  }
0xbb: {  	_ =	swait.ge [sflag:s29], $0x1  }
0xbc: {  	[sflag:s29] =	ssyncadd.s32 $0xFFFFFFFF  }
0xbd: {  	_ =	strace $0x90000053  }
0xbe: {  	_ =	sfence  }
0xbf: {  	s30 =	sld [smem:$0x0];
	_ =	sdelay $0x2  }
0xc0: {  	s31 =	sshll.u32 s1, $0xD;
	s1 =	sshrl.u32 s1, $0x2  }
0xc1: {  	s3 =	sand.u32 $0x4000, s31;
	s1 =	sadd.s32 s1, s30  }
0xc2: {  	s0 =	sor.u32 s3, s0;
	s1 =	sshll.u32 s1, $0x11  }
0xc3: {  	s0 =	sor.u32 s1, s0  }
0xc4: {  	s0 =	sadd.s32 $0x8F2B, s0  }
0xc5: {  	[sflag:s0] =	ssyncadd.remote.s32 $0x1  }
0xc6: {  	_ =	sfence.sel $0xFFFF  }
0xc7: {  	[dreg:$0x0] =	wrdreg $0xFFFFFFFF;
	(pc) =	sbr.abs _section_cstart, $3  }
0xc8: {  	[dreg:$0x1] =	wrdreg $0xFFFFFFFF  }
0xc9: {  	_ =	task.clear_ibuf [dreg:s9], $0x2FFFF;
	_ =	strace $0x9FFFFFFF  }
0xca: {  	(tm) =	ssettm $0x7FFFFFFF  }
0xcb: {  	_ =	shalt  }
tec
execute0_lowered:
.L_overlay_start_1:
0x0: {  	(tag) =	ssettag $0x1  }
0x1: {  	s0 =	rddreg [dreg:$0x0]  }
0x2: {  	s1 =	rddreg [dreg:$0x1]  }
0x3: {  	s2 =	rddreg [dreg:$0x2]  }
0x4: {  	s3 =	rddreg [dreg:$0x3];
	s4 =	srdreg.scid  }
0x5: {  	s5 =	simm.s32 $0x0;
	s7 =	stileid.u32;
	s4 =	sand.u32 $0x1, s4  }
0x6: {  	s14 =	simm.s32 $0x80;
	s15 =	simm.s32 $0x1;
	s6 =	sshll.u32 s4, $0x4  }
0x7: {  	s16 =	simm.s32 $0x2;
	s17 =	simm.s32 $0x0;
	s9 =	sor.u32 s7, s6  }
0x8: {  	[smem:$0x7FF] =	sst s5;
	s8 =	sadd.s32 $0x1C200, s0;
	s11 =	smul.u32 $0xC80, s9  }
0x9: {  	_ =	strace $0x80000047;
	s4 =	ssub.s32 $0x2, s4;
	s7 =	sadd.s32 $0x3200, s0  }
0xa: {  	s6 =	sadd.s32 $0x35200, s0;
	s10 =	sshrl.u32 s4, $0x1;
	s30 =	sadd.s32 s7, s11  }
0xb: {  	s29 =	ssub.s32 s4, s10;
	s31 =	sadd.s32 s8, s11;
	[dreg:$0x5] =	wrdreg s30  }
0xc: {  	s9 =	smul.u32 $0x64, s9;
	s12 =	smax.u32 s29, $0x1;
	[dreg:$0x6] =	wrdreg s31  }
.LBB2_1:
0xd: {  	_ =	strace $0x80000048;
	s4 =	simm.s32 $0x200;
	s19 =	simm.s32 $0x64  }
0xe: {  	s29 =	simm.s32 $0x0;
	s18 =	simm.s32 $0x0;
	s20 =	simm.s32 $0x0  }
0xf: {  	s25 =	simm.s32 $0x0;
	s21 =	simm.s32 $0x0;
	s0 =	rddreg [dreg:$0x5]  }
0x10: {  	[tilespmem:s5], [sflag:$0x3] =	stream.linear.gather [hbm4b:s0+s5], $0x100, $0x200038;
	[tilespmem:$0x10400] =	vst v63  }
0x11: {  	s22 =	simm.s32 $0x0;
	s23 =	simm.s32 $0x1;
	s31 =	rddreg [dreg:$0x6]  }
0x12: {  	[tilespmem:s4], [sflag:$0x5] =	stream.linear.gather [hbm4b:s31+s5], $0x100, $0x200038;
	[tilespmem:$0x10400] =	vst v63  }
0x13: {  	s24 =	simm.s32 $0x0;
	s28 =	simm.s32 $0x1;
	_ =	strace $0x90000048  }
.LBB2_2:
0x14: {  	s26 =	sadd.s32 $0x1, s29  }
0x15: {  	p0 =	seq.s32 s26, $0x64  }
0x16: {  	s26 =	simm.s32 @p0 $0x0;
	p0 =	seq.s32 s19, $0x1  }
0x17: {  	p1 =	seq.s32 @!p0 s29, s26  }
0x18: {  	p2 =	por p1, p0  }
0x19: {  	s0 =	sadd.s32 @!p2 s9, s26  }
0x1a: {  	s4 =	sand.u32 @!p2 $0x1, s28;
	s0 =	sshll.u32 @!p2 s0, $0x5  }
0x1b: {  	_ =	strace @!p2 $0x80000049;
	s31 =	simm.s32 @!p2 $0x0;
	s0 =	sand.u32 @!p2 $0x1FFFFFE0, s0  }
0x1c: {  	s13 =	sshll.u32 @!p2 s4, $0x8;
	s4 =	sadd.s32 @!p2 $0x3, s4;
	s30 =	sadd.s32 @!p2 s7, s0  }
0x1d: {  	[tilespmem:s13], [sflag:s4] =	stream.linear.gather @!p2 [hbm4b:s30+s31], $0x100, $0x200038;
	[tilespmem:$0x10400] =	vst v63  }
0x1e: {  	s4 =	sand.u32 @!p2 $0x1, s23  }
0x1f: {  	s0 =	sadd.s32 @!p2 s8, s0;
	_ =	strace @!p2 $0x90000049;
	s13 =	sshll.u32 @!p2 s4, $0x8  }
0x20: {  	s4 =	sadd.s32 @!p2 $0x5, s4;
	_ =	strace @!p2 $0x8000004A;
	s13 =	sor.u32 @!p2 $0x200, s13  }
0x21: {  	[tilespmem:s13], [sflag:s4] =	stream.linear.gather @!p2 [hbm4b:s0+s31], $0x100, $0x200038;
	[tilespmem:$0x10400] =	vst v63  }
0x22: {  	s31 =	sand.u32 $0x1, s24;
	_ =	strace @!p2 $0x9000004A  }
0x23: {  	s0 =	sadd.s32 $0x3, s31;
	_ =	strace $0x8000004B  }
0x24: {  	_ =	swait.ge [sflag:s0], $0x100  }
0x25: {  	[sflag:s0] =	ssyncset.done $0x0  }
0x26: {  	[sflag:s0] =	ssyncadd.s32 $0xFFFFFF00  }
0x27: {  	s4 =	sand.u32 $0x1, s22;
	_ =	strace $0x9000004B  }
0x28: {  	s0 =	sadd.s32 $0x5, s4;
	_ =	strace $0x8000004C  }
0x29: {  	_ =	swait.ge [sflag:s0], $0x100  }
0x2a: {  	[sflag:s0] =	ssyncset.done $0x0  }
0x2b: {  	s30 =	sand.u32 $0x1, s21;
	[sflag:s0] =	ssyncadd.s32 $0xFFFFFF00  }
0x2c: {  	s11 =	sshll.u32 s24, $0x8;
	s10 =	sshll.u32 s30, $0xE;
	_ =	strace $0x9000004C  }
0x2d: {  	s31 =	sor.u32 $0x400, s10;
	s4 =	sand.u32 $0x100, s11;
	_ =	strace $0x8000004D  }
0x2e: {  	[tilespmem:s31], [sflag:$0x1] =	stream.indirect.gather [hbm4b:s6+s14], $0x40, s4, s14, $0x2000b8;
	[tilespmem:$0x10400] =	vst v63  }
0x2f: {  	s0 =	sor.u32 $0x2400, s10;
	s4 =	sor.u32 $0x80, s4  }
0x30: {  	[tilespmem:s0], [sflag:$0x1] =	stream.indirect.gather [hbm4b:s6+s14], $0x40, s4, s14, $0x2000b8;
	[tilespmem:$0x10400] =	vst v63  }
0x31: {  	s13 =	sshll.u32 s22, $0x8;
	s4 =	sand.u32 $0x1, s20  }
0x32: {  	s0 =	sand.u32 $0x100, s13;
	s10 =	sshll.u32 s4, $0xE  }
0x33: {  	s11 =	sor.u32 $0x200, s0;
	s13 =	sor.u32 $0x8400, s10  }
0x34: {  	[tilespmem:s13], [sflag:$0x2] =	stream.indirect.gather [hbm4b:s1+s14], $0x40, s11, s14, $0x2000b8;
	[tilespmem:$0x10400] =	vst v63  }
0x35: {  	s0 =	sor.u32 $0x280, s0;
	s10 =	sor.u32 $0xA400, s10  }
0x36: {  	[tilespmem:s10], [sflag:$0x2] =	stream.indirect.gather [hbm4b:s1+s14], $0x40, s0, s14, $0x2000b8;
	[tilespmem:$0x10400] =	vst v63  }
0x37: {  	_ =	swait.ge [sflag:s15], $0x2000  }
0x38: {  	[sflag:s15] =	ssyncset.done $0x0  }
0x39: {  	[sflag:s15] =	ssyncadd.s32 $0xFFFFE000  }
0x3a: {  	_ =	swait.ge [sflag:s15], $0x2000  }
0x3b: {  	[sflag:s15] =	ssyncset.done $0x0  }
0x3c: {  	[sflag:s15] =	ssyncadd.s32 $0xFFFFE000  }
0x3d: {  	_ =	swait.ge [sflag:s16], $0x2000  }
0x3e: {  	[sflag:s16] =	ssyncset.done $0x0  }
0x3f: {  	[sflag:s16] =	ssyncadd.s32 $0xFFFFE000  }
0x40: {  	p3 =	por p0, !p1;
	s0 =	simm.s32 $0x0;
	_ =	swait.ge [sflag:s16], $0x2000  }
0x41: {  	s0 =	sadd.s32 @p3 s9, s29;
	[sflag:s16] =	ssyncset.done $0x0  }
0x42: {  	s0 =	sshll.u32 @p3 s0, $0xB;
	[sflag:s16] =	ssyncadd.s32 $0xFFFFE000  }
0x43: {  	s0 =	sand.u32 @p3 $0x1FFFF800, s0;
	_ =	strace $0x9000004D  }
0x44: {  	s10 =	sadd.s32 @p3 $0x7, s30;
	s11 =	sadd.s32 @p3 s2, s0;
	_ =	strace @p3 $0x8000004E  }
0x45: {  	[hbm4b:s11+s5] =	stream.linear.scatter @p3 [tilespmem:s31], [sflag:s10], $0x4000, $0x200038;
	[tilespmem:$0x10400] =	vst v63  }
0x46: {  	p1 =	por !p1, p0;
	s21 =	sadd.s32 @p3 $0x1, s21;
	_ =	strace @p3 $0x9000004E  }
0x47: {  	s4 =	sadd.s32 @p3 $0x9, s4;
	s0 =	sadd.s32 @p3 s3, s0;
	_ =	strace @p3 $0x8000004F  }
0x48: {  	[hbm4b:s0+s5] =	stream.linear.scatter @p3 [tilespmem:s13], [sflag:s4], $0x4000, $0x200038;
	[tilespmem:$0x10400] =	vst v63  }
0x49: {  	s0 =	simm.s32 @p3 $0x1;
	_ =	strace @p3 $0x9000004F;
	p3 =	seq.s32 s19, $0x64  }
0x4a: {  	s29 =	smov.u32 s26;
	s10 =	sadd.s32 @!p2 $0x1, s28;
	s4 =	sand.u32 @!p3 $0x1, s25  }
0x4b: {  	s13 =	smov.u32 s28;
	_ =	strace @!p3 $0x80000050;
	s4 =	sadd.s32 @!p3 $0x7, s4  }
0x4c: {  	s13 =	smov.u32 @p1 s10;
	s20 =	sadd.s32 s20, s0;
	_ =	swait.ge @!p3 [sflag:s4], $0x4000  }
0x4d: {  	s19 =	sadd.s32 $0xFFFFFFFF, s19;
	s24 =	sadd.s32 s24, s0;
	[sflag:s4] =	ssyncset.done @!p3 $0x0  }
0x4e: {  	s11 =	sand.u32 @!p3 $0x1, s18;
	[sflag:s4] =	ssyncadd.s32 @!p3 $0xFFFFC000;
	s4 =	simm.s32 $0x0  }
0x4f: {  	s13 =	smov.u32 @p0 s28;
	s10 =	simm.s32 @!p3 $0x1;
	s4 =	simm.s32 @p1 $0x1  }
0x50: {  	_ =	strace @!p3 $0x90000050;
	s4 =	simm.s32 @p0 $0x0;
	p0 =	sne.s32 s19, $0x0  }
.Ltmp0:
0x51: {  	s11 =	sadd.s32 @!p3 $0x9, s11;
	_ =	strace @!p3 $0x80000051;
	(pc) =	sbr.rel @p0 .LBB2_2-.Ltmp0, $4  }
0x52: {  	s22 =	sadd.s32 s22, s0;
	s10 =	simm.s32 @p3 $0x0;
	_ =	swait.ge @!p3 [sflag:s11], $0x4000  }
0x53: {  	s23 =	sadd.s32 s23, s4;
	s4 =	sadd.s32 @!p3 $0x1, s25;
	[sflag:s11] =	ssyncset.done @!p3 $0x0  }
0x54: {  	s28 =	smov.u32 s13;
	s4 =	smov.u32 @p3 s25;
	[sflag:s11] =	ssyncadd.s32 @!p3 $0xFFFFC000  }
0x55: {  	s18 =	sadd.s32 s18, s10;
	s25 =	smov.u32 s4;
	_ =	strace @!p3 $0x90000051  }
0x56: {  	s0 =	sand.u32 $0x1, s4  }
0x57: {  	_ =	strace $0x80000052;
	s0 =	sadd.s32 $0x7, s0  }
0x58: {  	s17 =	sadd.s32 $0x1, s17;
	_ =	swait.ge [sflag:s0], $0x4000  }
0x59: {  	s30 =	sand.u32 $0x1, s18;
	p0 =	sne.s32 s17, s12;
	[sflag:s0] =	ssyncset.done $0x0  }
.Ltmp1:
0x5a: {  	s31 =	sadd.s32 $0x9, s30;
	[sflag:s0] =	ssyncadd.s32 $0xFFFFC000;
	(pc) =	sbr.rel @p0 .LBB2_1-.Ltmp1, $4  }
0x5b: {  	_ =	swait.ge [sflag:s31], $0x4000  }
0x5c: {  	[sflag:s31] =	ssyncset.done $0x0  }
0x5d: {  	[sflag:s31] =	ssyncadd.s32 $0xFFFFC000  }
0x5e: {  	_ =	strace $0x90000052  }
0x5f: {  	_ =	sfence.sel $0x180000  }
0x60: {  	[bflag:$0x0] =	sbarrier.arrive $0xFFFF  }
0x61: {  	_ =	strace $0x90000047  }
0x62: {  	s0 =	stileid.u32;
	[bflag:$0x2] =	sbarrier.arrive $0xFFFF  }
0x63: {  	p0 =	sne.s32 s0, $0x0;
	s0 =	rddreg [dreg:$0x4]  }
0x64: {  	s0 =	sadd.s32 @!p0 $0x100000, s0  }
0x65: {  	[sflag:s0] =	ssyncadd.tile.s32 @!p0 $0x1;
	_ =	shalt  }
.Lfunc_end2:
_tile_overlayer_lowered:
.L_overlay_start_2:
0x66: {  	(tag) =	ssettag $0x2  }
0x67: {  	s0 =	rddreg [dreg:$0x0];
	s2 =	stileid.u32  }
0x68: {  	s1 =	rddreg [dreg:$0x1];
	p0 =	sne.s32 s2, $0x0  }
0x69: {  	s3 =	rddreg [dreg:$0x2];
	[bflag:$0x3] =	sbarrier.arrive $0xFFFF;
	s2 =	simm.s32 @!p0 $0x1C03  }
0x6a: {  	[timem:s3], [sflag:s2] =	dma.local @!p0 [hbm:s0], s1  }
0x6b: {  	s0 =	simm.s32 @!p0 $0x3  }
0x6c: {  	_ =	swait.ge @!p0 [sflag:s0], s1  }
0x6d: {  	s1 =	ssub.s32 @!p0 $0x0, s1;
	[sflag:s0] =	ssyncset.done @!p0 $0x0  }
0x6e: {  	[sflag:s0] =	ssyncadd.s32 @!p0 s1  }
0x6f: {  	[bflag:$0x3] =	sbarrier.arrive $0xFFFF  }
0x70: {  	_ =	shalt  }

// kernel: kernel.15.cloned.1.call-start
scs
__scs_entry_jumppad:
0x0: {  	(pc) =	sbr.rel $0x88, $3  }
0x1: {  	(tag) =	ssettag $0x0;
	lr =	simm.s32 $0x1  }
0x2: {  	[smem:$0x3F93] =	sst lr;
	_ =	strace $0xD0000000  }
0x3: {  	_ = 	snop  }
0x4: {  	_ = 	snop  }
0x5: {  	_ = 	snop  }
0x6: {  	_ = 	snop  }
0x7: {  	_ = 	snop  }
__scs_overlays_trampoline_lowered:
0x8: {  	[smem:$0x3FA2] =	sst s0  }
0x9: {  	[smem:$0x3FA3] =	sst s1  }
0xa: {  	[smem:$0x3FA4] =	sst s2  }
0xb: {  	[smem:$0x3FA5] =	sst s3  }
0xc: {  	[smem:$0x3FA6] =	sst s4  }
0xd: {  	[smem:$0x3FA7] =	sst s5  }
0xe: {  	[smem:$0x3FA8] =	sst s6  }
0xf: {  	[smem:$0x3FA9] =	sst s7  }
0x10: {  	[smem:$0x3FAA] =	sst s8  }
0x11: {  	[smem:$0x3FAB] =	sst s9;
	s0 =	simm.s32 @!p0 $0x0  }
0x12: {  	s1 =	sld [smem:$0x3F91];
	s0 =	simm.s32 @p0 $0x1  }
0x13: {  	[smem:$0x3FAC] =	sst s0;
	s0 =	simm.s32 @!p1 $0x0  }
0x14: {  	s2 =	sld [smem:$0x3F90];
	s0 =	simm.s32 @p1 $0x1  }
0x15: {  	[smem:$0x3FAD] =	sst s0;
	s0 =	simm.s32 @!p2 $0x0  }
0x16: {  	s3 =	sld [smem:$0x3FDB];
	s0 =	simm.s32 @p2 $0x1  }
0x17: {  	s4 =	simm.s32 $0x1BF5;
	[smem:$0x3FAF] =	sst s0  }
0x18: {  	s0 =	sld [smem:$0x3F92];
	_ =	swait.ge [sflag:s4], $0x0  }
0x19: {  	s7 =	sld [smem:$0x3F93]  }
0x1a: {  	s8 =	sadd.s32 $0xFFFFE003, lr  }
0x1b: {  	s9 =	sadd.s32 $0xFFFFFEF7, lr;
	s5 =	simm.s32 $0xFFFFFFFF;
	p2 =	slt.u32 s8, $0xFFFFF086  }
0x1c: {  	p1 =	slt.u32 s9, $0xF7A;
	s5 =	simm.s32 @!p2 $0x0  }
0x1d: {  	s5 =	simm.s32 @p1 $0x1;
	p0 =	seq.s32 s7, s2  }
0x1e: {  	s7 =	smul.u32 @!p0 $0xF7A, s2;
	p2 =	seq.s32 @!p0 s5, $0x0  }
0x1f: {  	s9 =	smul.u32 $0xF7A, s1;
	s8 =	simm.s32 @!p0 $0x1BF5;
	p2 =	por !p2, p0  }
0x20: {  	[sflag:s8] =	ssyncset.s32 @!p0 $0xFFFFF086;
	s6 =	sadd.s32 @!p0 s3, s7;
	s7 =	simm.s32 @!p0 $0x108  }
0x21: {  	s3 =	sadd.s32 s3, s9;
	s6 =	sadd.s32 @!p0 $0x88, s6;
	s7 =	simm.s32 @p2 $0x1082  }
0x22: {  	[simem:s7], [sflag:s8] =	dma.local @!p0 [hbm:s6], $0xF7A  }
0x23: {  	s9 =	sor.u32 $0xD0000000, s2;
	s6 =	simm.s32 $0x108;
	_ =	swait.ge @!p0 [sflag:s8], $0x0  }
0x24: {  	s3 =	sadd.s32 $0x88, s3;
	s6 =	simm.s32 @!p1 $0x1082;
	[sflag:s4] =	ssyncset.s32 $0xFFFFF086  }
0x25: {  	[simem:s6], [sflag:s4] =	dma.local [hbm:s3], $0xF7A  }
0x26: {  	[smem:$0x3F93] =	sst s1;
	(tag) =	ssettag s2;
	_ =	strace s9  }
0x27: {  	s1 =	sld [smem:$0x3FA3]  }
0x28: {  	s2 =	sld [smem:$0x3FA4]  }
0x29: {  	s4 =	sld [smem:$0x3FA6]  }
0x2a: {  	p0 =	seq.s32 s5, $0x0;
	s5 =	sld [smem:$0x3FA7]  }
0x2b: {  	s6 =	sld [smem:$0x3FA8]  }
0x2c: {  	s7 =	sld [smem:$0x3FA9]  }
0x2d: {  	s3 =	simm.s32 $0x108;
	s8 =	sld [smem:$0x3FAA]  }
0x2e: {  	s3 =	simm.s32 @!p0 $0x1082;
	s9 =	sld [smem:$0x3FAB]  }
0x2f: {  	lr =	sadd.s32 s0, s3;
	s0 =	sld [smem:$0x3FA2]  }
0x30: {  	s3 =	sld [smem:$0x3FA5]  }
0x31: {  	[smem:$0x3FAE] =	sst s10  }
0x32: {  	s10 =	sld [smem:$0x3FAC];
	_ =	sdelay $0x3  }
0x33: {  	p0 =	seq.s32 s10, $0x1;
	s10 =	sld [smem:$0x3FAE];
	_ =	sdelay $0x3  }
0x34: {  	[smem:$0x3FAE] =	sst s10  }
0x35: {  	s10 =	sld [smem:$0x3FAD];
	_ =	sdelay $0x3  }
0x36: {  	p1 =	seq.s32 s10, $0x1;
	s10 =	sld [smem:$0x3FAE];
	_ =	sdelay $0x3  }
0x37: {  	[smem:$0x3FAE] =	sst s10  }
0x38: {  	s10 =	sld [smem:$0x3FAF]  }
0x39: {  	_ = 	snop;
	(pc) =	sbr.ind lr, $3  }
0x3a: {  	_ = 	snop  }
0x3b: {  	_ = 	snop  }
0x3c: {  	p2 =	seq.s32 s10, $0x1;
	s10 =	sld [smem:$0x3FAE]  }
0x3d: {  	_ =	shalt  }
0x3e: {  	_ =	shalt  }
0x3f: {  	_ =	shalt  }
0x40: {  	_ =	shalt  }
0x41: {  	_ =	shalt  }
0x42: {  	_ =	shalt  }
0x43: {  	_ =	shalt  }
0x44: {  	_ =	shalt  }
0x45: {  	_ =	shalt  }
0x46: {  	_ =	shalt  }
0x47: {  	_ =	shalt  }
0x48: {  	_ =	shalt  }
0x49: {  	_ =	shalt  }
0x4a: {  	_ =	shalt  }
0x4b: {  	_ =	shalt  }
0x4c: {  	_ =	shalt  }
0x4d: {  	_ =	shalt  }
0x4e: {  	_ =	shalt  }
0x4f: {  	_ =	shalt  }
0x50: {  	_ =	shalt  }
0x51: {  	_ =	shalt  }
0x52: {  	_ =	shalt  }
0x53: {  	_ =	shalt  }
0x54: {  	_ =	shalt  }
0x55: {  	_ =	shalt  }
0x56: {  	_ =	shalt  }
0x57: {  	_ =	shalt  }
0x58: {  	_ =	shalt  }
0x59: {  	_ =	shalt  }
0x5a: {  	_ =	shalt  }
0x5b: {  	_ =	shalt  }
0x5c: {  	_ =	shalt  }
0x5d: {  	_ =	shalt  }
0x5e: {  	_ =	shalt  }
0x5f: {  	_ =	shalt  }
0x60: {  	_ =	shalt  }
0x61: {  	_ =	shalt  }
0x62: {  	_ =	shalt  }
0x63: {  	_ =	shalt  }
0x64: {  	_ =	shalt  }
0x65: {  	_ =	shalt  }
0x66: {  	_ =	shalt  }
0x67: {  	_ =	shalt  }
0x68: {  	_ =	shalt  }
0x69: {  	_ =	shalt  }
0x6a: {  	_ =	shalt  }
0x6b: {  	_ =	shalt  }
0x6c: {  	_ =	shalt  }
0x6d: {  	_ =	shalt  }
0x6e: {  	_ =	shalt  }
0x6f: {  	_ =	shalt  }
0x70: {  	_ =	shalt  }
0x71: {  	_ =	shalt  }
0x72: {  	_ =	shalt  }
0x73: {  	_ =	shalt  }
0x74: {  	_ =	shalt  }
0x75: {  	_ =	shalt  }
0x76: {  	_ =	shalt  }
0x77: {  	_ =	shalt  }
0x78: {  	_ =	shalt  }
0x79: {  	_ =	shalt  }
0x7a: {  	_ =	shalt  }
0x7b: {  	_ =	shalt  }
0x7c: {  	_ =	shalt  }
0x7d: {  	_ =	shalt  }
0x7e: {  	_ =	shalt  }
0x7f: {  	_ =	shalt  }
0x80: {  	_ =	shalt  }
0x81: {  	_ =	shalt  }
0x82: {  	_ =	shalt  }
0x83: {  	_ =	shalt  }
0x84: {  	_ =	shalt  }
0x85: {  	_ =	shalt  }
0x86: {  	_ =	shalt  }
0x87: {  	_ =	shalt  }
.Lfunc_end0:
.L_simem_size_0:
called_computation.5_lowered:
.L_overlay_start_0:
0x88: {  	s2 =	sld [smem:$0x3FD9]  }
0x89: {  	s3 =	sld [smem:$0x3FFE];
	_ =	sdelay $0x1  }
0x8a: {  	s1 =	srdreg.scid  }
0x8b: {  	s0 =	sand.u32 $0x1, s1  }
0x8c: {  	s15 =	sshll.u32 s0, $0xA;
	s2 =	sadd.s32 s3, s2  }
0x8d: {  	s2 =	sadd.s32 s2, s15  }
0x8e: {  	[smem:$0x3FBA] =	sst s2  }
0x8f: {  	_ = 	snop  }
0x90: {  	s2 =	sld [smem:$0x3FD0];
	_ =	sdelay $0x2  }
0x91: {  	s16 =	simm.s32 $0xD;
	s4 =	simm.s32 $0x10  }
0x92: {  	[smem:s4], [sflag:s16] =	dma.local [hbm:s2], $0x1  }
0x93: {  	_ =	swait.eq [sflag:s16], $0x1  }
0x94: {  	[sflag:s16] =	ssyncset.done $0x0  }
0x95: {  	[sflag:s16] =	ssyncadd.s32 $0xFFFFFFFF  }
0x96: {  	s17 =	sld [smem:$0x12];
	(tm) =	ssettm $0x1  }
0x97: {  	s18 =	sld [smem:$0x3FFB];
	_ =	sdelay $0x3  }
0x98: {  	_ =	strace s18  }
0x99: {  	s2 =	sld [smem:$0x3FFC];
	_ =	sdelay $0x3  }
0x9a: {  	_ =	strace s2  }
0x9b: {  	s2 =	sld [smem:$0x3FFD];
	_ =	sdelay $0x3  }
0x9c: {  	_ =	strace s2  }
0x9d: {  	_ =	strace $0x8FFFFFFF  }
0x9e: {  	s19 =	sld [smem:$0x3FDB];
	_ =	sdelay $0x1  }
0x9f: {  	s20 =	simm.s32 $_scs_section_size  }
0xa0: {  	s5 =	simm.s32 $_size__tile_overlayer_lowered;
	s6 =	simm.s32 $_tile_overlayer_lowered  }
0xa1: {  	s7 =	simm.s32 $0x1BFF;
	s21 =	sshll.u32 s6, $0x1;
	s4 =	sadd.s32 s20, s19  }
0xa2: {  	s22 =	simm.s32 $0x0;
	s5 =	sshll.u32 s5, $0x1;
	s6 =	sadd.s32 s21, s4  }
0xa3: {  	[timem:s22], [sflag:s7] =	dma.local [hbm:s6], s5  }
0xa4: {  	_ =	swait.ge [sflag:s7], s5  }
0xa5: {  	s5 =	ssub.s32 $0x0, s5;
	[sflag:s7] =	ssyncset.done $0x0  }
0xa6: {  	[sflag:s7] =	ssyncadd.s32 s5;
	_ =	sdelay $0x1  }
0xa7: {  	s23 =	simm.s32 $0x1B8B  }
0xa8: {  	_ =	swait.ge [sflag:s23], $0x1  }
0xa9: {  	[sflag:s23] =	ssyncset.done $0x0  }
0xaa: {  	[sflag:s23] =	ssyncadd.s32 $0xFFFFFFFF  }
0xab: {  	s5 =	sld [smem:$0x0]  }
0xac: {  	s6 =	sand.u32 $0xFFFFFFFE, s1  }
0xad: {  	p0 =	sne.s32 s1, s6  }
0xae: {  	s6 =	sshll.u32 @p0 s6, $0xE  }
0xaf: {  	s6 =	sadd.s32 @p0 $0x11B8D, s6;
	s7 =	sshll.u32 @p0 s5, $0x11  }
0xb0: {  	s6 =	sor.u32 @p0 s7, s6  }
0xb1: {  	[sflag:s6] =	ssyncadd.remote.s32 @p0 $0x1;
	_ =	sdelay $0x1  }
0xb2: {  	s6 =	simm.s32 @p0 $0x1B8D  }
0xb3: {  	_ =	swait.eq @p0 [sflag:s6], $0x1  }
0xb4: {  	[sflag:s6] =	ssyncadd.s32 @p0 $0xFFFFFFFF  }
0xb5: {  	s7 =	sshll.u32 @!p0 s1, $0xE  }
0xb6: {  	s7 =	sor.u32 @!p0 $0x4000, s7;
	s6 =	simm.s32 @!p0 $0x1B8D  }
0xb7: {  	s5 =	sshll.u32 @!p0 s5, $0x11;
	s7 =	sadd.s32 @!p0 $0x11B8D, s7;
	_ =	swait.eq @!p0 [sflag:s6], $0x1  }
0xb8: {  	s5 =	sor.u32 @!p0 s5, s7;
	[sflag:s6] =	ssyncadd.s32 @!p0 $0xFFFFFFFF  }
0xb9: {  	s25 =	simm.s32 $0x1B8E;
	s24 =	sld [smem:$0x3FFE];
	[sflag:s5] =	ssyncadd.remote.s32 @!p0 $0x1  }
0xba: {  	s26 =	simm.s32 $execute0_lowered;
	[smem:$0x3FD2] =	sst s25  }
0xbb: {  	s6 =	sshll.u32 s26, $0x1;
	_ =	strace $0x80000054;
	[dreg:$0x1] =	wrdreg $0xFFFFFFFF  }
0xbc: {  	s28 =	simm.s32 $_size_execute0_lowered;
	s4 =	sadd.s32 s4, s6;
	[dreg:$0x0] =	wrdreg $0x0  }
0xbd: {  	s6 =	sshll.u32 s28, $0x1;
	[dreg:$0x2] =	wrdreg s4  }
0xbe: {  	[dreg:$0x3] =	wrdreg s6  }
0xbf: {  	[dreg:$0x4] =	wrdreg $0xC0  }
0xc0: {  	_ =	task [dreg:s22], $0x5FFFF  }
0xc1: {  	[dreg:$0x1] =	wrdreg $0xFFFFFFFF  }
0xc2: {  	[dreg:$0x0] =	wrdreg $0x60  }
0xc3: {  	[dreg:$0x2] =	wrdreg s24  }
0xc4: {  	[dreg:$0x3] =	wrdreg s17  }
0xc5: {  	[dreg:$0x4] =	wrdreg $0xC  }
0xc6: {  	_ =	task.clear_ibuf [dreg:s22], $0x5FFFF;
	_ =	strace $0x90000054  }
0xc7: {  	s29 =	simm.s32 $0xC;
	_ =	strace $0x8000005D  }
0xc8: {  	_ =	swait.ge [sflag:s29], $0x1  }
0xc9: {  	[sflag:s29] =	ssyncadd.s32 $0xFFFFFFFF  }
0xca: {  	_ =	strace $0x9000005D  }
0xcb: {  	_ =	sfence  }
0xcc: {  	s30 =	sld [smem:$0x0];
	_ =	sdelay $0x2  }
0xcd: {  	s31 =	sshll.u32 s1, $0xD;
	s1 =	sshrl.u32 s1, $0x2  }
0xce: {  	s4 =	sand.u32 $0x4000, s31;
	s1 =	sadd.s32 s1, s30  }
0xcf: {  	s0 =	sor.u32 s4, s0;
	s1 =	sshll.u32 s1, $0x11  }
0xd0: {  	s0 =	sor.u32 s1, s0  }
0xd1: {  	s0 =	sadd.s32 $0x8F2B, s0  }
0xd2: {  	[sflag:s0] =	ssyncadd.remote.s32 $0x1  }
0xd3: {  	_ =	sfence.sel $0xFFFF  }
0xd4: {  	[dreg:$0x0] =	wrdreg $0xFFFFFFFF;
	(pc) =	sbr.abs _section_cstart, $3  }
0xd5: {  	[dreg:$0x1] =	wrdreg $0xFFFFFFFF  }
0xd6: {  	_ =	task.clear_ibuf [dreg:s22], $0x2FFFF;
	_ =	strace $0x9FFFFFFF  }
0xd7: {  	(tm) =	ssettm $0x7FFFFFFF  }
tec
execute0_lowered:
.L_overlay_start_1:
0x0: {  	(tag) =	ssettag $0x1  }
0x1: {  	s4 =	rddreg [dreg:$0x0]  }
0x2: {  	s0 =	rddreg [dreg:$0x1];
	s1 =	srdreg.scid;
	s2 =	simm.s32 $0x0  }
0x3: {  	s9 =	simm.s32 $0x80;
	s10 =	simm.s32 $0x5;
	[dreg:$0x3] =	wrdreg s0  }
0x4: {  	s11 =	simm.s32 $0x0;
	s0 =	rddreg [dreg:$0x2];
	s3 =	sand.u32 $0x1, s1  }
0x5: {  	[smem:$0x7FF] =	sst s2;
	s1 =	stileid.u32;
	s5 =	sshll.u32 s3, $0x4  }
0x6: {  	_ =	strace $0x80000055;
	s6 =	ssub.s32 $0x2, s3;
	s5 =	sor.u32 s1, s5  }
0x7: {  	s3 =	sadd.s32 $0xF87000, s4;
	s7 =	sshrl.u32 s6, $0x1;
	s8 =	smul.u32 $0xC80, s5  }
0x8: {  	s4 =	sadd.s32 $0x44C00, s4;
	s7 =	ssub.s32 s6, s7;
	s5 =	smul.u32 $0x64, s5  }
0x9: {  	s7 =	smax.u32 s7, $0x1;
	s6 =	sadd.s32 s4, s8;
	s8 =	simm.s32 $0x1  }
.LBB2_1:
0xa: {  	_ =	strace $0x80000056;
	s12 =	simm.s32 $0x1;
	p0 =	por $0x0, $0x0  }
0xb: {  	[tilespmem:s2], [sflag:$0x2] =	stream.linear.gather [hbm4b:s6+s2], $0x100, $0x200038;
	[tilespmem:$0x8200] =	vst v63  }
0xc: {  	s12 =	simm.s32 @p0 $0x0  }
0xd: {  	p5 =	por $0x1, $0x1;
	p1 =	sne.s32 s12, $0x0  }
0xe: {  	p0 =	por !p5, !p1  }
0xf: {  	s19 =	sand.u32 $0x1, s2;
	s30 =	simm.s32 $0x0;
	p3 =	por !p0, !p0  }
0x10: {  	p4 =	por $0x0, $0x0;
	s18 =	sadd.s32 $0x0, s5;
	s13 =	sadd.s32 @p3 s5, s12  }
0x11: {  	_ =	strace $0x90000056;
	s14 =	sand.u32 @p3 $0x1, s8;
	s13 =	sshll.u32 @p3 s13, $0x5  }
0x12: {  	s15 =	simm.s32 @p3 $0x0;
	_ =	strace @p3 $0x80000057;
	s13 =	sand.u32 @p3 $0x1FFFFFE0, s13  }
0x13: {  	s16 =	sshll.u32 @p3 s14, $0x8;
	s14 =	sor.u32 @p3 $0x2, s14;
	s13 =	sadd.s32 @p3 s4, s13  }
0x14: {  	[tilespmem:s16], [sflag:s14] =	stream.linear.gather @p3 [hbm4b:s13+s15], $0x100, $0x200038;
	[tilespmem:$0x8200] =	vst v63  }
0x15: {  	p6 =	por $0x1, $0x1;
	s26 =	simm.s32 $0x1;
	_ =	strace @p3 $0x90000057  }
0x16: {  	s29 =	sor.u32 $0x2, s19;
	s31 =	sshll.u32 s19, $0xE;
	_ =	strace $0x80000058  }
0x17: {  	s21 =	sor.u32 $0x200, s31;
	p5 =	por p4, p1;
	_ =	swait.ge [sflag:s29], $0x100  }
0x18: {  	p0 =	por $0x1, $0x1;
	s23 =	sshll.u32 @p5 s18, $0xB;
	[sflag:s29] =	ssyncset.done $0x0  }
0x19: {  	s26 =	simm.s32 @!p5 $0x0;
	s18 =	simm.s32 $0x0;
	[sflag:s29] =	ssyncadd.s32 $0xFFFFFF00  }
0x1a: {  	s17 =	sand.u32 @!p0 $0x1, s2;
	p2 =	por p0, p0;
	_ =	strace $0x90000058  }
0x1b: {  	p0 =	por $0x0, $0x0;
	s16 =	sand.u32 $0x100, s30;
	_ =	strace $0x80000059  }
0x1c: {  	[tilespmem:s21], [sflag:$0x1] =	stream.indirect.gather [hbm4b:s3+s9], $0x40, s16, s9, $0x2000b8;
	[tilespmem:$0x8200] =	vst v63  }
0x1d: {  	s22 =	sor.u32 @!p2 $0x4, s17;
	s14 =	sor.u32 $0x2200, s31;
	s16 =	sor.u32 $0x80, s16  }
0x1e: {  	[tilespmem:s14], [sflag:$0x1] =	stream.indirect.gather [hbm4b:s3+s9], $0x40, s16, s9, $0x2000b8;
	[tilespmem:$0x8200] =	vst v63  }
0x1f: {  	s17 =	sadd.s32 $0x1, s12;
	s13 =	simm.s32 $0x63;
	_ =	swait.ge [sflag:s8], $0x2000  }
0x20: {  	s16 =	simm.s32 $0x1;
	s14 =	simm.s32 $0x1;
	[sflag:s8] =	ssyncset.done $0x0  }
0x21: {  	s16 =	simm.s32 @!p3 $0x0;
	p3 =	por $0x0, $0x0;
	[sflag:s8] =	ssyncadd.s32 $0xFFFFE000  }
0x22: {  	s14 =	simm.s32 @!p3 $0x0;
	p3 =	seq.s32 s17, $0x64;
	_ =	swait.ge [sflag:s8], $0x2000  }
0x23: {  	s15 =	simm.s32 $0x62;
	s17 =	simm.s32 @p3 $0x0;
	[sflag:s8] =	ssyncset.done $0x0  }
0x24: {  	s20 =	sadd.s32 $0x1, s16;
	p1 =	sne.s32 s12, s17;
	[sflag:s8] =	ssyncadd.s32 $0xFFFFE000  }
0x25: {  	s16 =	simm.s32 $0x0;
	p3 =	por !p6, !p1;
	_ =	strace $0x90000059  }
0x26: {  	s14 =	sadd.s32 $0x0, s14;
	p3 =	por !p3, !p3;
	_ =	strace @p5 $0x8000005A  }
0x27: {  	s25 =	sand.u32 @p3 $0x1, s20;
	s24 =	sadd.s32 @p3 s5, s17;
	s28 =	rddreg [dreg:$0x3]  }
.LBB2_2:
0x28: {  	s29 =	sshll.u32 @p3 s24, $0x5;
	s30 =	sand.u32 @p5 $0x1FFFF800, s23  }
0x29: {  	s24 =	smov.u32 s12;
	s19 =	sor.u32 @p5 $0x4, s19;
	s12 =	sand.u32 @p3 $0x1FFFFFE0, s29  }
0x2a: {  	s29 =	simm.s32 @p5 $0x0;
	s31 =	sadd.s32 @p3 s4, s12;
	s12 =	sadd.s32 @p5 s28, s30  }
0x2b: {  	[hbm4b:s12+s29] =	stream.linear.scatter @p5 [tilespmem:s21], [sflag:s19], $0x4000, $0x200038;
	[tilespmem:$0x8200] =	vst v63  }
0x2c: {  	_ =	strace @p5 $0x9000005A  }
0x2d: {  	s16 =	sadd.s32 s26, s16;
	_ =	strace @!p2 $0x8000005B  }
0x2e: {  	s23 =	smov.u32 s13;
	s13 =	smov.u32 s15;
	_ =	swait.ge @!p2 [sflag:s22], $0x4000  }
0x2f: {  	s18 =	sadd.s32 s26, s18;
	s15 =	sadd.s32 $0xFFFFFFFF, s15;
	[sflag:s22] =	ssyncset.done @!p2 $0x0  }
0x30: {  	s26 =	sshll.u32 s18, $0x8;
	p4 =	sne.s32 s15, $0x0;
	[sflag:s22] =	ssyncadd.s32 @!p2 $0xFFFFC000  }
0x31: {  	p6 =	seq.s32 s23, $0x1;
	s21 =	simm.s32 @p3 $0x0;
	_ =	strace @!p2 $0x9000005B  }
0x32: {  	s22 =	sshll.u32 @p3 s25, $0x8;
	s25 =	sor.u32 @p3 $0x2, s25;
	_ =	strace @p3 $0x80000057  }
0x33: {  	[tilespmem:s22], [sflag:s25] =	stream.linear.gather @p3 [hbm4b:s31+s21], $0x100, $0x200038;
	[tilespmem:$0x8200] =	vst v63  }
0x34: {  	s24 =	sadd.s32 s5, s24;
	s29 =	sand.u32 $0x1, s18;
	_ =	strace @p3 $0x90000057  }
0x35: {  	s28 =	sand.u32 @!p0 $0x1, s14;
	s19 =	sor.u32 $0x2, s29;
	_ =	strace $0x80000058  }
0x36: {  	s12 =	smov.u32 s17;
	s17 =	sadd.s32 $0x1, s17;
	_ =	swait.ge [sflag:s19], $0x100  }
0x37: {  	p5 =	por p6, p1;
	p6 =	sne.s32 s13, $0x1;
	[sflag:s19] =	ssyncset.done $0x0  }
0x38: {  	p2 =	por p0, p0;
	[sflag:s19] =	ssyncadd.s32 $0xFFFFFF00;
	s19 =	sand.u32 $0x1, s16  }
0x39: {  	p0 =	seq.s32 s13, $0x64;
	_ =	strace $0x90000058;
	s30 =	sshll.u32 s19, $0xE  }
0x3a: {  	s31 =	sand.u32 $0x100, s26;
	_ =	strace $0x80000059;
	s21 =	sor.u32 $0x200, s30  }
0x3b: {  	[tilespmem:s21], [sflag:$0x1] =	stream.indirect.gather [hbm4b:s3+s9], $0x40, s31, s9, $0x2000b8;
	[tilespmem:$0x8200] =	vst v63  }
0x3c: {  	s26 =	simm.s32 $0x1;
	s25 =	sor.u32 $0x80, s31;
	s22 =	sor.u32 $0x2200, s30  }
0x3d: {  	[tilespmem:s22], [sflag:$0x1] =	stream.indirect.gather [hbm4b:s3+s9], $0x40, s25, s9, $0x2000b8;
	[tilespmem:$0x8200] =	vst v63  }
0x3e: {  	s26 =	simm.s32 @!p5 $0x0;
	s25 =	simm.s32 $0x1;
	_ =	swait.ge [sflag:s8], $0x2000  }
0x3f: {  	s22 =	sor.u32 @!p2 $0x4, s28;
	s25 =	simm.s32 @!p3 $0x0;
	[sflag:s8] =	ssyncset.done $0x0  }
0x40: {  	p3 =	sne.s32 s23, $0x64;
	s23 =	simm.s32 $0x1;
	[sflag:s8] =	ssyncadd.s32 $0xFFFFE000  }
0x41: {  	s23 =	simm.s32 @!p3 $0x0;
	p3 =	seq.s32 s17, $0x64;
	_ =	swait.ge [sflag:s8], $0x2000  }
.Ltmp0:
0x42: {  	s17 =	simm.s32 @p3 $0x0;
	[sflag:s8] =	ssyncset.done $0x0;
	(pc) =	sbr.rel @p4 .LBB2_2-.Ltmp0, $4  }
0x43: {  	s20 =	sadd.s32 s25, s20;
	p1 =	sne.s32 s12, s17;
	[sflag:s8] =	ssyncadd.s32 $0xFFFFE000  }
0x44: {  	s14 =	sadd.s32 s23, s14;
	p3 =	por !p6, !p1;
	_ =	strace $0x90000059  }
0x45: {  	s23 =	sshll.u32 @p5 s24, $0xB;
	p3 =	por !p3, !p3;
	_ =	strace @p5 $0x8000005A  }
0x46: {  	s25 =	sand.u32 @p3 $0x1, s20;
	s24 =	sadd.s32 @p3 s5, s17;
	s28 =	rddreg [dreg:$0x3]  }
0x47: {  	s15 =	sand.u32 @p5 $0x1FFFF800, s23  }
0x48: {  	s17 =	sor.u32 @p5 $0x4, s19;
	s19 =	simm.s32 @p5 $0x0;
	s15 =	sadd.s32 @p5 s28, s15  }
0x49: {  	[hbm4b:s15+s19] =	stream.linear.scatter @p5 [tilespmem:s21], [sflag:s17], $0x4000, $0x200038;
	[tilespmem:$0x8200] =	vst v63  }
0x4a: {  	_ =	strace @p5 $0x9000005A  }
0x4b: {  	_ =	strace @!p2 $0x8000005B  }
0x4c: {  	_ =	swait.ge @!p2 [sflag:s22], $0x4000  }
0x4d: {  	s20 =	sor.u32 @p3 $0x2, s25;
	[sflag:s22] =	ssyncset.done @!p2 $0x0  }
0x4e: {  	s28 =	sadd.s32 s26, s18;
	s15 =	sshll.u32 @p3 s24, $0x5;
	[sflag:s22] =	ssyncadd.s32 @!p2 $0xFFFFC000  }
0x4f: {  	s18 =	simm.s32 @p3 $0x0;
	s15 =	sand.u32 @p3 $0x1FFFFFE0, s15;
	_ =	strace @!p2 $0x9000005B  }
0x50: {  	s19 =	sshll.u32 @p3 s25, $0x8;
	s15 =	sadd.s32 @p3 s4, s15;
	_ =	strace @p3 $0x80000057  }
0x51: {  	[tilespmem:s19], [sflag:s20] =	stream.linear.gather @p3 [hbm4b:s15+s18], $0x100, $0x200038;
	[tilespmem:$0x8200] =	vst v63  }
0x52: {  	s29 =	sand.u32 $0x1, s28;
	_ =	strace @p3 $0x90000057  }
0x53: {  	s15 =	sor.u32 $0x2, s29;
	_ =	strace $0x80000058  }
0x54: {  	_ =	swait.ge [sflag:s15], $0x100  }
0x55: {  	s16 =	sadd.s32 s26, s16;
	[sflag:s15] =	ssyncset.done $0x0  }
0x56: {  	[sflag:s15] =	ssyncadd.s32 $0xFFFFFF00;
	s15 =	sand.u32 $0x1, s16  }
0x57: {  	s30 =	sshll.u32 s28, $0x8;
	_ =	strace $0x90000058;
	s31 =	sshll.u32 s15, $0xE  }
0x58: {  	s16 =	sand.u32 $0x100, s30;
	_ =	strace $0x80000059;
	s18 =	sor.u32 $0x200, s31  }
0x59: {  	[tilespmem:s18], [sflag:$0x1] =	stream.indirect.gather [hbm4b:s3+s9], $0x40, s16, s9, $0x2000b8;
	[tilespmem:$0x8200] =	vst v63  }
0x5a: {  	s17 =	sor.u32 $0x2200, s31;
	s16 =	sor.u32 $0x80, s16  }
0x5b: {  	[tilespmem:s17], [sflag:$0x1] =	stream.indirect.gather [hbm4b:s3+s9], $0x40, s16, s9, $0x2000b8;
	[tilespmem:$0x8200] =	vst v63  }
0x5c: {  	_ =	swait.ge [sflag:s8], $0x2000  }
0x5d: {  	[sflag:s8] =	ssyncset.done $0x0  }
0x5e: {  	[sflag:s8] =	ssyncadd.s32 $0xFFFFE000  }
0x5f: {  	_ =	swait.ge [sflag:s8], $0x2000  }
0x60: {  	[sflag:s8] =	ssyncset.done $0x0  }
0x61: {  	p6 =	seq.s32 s13, $0x1;
	[sflag:s8] =	ssyncadd.s32 $0xFFFFE000  }
0x62: {  	s12 =	sadd.s32 s5, s12;
	p1 =	por p6, p1;
	_ =	strace $0x90000059  }
0x63: {  	s12 =	sshll.u32 @p1 s12, $0xB;
	_ =	strace @p1 $0x8000005A  }
0x64: {  	s12 =	sand.u32 @p1 $0x1FFFF800, s12;
	s13 =	rddreg [dreg:$0x3]  }
0x65: {  	s15 =	sor.u32 @p1 $0x4, s15;
	s16 =	simm.s32 @p1 $0x0;
	s12 =	sadd.s32 @p1 s13, s12  }
0x66: {  	[hbm4b:s12+s16] =	stream.linear.scatter @p1 [tilespmem:s18], [sflag:s15], $0x4000, $0x200038;
	[tilespmem:$0x8200] =	vst v63  }
0x67: {  	s12 =	sand.u32 @!p0 $0x1, s14;
	p0 =	por p0, p0;
	_ =	strace @p1 $0x9000005A  }
0x68: {  	s12 =	sor.u32 @!p0 $0x4, s12;
	_ =	strace @!p0 $0x8000005B  }
0x69: {  	_ =	swait.ge @!p0 [sflag:s12], $0x4000  }
0x6a: {  	[sflag:s12] =	ssyncset.done @!p0 $0x0  }
0x6b: {  	s11 =	sadd.s32 $0x1, s11;
	[sflag:s12] =	ssyncadd.s32 @!p0 $0xFFFFC000  }
0x6c: {  	_ =	strace @!p0 $0x9000005B;
	p0 =	sne.s32 s11, s7  }
.Ltmp1:
0x6d: {  	_ =	strace $0x8000005C;
	(pc) =	sbr.rel @p0 .LBB2_1-.Ltmp1, $4  }
0x6e: {  	_ =	swait.ge [sflag:s10], $0x4000  }
0x6f: {  	[sflag:s10] =	ssyncset.done $0x0  }
0x70: {  	[sflag:s10] =	ssyncadd.s32 $0xFFFFC000  }
0x71: {  	_ =	strace $0x9000005C  }
0x72: {  	_ =	sfence.sel $0x180000  }
0x73: {  	[bflag:$0x0] =	sbarrier.arrive $0xFFFF  }
0x74: {  	p0 =	sne.s32 s1, $0x0;
	_ =	strace $0x90000055  }
0x75: {  	s0 =	sadd.s32 @!p0 $0x100000, s0;
	[bflag:$0x2] =	sbarrier.arrive $0xFFFF  }
0x76: {  	[sflag:s0] =	ssyncadd.tile.s32 @!p0 $0x1;
	_ =	shalt  }
.Lfunc_end2:
_tile_overlayer_lowered:
.L_overlay_start_2:
0x77: {  	(tag) =	ssettag $0x2  }
0x78: {  	s0 =	rddreg [dreg:$0x0];
	s2 =	stileid.u32  }
0x79: {  	s1 =	rddreg [dreg:$0x1];
	p0 =	sne.s32 s2, $0x0  }
0x7a: {  	s3 =	rddreg [dreg:$0x2];
	[bflag:$0x3] =	sbarrier.arrive $0xFFFF;
	s2 =	simm.s32 @!p0 $0x1C02  }
0x7b: {  	[timem:s3], [sflag:s2] =	dma.local @!p0 [hbm:s0], s1  }
0x7c: {  	s0 =	simm.s32 @!p0 $0x2  }
0x7d: {  	_ =	swait.ge @!p0 [sflag:s0], s1  }
0x7e: {  	s1 =	ssub.s32 @!p0 $0x0, s1;
	[sflag:s0] =	ssyncset.done @!p0 $0x0  }
0x7f: {  	[sflag:s0] =	ssyncadd.s32 @!p0 s1  }
0x80: {  	[bflag:$0x3] =	sbarrier.arrive $0xFFFF  }
0x81: {  	_ =	shalt  }

// kernel: kernel.9.cloned.1.call-start
scs
__scs_entry_jumppad:
0x0: {  	(pc) =	sbr.rel $0x88, $3  }
0x1: {  	(tag) =	ssettag $0x0;
	lr =	simm.s32 $0x1  }
0x2: {  	[smem:$0x3F93] =	sst lr;
	_ =	strace $0xD0000000  }
0x3: {  	_ = 	snop  }
0x4: {  	_ = 	snop  }
0x5: {  	_ = 	snop  }
0x6: {  	_ = 	snop  }
0x7: {  	_ = 	snop  }
__scs_overlays_trampoline_lowered:
0x8: {  	[smem:$0x3FA2] =	sst s0  }
0x9: {  	[smem:$0x3FA3] =	sst s1  }
0xa: {  	[smem:$0x3FA4] =	sst s2  }
0xb: {  	[smem:$0x3FA5] =	sst s3  }
0xc: {  	[smem:$0x3FA6] =	sst s4  }
0xd: {  	[smem:$0x3FA7] =	sst s5  }
0xe: {  	[smem:$0x3FA8] =	sst s6  }
0xf: {  	[smem:$0x3FA9] =	sst s7  }
0x10: {  	[smem:$0x3FAA] =	sst s8  }
0x11: {  	[smem:$0x3FAB] =	sst s9;
	s0 =	simm.s32 @!p0 $0x0  }
0x12: {  	s1 =	sld [smem:$0x3F91];
	s0 =	simm.s32 @p0 $0x1  }
0x13: {  	[smem:$0x3FAC] =	sst s0;
	s0 =	simm.s32 @!p1 $0x0  }
0x14: {  	s2 =	sld [smem:$0x3F90];
	s0 =	simm.s32 @p1 $0x1  }
0x15: {  	[smem:$0x3FAD] =	sst s0;
	s0 =	simm.s32 @!p2 $0x0  }
0x16: {  	s3 =	sld [smem:$0x3FDB];
	s0 =	simm.s32 @p2 $0x1  }
0x17: {  	s4 =	simm.s32 $0x1BF5;
	[smem:$0x3FAF] =	sst s0  }
0x18: {  	s0 =	sld [smem:$0x3F92];
	_ =	swait.ge [sflag:s4], $0x0  }
0x19: {  	s7 =	sld [smem:$0x3F93]  }
0x1a: {  	s8 =	sadd.s32 $0xFFFFE003, lr  }
0x1b: {  	s9 =	sadd.s32 $0xFFFFFEF7, lr;
	s5 =	simm.s32 $0xFFFFFFFF;
	p2 =	slt.u32 s8, $0xFFFFF086  }
0x1c: {  	p1 =	slt.u32 s9, $0xF7A;
	s5 =	simm.s32 @!p2 $0x0  }
0x1d: {  	s5 =	simm.s32 @p1 $0x1;
	p0 =	seq.s32 s7, s2  }
0x1e: {  	s7 =	smul.u32 @!p0 $0xF7A, s2;
	p2 =	seq.s32 @!p0 s5, $0x0  }
0x1f: {  	s9 =	smul.u32 $0xF7A, s1;
	s8 =	simm.s32 @!p0 $0x1BF5;
	p2 =	por !p2, p0  }
0x20: {  	[sflag:s8] =	ssyncset.s32 @!p0 $0xFFFFF086;
	s6 =	sadd.s32 @!p0 s3, s7;
	s7 =	simm.s32 @!p0 $0x108  }
0x21: {  	s3 =	sadd.s32 s3, s9;
	s6 =	sadd.s32 @!p0 $0x88, s6;
	s7 =	simm.s32 @p2 $0x1082  }
0x22: {  	[simem:s7], [sflag:s8] =	dma.local @!p0 [hbm:s6], $0xF7A  }
0x23: {  	s9 =	sor.u32 $0xD0000000, s2;
	s6 =	simm.s32 $0x108;
	_ =	swait.ge @!p0 [sflag:s8], $0x0  }
0x24: {  	s3 =	sadd.s32 $0x88, s3;
	s6 =	simm.s32 @!p1 $0x1082;
	[sflag:s4] =	ssyncset.s32 $0xFFFFF086  }
0x25: {  	[simem:s6], [sflag:s4] =	dma.local [hbm:s3], $0xF7A  }
0x26: {  	[smem:$0x3F93] =	sst s1;
	(tag) =	ssettag s2;
	_ =	strace s9  }
0x27: {  	s1 =	sld [smem:$0x3FA3]  }
0x28: {  	s2 =	sld [smem:$0x3FA4]  }
0x29: {  	s4 =	sld [smem:$0x3FA6]  }
0x2a: {  	p0 =	seq.s32 s5, $0x0;
	s5 =	sld [smem:$0x3FA7]  }
0x2b: {  	s6 =	sld [smem:$0x3FA8]  }
0x2c: {  	s7 =	sld [smem:$0x3FA9]  }
0x2d: {  	s3 =	simm.s32 $0x108;
	s8 =	sld [smem:$0x3FAA]  }
0x2e: {  	s3 =	simm.s32 @!p0 $0x1082;
	s9 =	sld [smem:$0x3FAB]  }
0x2f: {  	lr =	sadd.s32 s0, s3;
	s0 =	sld [smem:$0x3FA2]  }
0x30: {  	s3 =	sld [smem:$0x3FA5]  }
0x31: {  	[smem:$0x3FAE] =	sst s10  }
0x32: {  	s10 =	sld [smem:$0x3FAC];
	_ =	sdelay $0x3  }
0x33: {  	p0 =	seq.s32 s10, $0x1;
	s10 =	sld [smem:$0x3FAE];
	_ =	sdelay $0x3  }
0x34: {  	[smem:$0x3FAE] =	sst s10  }
0x35: {  	s10 =	sld [smem:$0x3FAD];
	_ =	sdelay $0x3  }
0x36: {  	p1 =	seq.s32 s10, $0x1;
	s10 =	sld [smem:$0x3FAE];
	_ =	sdelay $0x3  }
0x37: {  	[smem:$0x3FAE] =	sst s10  }
0x38: {  	s10 =	sld [smem:$0x3FAF]  }
0x39: {  	_ = 	snop;
	(pc) =	sbr.ind lr, $3  }
0x3a: {  	_ = 	snop  }
0x3b: {  	_ = 	snop  }
0x3c: {  	p2 =	seq.s32 s10, $0x1;
	s10 =	sld [smem:$0x3FAE]  }
0x3d: {  	_ =	shalt  }
0x3e: {  	_ =	shalt  }
0x3f: {  	_ =	shalt  }
0x40: {  	_ =	shalt  }
0x41: {  	_ =	shalt  }
0x42: {  	_ =	shalt  }
0x43: {  	_ =	shalt  }
0x44: {  	_ =	shalt  }
0x45: {  	_ =	shalt  }
0x46: {  	_ =	shalt  }
0x47: {  	_ =	shalt  }
0x48: {  	_ =	shalt  }
0x49: {  	_ =	shalt  }
0x4a: {  	_ =	shalt  }
0x4b: {  	_ =	shalt  }
0x4c: {  	_ =	shalt  }
0x4d: {  	_ =	shalt  }
0x4e: {  	_ =	shalt  }
0x4f: {  	_ =	shalt  }
0x50: {  	_ =	shalt  }
0x51: {  	_ =	shalt  }
0x52: {  	_ =	shalt  }
0x53: {  	_ =	shalt  }
0x54: {  	_ =	shalt  }
0x55: {  	_ =	shalt  }
0x56: {  	_ =	shalt  }
0x57: {  	_ =	shalt  }
0x58: {  	_ =	shalt  }
0x59: {  	_ =	shalt  }
0x5a: {  	_ =	shalt  }
0x5b: {  	_ =	shalt  }
0x5c: {  	_ =	shalt  }
0x5d: {  	_ =	shalt  }
0x5e: {  	_ =	shalt  }
0x5f: {  	_ =	shalt  }
0x60: {  	_ =	shalt  }
0x61: {  	_ =	shalt  }
0x62: {  	_ =	shalt  }
0x63: {  	_ =	shalt  }
0x64: {  	_ =	shalt  }
0x65: {  	_ =	shalt  }
0x66: {  	_ =	shalt  }
0x67: {  	_ =	shalt  }
0x68: {  	_ =	shalt  }
0x69: {  	_ =	shalt  }
0x6a: {  	_ =	shalt  }
0x6b: {  	_ =	shalt  }
0x6c: {  	_ =	shalt  }
0x6d: {  	_ =	shalt  }
0x6e: {  	_ =	shalt  }
0x6f: {  	_ =	shalt  }
0x70: {  	_ =	shalt  }
0x71: {  	_ =	shalt  }
0x72: {  	_ =	shalt  }
0x73: {  	_ =	shalt  }
0x74: {  	_ =	shalt  }
0x75: {  	_ =	shalt  }
0x76: {  	_ =	shalt  }
0x77: {  	_ =	shalt  }
0x78: {  	_ =	shalt  }
0x79: {  	_ =	shalt  }
0x7a: {  	_ =	shalt  }
0x7b: {  	_ =	shalt  }
0x7c: {  	_ =	shalt  }
0x7d: {  	_ =	shalt  }
0x7e: {  	_ =	shalt  }
0x7f: {  	_ =	shalt  }
0x80: {  	_ =	shalt  }
0x81: {  	_ =	shalt  }
0x82: {  	_ =	shalt  }
0x83: {  	_ =	shalt  }
0x84: {  	_ =	shalt  }
0x85: {  	_ =	shalt  }
0x86: {  	_ =	shalt  }
0x87: {  	_ =	shalt  }
.Lfunc_end0:
.L_simem_size_0:
called_computation.3_lowered:
.L_overlay_start_0:
0x88: {  	s2 =	sld [smem:$0x3FD9]  }
0x89: {  	s3 =	sld [smem:$0x3FFE];
	_ =	sdelay $0x1  }
0x8a: {  	s1 =	srdreg.scid  }
0x8b: {  	s0 =	sand.u32 $0x1, s1  }
0x8c: {  	s17 =	sshll.u32 s0, $0xA;
	s2 =	sadd.s32 s3, s2  }
0x8d: {  	s2 =	sadd.s32 s2, s17  }
0x8e: {  	[smem:$0x3FBA] =	sst s2  }
0x8f: {  	_ = 	snop  }
0x90: {  	(tm) =	ssettm $0x1  }
0x91: {  	s18 =	sld [smem:$0x3FFB];
	_ =	sdelay $0x3  }
0x92: {  	_ =	strace s18  }
0x93: {  	s2 =	sld [smem:$0x3FFC];
	_ =	sdelay $0x3  }
0x94: {  	_ =	strace s2  }
0x95: {  	s2 =	sld [smem:$0x3FFD];
	_ =	sdelay $0x3  }
0x96: {  	_ =	strace s2  }
0x97: {  	_ =	strace $0x8FFFFFFF  }
0x98: {  	s19 =	sld [smem:$0x3FDB];
	_ =	sdelay $0x1  }
0x99: {  	s20 =	simm.s32 $_scs_section_size  }
0x9a: {  	s4 =	simm.s32 $_size__tile_overlayer_lowered;
	s5 =	simm.s32 $_tile_overlayer_lowered  }
0x9b: {  	s6 =	simm.s32 $0x1BFF;
	s21 =	sshll.u32 s5, $0x1;
	s3 =	sadd.s32 s20, s19  }
0x9c: {  	s22 =	simm.s32 $0x0;
	s4 =	sshll.u32 s4, $0x1;
	s5 =	sadd.s32 s21, s3  }
0x9d: {  	[timem:s22], [sflag:s6] =	dma.local [hbm:s5], s4  }
0x9e: {  	_ =	swait.ge [sflag:s6], s4  }
0x9f: {  	s4 =	ssub.s32 $0x0, s4;
	[sflag:s6] =	ssyncset.done $0x0  }
0xa0: {  	[sflag:s6] =	ssyncadd.s32 s4;
	_ =	sdelay $0x1  }
0xa1: {  	s23 =	simm.s32 $0x1B8B  }
0xa2: {  	_ =	swait.ge [sflag:s23], $0x1  }
0xa3: {  	[sflag:s23] =	ssyncset.done $0x0  }
0xa4: {  	[sflag:s23] =	ssyncadd.s32 $0xFFFFFFFF  }
0xa5: {  	s4 =	sld [smem:$0x0]  }
0xa6: {  	s5 =	sand.u32 $0xFFFFFFFE, s1  }
0xa7: {  	p0 =	sne.s32 s1, s5  }
0xa8: {  	s5 =	sshll.u32 @p0 s5, $0xE  }
0xa9: {  	s5 =	sadd.s32 @p0 $0x11B8D, s5;
	s6 =	sshll.u32 @p0 s4, $0x11  }
0xaa: {  	s5 =	sor.u32 @p0 s6, s5  }
0xab: {  	[sflag:s5] =	ssyncadd.remote.s32 @p0 $0x1;
	_ =	sdelay $0x1  }
0xac: {  	s5 =	simm.s32 @p0 $0x1B8D  }
0xad: {  	_ =	swait.eq @p0 [sflag:s5], $0x1  }
0xae: {  	[sflag:s5] =	ssyncadd.s32 @p0 $0xFFFFFFFF  }
0xaf: {  	s6 =	sshll.u32 @!p0 s1, $0xE  }
0xb0: {  	s6 =	sor.u32 @!p0 $0x4000, s6;
	s5 =	simm.s32 @!p0 $0x1B8D  }
0xb1: {  	s4 =	sshll.u32 @!p0 s4, $0x11;
	s6 =	sadd.s32 @!p0 $0x11B8D, s6;
	_ =	swait.eq @!p0 [sflag:s5], $0x1  }
0xb2: {  	s4 =	sor.u32 @!p0 s4, s6;
	[sflag:s5] =	ssyncadd.s32 @!p0 $0xFFFFFFFF  }
0xb3: {  	s25 =	simm.s32 $0x1B8E;
	s24 =	sld [smem:$0x3FFE];
	[sflag:s4] =	ssyncadd.remote.s32 @!p0 $0x1  }
0xb4: {  	s26 =	simm.s32 $execute0_lowered;
	[smem:$0x3FD2] =	sst s25  }
0xb5: {  	s5 =	sshll.u32 s26, $0x1;
	_ =	strace $0x8000005E;
	[dreg:$0x1] =	wrdreg $0xFFFFFFFF  }
0xb6: {  	s28 =	simm.s32 $_size_execute0_lowered;
	s3 =	sadd.s32 s3, s5;
	[dreg:$0x0] =	wrdreg $0x0  }
0xb7: {  	s5 =	sshll.u32 s28, $0x1;
	[dreg:$0x2] =	wrdreg s3  }
0xb8: {  	[dreg:$0x3] =	wrdreg s5  }
0xb9: {  	[dreg:$0x4] =	wrdreg $0xC0  }
0xba: {  	_ =	task [dreg:s22], $0x5FFFF  }
0xbb: {  	[dreg:$0x1] =	wrdreg $0xFFFFFFFF  }
0xbc: {  	[dreg:$0x0] =	wrdreg $0x60  }
0xbd: {  	[dreg:$0x2] =	wrdreg s24  }
0xbe: {  	[dreg:$0x3] =	wrdreg $0x9  }
0xbf: {  	_ =	task.clear_ibuf [dreg:s22], $0x4FFFF;
	_ =	strace $0x9000005E  }
0xc0: {  	s29 =	simm.s32 $0x9;
	_ =	strace $0x80000067  }
0xc1: {  	_ =	swait.ge [sflag:s29], $0x1  }
0xc2: {  	[sflag:s29] =	ssyncadd.s32 $0xFFFFFFFF  }
0xc3: {  	_ =	strace $0x90000067  }
0xc4: {  	_ =	sfence  }
0xc5: {  	s30 =	sld [smem:$0x0];
	_ =	sdelay $0x2  }
0xc6: {  	s31 =	sshll.u32 s1, $0xD;
	s1 =	sshrl.u32 s1, $0x2  }
0xc7: {  	s4 =	sand.u32 $0x4000, s31;
	s1 =	sadd.s32 s1, s30  }
0xc8: {  	s0 =	sor.u32 s4, s0;
	s1 =	sshll.u32 s1, $0x11  }
0xc9: {  	s0 =	sor.u32 s1, s0  }
0xca: {  	s0 =	sadd.s32 $0x8F2B, s0  }
0xcb: {  	[sflag:s0] =	ssyncadd.remote.s32 $0x1  }
0xcc: {  	_ =	sfence.sel $0xFFFF  }
0xcd: {  	[dreg:$0x0] =	wrdreg $0xFFFFFFFF;
	(pc) =	sbr.abs _section_cstart, $3  }
0xce: {  	[dreg:$0x1] =	wrdreg $0xFFFFFFFF  }
0xcf: {  	_ =	task.clear_ibuf [dreg:s22], $0x2FFFF;
	_ =	strace $0x9FFFFFFF  }
0xd0: {  	(tm) =	ssettm $0x7FFFFFFF  }
0xd1: {  	_ =	shalt  }
tec
execute0_lowered:
.L_overlay_start_1:
0x0: {  	(tag) =	ssettag $0x1  }
0x1: {  	s5 =	rddreg [dreg:$0x0]  }
0x2: {  	s0 =	rddreg [dreg:$0x1];
	s1 =	simm.s32 $0x0;
	s2 =	srdreg.scid  }
0x3: {  	s10 =	simm.s32 $0x4;
	s11 =	simm.s32 $0x0;
	[smem:$0x7FF] =	sst s1  }
0x4: {  	s6 =	sand.u32 $0x1, s2;
	s3 =	sadd.s32 $0x61000, s5;
	s2 =	stileid.u32  }
0x5: {  	s4 =	sadd.s32 $0x5DC00, s5;
	s7 =	sshll.u32 s6, $0x4;
	s6 =	ssub.s32 $0x2, s6  }
0x6: {  	s5 =	sadd.s32 $0x93E00, s5;
	s7 =	sor.u32 s2, s7;
	s8 =	sshrl.u32 s6, $0x1  }
0x7: {  	_ =	strace $0x8000005F;
	s9 =	smul.u32 $0x1A0, s7;
	s8 =	ssub.s32 s6, s8  }
0x8: {  	[dreg:$0x2] =	wrdreg s5;
	s5 =	smul.u32 $0xD, s7;
	s7 =	smax.u32 s8, $0x1  }
0x9: {  	s8 =	simm.s32 $0x1;
	s6 =	sadd.s32 s4, s9;
	s9 =	simm.s32 $0x80  }
.LBB2_1:
0xa: {  	_ =	strace $0x80000060;
	s12 =	simm.s32 $0x1;
	p0 =	por $0x0, $0x0  }
0xb: {  	[tilespmem:s1], [sflag:$0x2] =	stream.linear.gather [hbm4b:s6+s1], $0x100, $0x200038;
	[tilespmem:$0x8200] =	vst v63  }
0xc: {  	s12 =	simm.s32 @p0 $0x0  }
0xd: {  	p5 =	por $0x1, $0x1;
	p1 =	sne.s32 s12, $0x0  }
0xe: {  	p0 =	por !p5, !p1  }
0xf: {  	s19 =	sand.u32 $0x1, s1;
	s30 =	simm.s32 $0x0;
	p3 =	por !p0, !p0  }
0x10: {  	p4 =	por $0x0, $0x0;
	s18 =	sadd.s32 $0x0, s5;
	s13 =	sadd.s32 @p3 s5, s12  }
0x11: {  	_ =	strace $0x90000060;
	s14 =	sand.u32 @p3 $0x1, s8;
	s13 =	sshll.u32 @p3 s13, $0x5  }
0x12: {  	s15 =	simm.s32 @p3 $0x0;
	_ =	strace @p3 $0x80000061;
	s13 =	sand.u32 @p3 $0x1FFFFFE0, s13  }
0x13: {  	s16 =	sshll.u32 @p3 s14, $0x8;
	s14 =	sor.u32 @p3 $0x2, s14;
	s13 =	sadd.s32 @p3 s4, s13  }
0x14: {  	[tilespmem:s16], [sflag:s14] =	stream.linear.gather @p3 [hbm4b:s13+s15], $0x100, $0x200038;
	[tilespmem:$0x8200] =	vst v63  }
0x15: {  	p6 =	por $0x1, $0x1;
	s26 =	simm.s32 $0x1;
	_ =	strace @p3 $0x90000061  }
0x16: {  	s29 =	sor.u32 $0x2, s19;
	s31 =	sshll.u32 s19, $0xE;
	_ =	strace $0x80000062  }
0x17: {  	s21 =	sor.u32 $0x200, s31;
	p5 =	por p4, p1;
	_ =	swait.ge [sflag:s29], $0x100  }
0x18: {  	p0 =	por $0x1, $0x1;
	s23 =	sshll.u32 @p5 s18, $0xB;
	[sflag:s29] =	ssyncset.done $0x0  }
0x19: {  	s26 =	simm.s32 @!p5 $0x0;
	s18 =	simm.s32 $0x0;
	[sflag:s29] =	ssyncadd.s32 $0xFFFFFF00  }
0x1a: {  	s17 =	sand.u32 @!p0 $0x1, s1;
	p2 =	por p0, p0;
	_ =	strace $0x90000062  }
0x1b: {  	p0 =	por $0x0, $0x0;
	s16 =	sand.u32 $0x100, s30;
	_ =	strace $0x80000063  }
0x1c: {  	[tilespmem:s21], [sflag:$0x1] =	stream.indirect.gather [hbm4b:s3+s9], $0x40, s16, s9, $0x2000b8;
	[tilespmem:$0x8200] =	vst v63  }
0x1d: {  	s22 =	sor.u32 @!p2 $0x4, s17;
	s14 =	sor.u32 $0x2200, s31;
	s16 =	sor.u32 $0x80, s16  }
0x1e: {  	[tilespmem:s14], [sflag:$0x1] =	stream.indirect.gather [hbm4b:s3+s9], $0x40, s16, s9, $0x2000b8;
	[tilespmem:$0x8200] =	vst v63  }
0x1f: {  	s17 =	sadd.s32 $0x1, s12;
	s13 =	simm.s32 $0xC;
	_ =	swait.ge [sflag:s8], $0x2000  }
0x20: {  	s16 =	simm.s32 $0x1;
	s14 =	simm.s32 $0x1;
	[sflag:s8] =	ssyncset.done $0x0  }
0x21: {  	s16 =	simm.s32 @!p3 $0x0;
	p3 =	por $0x0, $0x0;
	[sflag:s8] =	ssyncadd.s32 $0xFFFFE000  }
0x22: {  	s14 =	simm.s32 @!p3 $0x0;
	p3 =	seq.s32 s17, $0xD;
	_ =	swait.ge [sflag:s8], $0x2000  }
0x23: {  	s15 =	simm.s32 $0xB;
	s17 =	simm.s32 @p3 $0x0;
	[sflag:s8] =	ssyncset.done $0x0  }
0x24: {  	s20 =	sadd.s32 $0x1, s16;
	p1 =	sne.s32 s12, s17;
	[sflag:s8] =	ssyncadd.s32 $0xFFFFE000  }
0x25: {  	s16 =	simm.s32 $0x0;
	p3 =	por !p6, !p1;
	_ =	strace $0x90000063  }
0x26: {  	s14 =	sadd.s32 $0x0, s14;
	p3 =	por !p3, !p3;
	_ =	strace @p5 $0x80000064  }
0x27: {  	s25 =	sand.u32 @p3 $0x1, s20;
	s24 =	sadd.s32 @p3 s5, s17;
	s28 =	rddreg [dreg:$0x2]  }
.LBB2_2:
0x28: {  	s29 =	sshll.u32 @p3 s24, $0x5;
	s30 =	sand.u32 @p5 $0x1FFFF800, s23  }
0x29: {  	s24 =	smov.u32 s12;
	s19 =	sor.u32 @p5 $0x4, s19;
	s12 =	sand.u32 @p3 $0x1FFFFFE0, s29  }
0x2a: {  	s29 =	simm.s32 @p5 $0x0;
	s31 =	sadd.s32 @p3 s4, s12;
	s12 =	sadd.s32 @p5 s28, s30  }
0x2b: {  	[hbm4b:s12+s29] =	stream.linear.scatter @p5 [tilespmem:s21], [sflag:s19], $0x4000, $0x200038;
	[tilespmem:$0x8200] =	vst v63  }
0x2c: {  	_ =	strace @p5 $0x90000064  }
0x2d: {  	s16 =	sadd.s32 s26, s16;
	_ =	strace @!p2 $0x80000065  }
0x2e: {  	s23 =	smov.u32 s13;
	s13 =	smov.u32 s15;
	_ =	swait.ge @!p2 [sflag:s22], $0x4000  }
0x2f: {  	s18 =	sadd.s32 s26, s18;
	s15 =	sadd.s32 $0xFFFFFFFF, s15;
	[sflag:s22] =	ssyncset.done @!p2 $0x0  }
0x30: {  	s26 =	sshll.u32 s18, $0x8;
	p4 =	sne.s32 s15, $0x0;
	[sflag:s22] =	ssyncadd.s32 @!p2 $0xFFFFC000  }
0x31: {  	p6 =	seq.s32 s23, $0x1;
	s21 =	simm.s32 @p3 $0x0;
	_ =	strace @!p2 $0x90000065  }
0x32: {  	s22 =	sshll.u32 @p3 s25, $0x8;
	s25 =	sor.u32 @p3 $0x2, s25;
	_ =	strace @p3 $0x80000061  }
0x33: {  	[tilespmem:s22], [sflag:s25] =	stream.linear.gather @p3 [hbm4b:s31+s21], $0x100, $0x200038;
	[tilespmem:$0x8200] =	vst v63  }
0x34: {  	s24 =	sadd.s32 s5, s24;
	s29 =	sand.u32 $0x1, s18;
	_ =	strace @p3 $0x90000061  }
0x35: {  	s28 =	sand.u32 @!p0 $0x1, s14;
	s19 =	sor.u32 $0x2, s29;
	_ =	strace $0x80000062  }
0x36: {  	s12 =	smov.u32 s17;
	s17 =	sadd.s32 $0x1, s17;
	_ =	swait.ge [sflag:s19], $0x100  }
0x37: {  	p5 =	por p6, p1;
	p6 =	sne.s32 s13, $0x1;
	[sflag:s19] =	ssyncset.done $0x0  }
0x38: {  	p2 =	por p0, p0;
	[sflag:s19] =	ssyncadd.s32 $0xFFFFFF00;
	s19 =	sand.u32 $0x1, s16  }
0x39: {  	p0 =	seq.s32 s13, $0xD;
	_ =	strace $0x90000062;
	s30 =	sshll.u32 s19, $0xE  }
0x3a: {  	s31 =	sand.u32 $0x100, s26;
	_ =	strace $0x80000063;
	s21 =	sor.u32 $0x200, s30  }
0x3b: {  	[tilespmem:s21], [sflag:$0x1] =	stream.indirect.gather [hbm4b:s3+s9], $0x40, s31, s9, $0x2000b8;
	[tilespmem:$0x8200] =	vst v63  }
0x3c: {  	s26 =	simm.s32 $0x1;
	s25 =	sor.u32 $0x80, s31;
	s22 =	sor.u32 $0x2200, s30  }
0x3d: {  	[tilespmem:s22], [sflag:$0x1] =	stream.indirect.gather [hbm4b:s3+s9], $0x40, s25, s9, $0x2000b8;
	[tilespmem:$0x8200] =	vst v63  }
0x3e: {  	s26 =	simm.s32 @!p5 $0x0;
	s25 =	simm.s32 $0x1;
	_ =	swait.ge [sflag:s8], $0x2000  }
0x3f: {  	s22 =	sor.u32 @!p2 $0x4, s28;
	s25 =	simm.s32 @!p3 $0x0;
	[sflag:s8] =	ssyncset.done $0x0  }
0x40: {  	p3 =	sne.s32 s23, $0xD;
	s23 =	simm.s32 $0x1;
	[sflag:s8] =	ssyncadd.s32 $0xFFFFE000  }
0x41: {  	s23 =	simm.s32 @!p3 $0x0;
	p3 =	seq.s32 s17, $0xD;
	_ =	swait.ge [sflag:s8], $0x2000  }
.Ltmp0:
0x42: {  	s17 =	simm.s32 @p3 $0x0;
	[sflag:s8] =	ssyncset.done $0x0;
	(pc) =	sbr.rel @p4 .LBB2_2-.Ltmp0, $4  }
0x43: {  	s20 =	sadd.s32 s25, s20;
	p1 =	sne.s32 s12, s17;
	[sflag:s8] =	ssyncadd.s32 $0xFFFFE000  }
0x44: {  	s14 =	sadd.s32 s23, s14;
	p3 =	por !p6, !p1;
	_ =	strace $0x90000063  }
0x45: {  	s23 =	sshll.u32 @p5 s24, $0xB;
	p3 =	por !p3, !p3;
	_ =	strace @p5 $0x80000064  }
0x46: {  	s25 =	sand.u32 @p3 $0x1, s20;
	s24 =	sadd.s32 @p3 s5, s17;
	s28 =	rddreg [dreg:$0x2]  }
0x47: {  	s15 =	sand.u32 @p5 $0x1FFFF800, s23  }
0x48: {  	s17 =	sor.u32 @p5 $0x4, s19;
	s19 =	simm.s32 @p5 $0x0;
	s15 =	sadd.s32 @p5 s28, s15  }
0x49: {  	[hbm4b:s15+s19] =	stream.linear.scatter @p5 [tilespmem:s21], [sflag:s17], $0x4000, $0x200038;
	[tilespmem:$0x8200] =	vst v63  }
0x4a: {  	_ =	strace @p5 $0x90000064  }
0x4b: {  	_ =	strace @!p2 $0x80000065  }
0x4c: {  	_ =	swait.ge @!p2 [sflag:s22], $0x4000  }
0x4d: {  	s20 =	sor.u32 @p3 $0x2, s25;
	[sflag:s22] =	ssyncset.done @!p2 $0x0  }
0x4e: {  	s28 =	sadd.s32 s26, s18;
	s15 =	sshll.u32 @p3 s24, $0x5;
	[sflag:s22] =	ssyncadd.s32 @!p2 $0xFFFFC000  }
0x4f: {  	s18 =	simm.s32 @p3 $0x0;
	s15 =	sand.u32 @p3 $0x1FFFFFE0, s15;
	_ =	strace @!p2 $0x90000065  }
0x50: {  	s19 =	sshll.u32 @p3 s25, $0x8;
	s15 =	sadd.s32 @p3 s4, s15;
	_ =	strace @p3 $0x80000061  }
0x51: {  	[tilespmem:s19], [sflag:s20] =	stream.linear.gather @p3 [hbm4b:s15+s18], $0x100, $0x200038;
	[tilespmem:$0x8200] =	vst v63  }
0x52: {  	s29 =	sand.u32 $0x1, s28;
	_ =	strace @p3 $0x90000061  }
0x53: {  	s15 =	sor.u32 $0x2, s29;
	_ =	strace $0x80000062  }
0x54: {  	_ =	swait.ge [sflag:s15], $0x100  }
0x55: {  	s16 =	sadd.s32 s26, s16;
	[sflag:s15] =	ssyncset.done $0x0  }
0x56: {  	[sflag:s15] =	ssyncadd.s32 $0xFFFFFF00;
	s15 =	sand.u32 $0x1, s16  }
0x57: {  	s30 =	sshll.u32 s28, $0x8;
	_ =	strace $0x90000062;
	s31 =	sshll.u32 s15, $0xE  }
0x58: {  	s16 =	sand.u32 $0x100, s30;
	_ =	strace $0x80000063;
	s18 =	sor.u32 $0x200, s31  }
0x59: {  	[tilespmem:s18], [sflag:$0x1] =	stream.indirect.gather [hbm4b:s3+s9], $0x40, s16, s9, $0x2000b8;
	[tilespmem:$0x8200] =	vst v63  }
0x5a: {  	s17 =	sor.u32 $0x2200, s31;
	s16 =	sor.u32 $0x80, s16  }
0x5b: {  	[tilespmem:s17], [sflag:$0x1] =	stream.indirect.gather [hbm4b:s3+s9], $0x40, s16, s9, $0x2000b8;
	[tilespmem:$0x8200] =	vst v63  }
0x5c: {  	_ =	swait.ge [sflag:s8], $0x2000  }
0x5d: {  	[sflag:s8] =	ssyncset.done $0x0  }
0x5e: {  	[sflag:s8] =	ssyncadd.s32 $0xFFFFE000  }
0x5f: {  	_ =	swait.ge [sflag:s8], $0x2000  }
0x60: {  	[sflag:s8] =	ssyncset.done $0x0  }
0x61: {  	p6 =	seq.s32 s13, $0x1;
	[sflag:s8] =	ssyncadd.s32 $0xFFFFE000  }
0x62: {  	s12 =	sadd.s32 s5, s12;
	p1 =	por p6, p1;
	_ =	strace $0x90000063  }
0x63: {  	s12 =	sshll.u32 @p1 s12, $0xB;
	_ =	strace @p1 $0x80000064  }
0x64: {  	s12 =	sand.u32 @p1 $0x1FFFF800, s12;
	s13 =	rddreg [dreg:$0x2]  }
0x65: {  	s15 =	sor.u32 @p1 $0x4, s15;
	s16 =	simm.s32 @p1 $0x0;
	s12 =	sadd.s32 @p1 s13, s12  }
0x66: {  	[hbm4b:s12+s16] =	stream.linear.scatter @p1 [tilespmem:s18], [sflag:s15], $0x4000, $0x200038;
	[tilespmem:$0x8200] =	vst v63  }
0x67: {  	s12 =	sand.u32 @!p0 $0x1, s14;
	p0 =	por p0, p0;
	_ =	strace @p1 $0x90000064  }
0x68: {  	s12 =	sor.u32 @!p0 $0x4, s12;
	_ =	strace @!p0 $0x80000065  }
0x69: {  	_ =	swait.ge @!p0 [sflag:s12], $0x4000  }
0x6a: {  	[sflag:s12] =	ssyncset.done @!p0 $0x0  }
0x6b: {  	s11 =	sadd.s32 $0x1, s11;
	[sflag:s12] =	ssyncadd.s32 @!p0 $0xFFFFC000  }
0x6c: {  	_ =	strace @!p0 $0x90000065;
	p0 =	sne.s32 s11, s7  }
.Ltmp1:
0x6d: {  	_ =	strace $0x80000066;
	(pc) =	sbr.rel @p0 .LBB2_1-.Ltmp1, $4  }
0x6e: {  	_ =	swait.ge [sflag:s10], $0x4000  }
0x6f: {  	[sflag:s10] =	ssyncset.done $0x0  }
0x70: {  	[sflag:s10] =	ssyncadd.s32 $0xFFFFC000  }
0x71: {  	_ =	strace $0x90000066  }
0x72: {  	_ =	sfence.sel $0x180000  }
0x73: {  	[bflag:$0x0] =	sbarrier.arrive $0xFFFF  }
0x74: {  	p0 =	sne.s32 s2, $0x0;
	_ =	strace $0x9000005F  }
0x75: {  	s0 =	sadd.s32 @!p0 $0x100000, s0;
	[bflag:$0x2] =	sbarrier.arrive $0xFFFF  }
0x76: {  	[sflag:s0] =	ssyncadd.tile.s32 @!p0 $0x1;
	_ =	shalt  }
.Lfunc_end2:
_tile_overlayer_lowered:
.L_overlay_start_2:
0x77: {  	(tag) =	ssettag $0x2  }
0x78: {  	s0 =	rddreg [dreg:$0x0];
	s2 =	stileid.u32  }
0x79: {  	s1 =	rddreg [dreg:$0x1];
	p0 =	sne.s32 s2, $0x0  }
0x7a: {  	s3 =	rddreg [dreg:$0x2];
	[bflag:$0x3] =	sbarrier.arrive $0xFFFF;
	s2 =	simm.s32 @!p0 $0x1C02  }
0x7b: {  	[timem:s3], [sflag:s2] =	dma.local @!p0 [hbm:s0], s1  }
0x7c: {  	s0 =	simm.s32 @!p0 $0x2  }
0x7d: {  	_ =	swait.ge @!p0 [sflag:s0], s1  }
0x7e: {  	s1 =	ssub.s32 @!p0 $0x0, s1;
	[sflag:s0] =	ssyncset.done @!p0 $0x0  }
0x7f: {  	[sflag:s0] =	ssyncadd.s32 @!p0 s1  }
0x80: {  	[bflag:$0x3] =	sbarrier.arrive $0xFFFF  }
0x81: {  	_ =	shalt  }

// kernel: sparse-core-data-format-call.1.cloned.1.call-start
scs
called_computation.1_lowered:
.L_overlay_start_0:
0x0: {  	s2 =	sld [smem:$0x3FD9]  }
0x1: {  	s3 =	sld [smem:$0x3FFE];
	_ =	sdelay $0x1  }
0x2: {  	s1 =	srdreg.scid  }
0x3: {  	s0 =	sand.u32 $0x1, s1  }
0x4: {  	s16 =	sshll.u32 s0, $0xA;
	s2 =	sadd.s32 s3, s2  }
0x5: {  	s2 =	sadd.s32 s2, s16  }
0x6: {  	[smem:$0x3FBA] =	sst s2  }
0x7: {  	_ = 	snop  }
0x8: {  	s2 =	sld [smem:$0x3FD0];
	_ =	sdelay $0x2  }
0x9: {  	s17 =	simm.s32 $0xD;
	s4 =	simm.s32 $0x10  }
0xa: {  	[smem:s4], [sflag:s17] =	dma.local [hbm:s2], $0x1  }
0xb: {  	_ =	swait.eq [sflag:s17], $0x1  }
0xc: {  	[sflag:s17] =	ssyncset.done $0x0  }
0xd: {  	[sflag:s17] =	ssyncadd.s32 $0xFFFFFFFF  }
0xe: {  	s18 =	sld [smem:$0x12];
	(tm) =	ssettm $0x1  }
0xf: {  	s19 =	sld [smem:$0x3FFB];
	_ =	sdelay $0x3  }
0x10: {  	_ =	strace s19  }
0x11: {  	s2 =	sld [smem:$0x3FFC];
	_ =	sdelay $0x3  }
0x12: {  	_ =	strace s2  }
0x13: {  	s2 =	sld [smem:$0x3FFD];
	_ =	sdelay $0x3  }
0x14: {  	_ =	strace s2  }
0x15: {  	_ =	strace $0x8FFFFFFF  }
0x16: {  	s20 =	sld [smem:$0x3FDB];
	_ =	sdelay $0x1  }
0x17: {  	s21 =	simm.s32 $_scs_section_size  }
0x18: {  	s5 =	simm.s32 $_size__tile_overlayer_lowered;
	s6 =	simm.s32 $_tile_overlayer_lowered  }
0x19: {  	s7 =	simm.s32 $0x1BFF;
	s22 =	sshll.u32 s6, $0x1;
	s4 =	sadd.s32 s21, s20  }
0x1a: {  	s23 =	simm.s32 $0x0;
	s5 =	sshll.u32 s5, $0x1;
	s6 =	sadd.s32 s22, s4  }
0x1b: {  	[timem:s23], [sflag:s7] =	dma.local [hbm:s6], s5  }
0x1c: {  	_ =	swait.ge [sflag:s7], s5  }
0x1d: {  	s5 =	ssub.s32 $0x0, s5;
	[sflag:s7] =	ssyncset.done $0x0  }
0x1e: {  	[sflag:s7] =	ssyncadd.s32 s5;
	_ =	sdelay $0x1  }
0x1f: {  	s24 =	simm.s32 $0x1B8B  }
0x20: {  	_ =	swait.ge [sflag:s24], $0x1  }
0x21: {  	[sflag:s24] =	ssyncset.done $0x0  }
0x22: {  	[sflag:s24] =	ssyncadd.s32 $0xFFFFFFFF  }
0x23: {  	s5 =	sld [smem:$0x0]  }
0x24: {  	s6 =	sand.u32 $0xFFFFFFFE, s1  }
0x25: {  	p0 =	sne.s32 s1, s6  }
0x26: {  	s6 =	sshll.u32 @p0 s6, $0xE  }
0x27: {  	s6 =	sadd.s32 @p0 $0x11B8D, s6;
	s7 =	sshll.u32 @p0 s5, $0x11  }
0x28: {  	s6 =	sor.u32 @p0 s7, s6  }
0x29: {  	[sflag:s6] =	ssyncadd.remote.s32 @p0 $0x1;
	_ =	sdelay $0x1  }
0x2a: {  	s6 =	simm.s32 @p0 $0x1B8D  }
0x2b: {  	_ =	swait.eq @p0 [sflag:s6], $0x1  }
0x2c: {  	[sflag:s6] =	ssyncadd.s32 @p0 $0xFFFFFFFF  }
0x2d: {  	s7 =	sshll.u32 @!p0 s1, $0xE  }
0x2e: {  	s7 =	sor.u32 @!p0 $0x4000, s7;
	s6 =	simm.s32 @!p0 $0x1B8D  }
0x2f: {  	s5 =	sshll.u32 @!p0 s5, $0x11;
	s7 =	sadd.s32 @!p0 $0x11B8D, s7;
	_ =	swait.eq @!p0 [sflag:s6], $0x1  }
0x30: {  	s5 =	sor.u32 @!p0 s5, s7;
	[sflag:s6] =	ssyncadd.s32 @!p0 $0xFFFFFFFF  }
0x31: {  	s26 =	simm.s32 $0x1B8E;
	s25 =	sld [smem:$0x3FFE];
	[sflag:s5] =	ssyncadd.remote.s32 @!p0 $0x1  }
0x32: {  	s27 =	simm.s32 $execute0_lowered;
	[smem:$0x3FD2] =	sst s26  }
0x33: {  	s6 =	sshll.u32 s27, $0x1;
	_ =	strace $0x8000006E;
	[dreg:$0x1] =	wrdreg $0xFFFFFFFF  }
0x34: {  	s28 =	simm.s32 $_size_execute0_lowered;
	s4 =	sadd.s32 s4, s6;
	[dreg:$0x0] =	wrdreg $0x0  }
0x35: {  	s6 =	sshll.u32 s28, $0x1;
	[dreg:$0x2] =	wrdreg s4  }
0x36: {  	[dreg:$0x3] =	wrdreg s6  }
0x37: {  	[dreg:$0x4] =	wrdreg $0xC0  }
0x38: {  	_ =	task [dreg:s23], $0x5FFFF  }
0x39: {  	[dreg:$0x1] =	wrdreg $0xFFFFFFFF  }
0x3a: {  	[dreg:$0x0] =	wrdreg $0x60  }
0x3b: {  	[dreg:$0x2] =	wrdreg s25  }
0x3c: {  	[dreg:$0x3] =	wrdreg s18  }
0x3d: {  	[dreg:$0x4] =	wrdreg $0xC  }
0x3e: {  	_ =	task.clear_ibuf [dreg:s23], $0x5FFFF;
	_ =	strace $0x9000006E  }
0x3f: {  	s29 =	simm.s32 $0xC;
	_ =	strace $0x80000070  }
0x40: {  	_ =	swait.ge [sflag:s29], $0x1  }
0x41: {  	[sflag:s29] =	ssyncadd.s32 $0xFFFFFFFF  }
0x42: {  	_ =	strace $0x90000070  }
0x43: {  	_ =	sfence  }
0x44: {  	s30 =	sld [smem:$0x0];
	_ =	sdelay $0x2  }
0x45: {  	s31 =	sshll.u32 s1, $0xD;
	s1 =	sshrl.u32 s1, $0x2  }
0x46: {  	s4 =	sand.u32 $0x4000, s31;
	s1 =	sadd.s32 s1, s30  }
0x47: {  	s0 =	sor.u32 s4, s0;
	s1 =	sshll.u32 s1, $0x11  }
0x48: {  	s0 =	sor.u32 s1, s0  }
0x49: {  	s0 =	sadd.s32 $0x8F2B, s0  }
0x4a: {  	[sflag:s0] =	ssyncadd.remote.s32 $0x1  }
0x4b: {  	_ =	sfence.sel $0xFFFF  }
0x4c: {  	[dreg:$0x0] =	wrdreg $0xFFFFFFFF;
	(pc) =	sbr.abs _section_cstart, $3  }
0x4d: {  	[dreg:$0x1] =	wrdreg $0xFFFFFFFF  }
0x4e: {  	_ =	task.clear_ibuf [dreg:s23], $0x2FFFF;
	_ =	strace $0x9FFFFFFF  }
0x4f: {  	(tm) =	ssettm $0x7FFFFFFF  }
tec
execute0_lowered:
.L_overlay_start_1:
0x0: {  	(tag) =	ssettag $0x1  }
0x1: {  	s0 =	srdreg.scid  }
0x2: {  	s1 =	sshll.u32 s0, $0x4  }
0x3: {  	s0 =	stileid.u32;
	s1 =	sand.u32 $0x10, s1  }
0x4: {  	s1 =	sor.u32 s0, s1  }
0x5: {  	s6 =	rddreg [dreg:$0x0];
	s4 =	simm.s32 $0x1;
	s2 =	sshll.u32 s1, $0x7  }
0x6: {  	s7 =	simm.s32 $0x2;
	s12 =	simm.s32 $0x0;
	s1 =	ssub.s32 $0x1000, s2  }
0x7: {  	s8 =	simm.s32 $0x8000;
	s13 =	simm.s32 $0x0;
	s3 =	sand.u32 $0xF80, s1  }
0x8: {  	s9 =	simm.s32 $0x0;
	s5 =	sshrl.u32 s1, $0xC;
	p0 =	sne.s32 s3, $0x0  }
.Ltmp0:
0x9: {  	s1 =	rddreg [dreg:$0x2];
	s4 =	simm.s32 @!p0 $0x0;
	(pc) =	sbr.rel .LBB1_1-.Ltmp0, $4  }
0xa: {  	s11 =	simm.s32 $0x0;
	s3 =	rddreg [dreg:$0x1];
	s5 =	sadd.s32 s4, s5  }
0xb: {  	_ =	strace $0x8000006F;
	s4 =	simm.s32 $0x1;
	s5 =	smul.u32 $0xC8, s5  }
0xc: {  	s6 =	sadd.s32 $0x23A8200, s6;
	s10 =	smov.u32 s2;
	[sflag:s4] =	ssyncpa.u1 $0x0  }
0xd: {  	p0 =	por $0x0, $0x0;
	[sflag:s7] =	ssyncpa.u1 $0x0;
	s7 =	sor.u32 $0x1, s5  }
.LBB1_4:
0xe: {  	s16 =	sshll.u32 s13, $0x3;
	s17 =	sand.u32 $0x78, s13  }
0xf: {  	s30 =	sand.u32 $0x7E00, s13;
	s12 =	sshll.u32 s12, $0xF;
	s16 =	sand.u32 $0xC00, s16  }
0x10: {  	[tilespmem:s15+$0x810 ss:$0x81] =	vst.msk $0xffff, v2;
	s31 =	sand.u32 $0x7, s13;
	s16 =	sor.u32 s17, s16;
	s17 =	sadd.s32 s3, s30  }
0x11: {  	[tilespmem:s15+$0x1020 ss:$0x81] =	vst.msk $0xffff, v0;
	s13 =	sshll.u32 s31, $0x12;
	s12 =	sadd.s32 s12, s17;
	s16 =	sshrl.u32 s16, $0x3  }
0x12: {  	[tilespmem:s15+$0x0 ss:$0x81] =	vst.msk $0xffff, v1;
	s13 =	sor.u32 $0x400, s13;
	s12 =	sadd.s32 s16, s12  }
0x13: {  	[hbm4b:s12+s13] =	stream.strided.scatter [tilespmem:s14], [sflag:$0x2], $0x2000, s8, s13, $0x20;
	[tilespmem:$0x8080] =	vst v63  }
.LBB1_5:
0x14: {  	s14 =	sadd.s32 $0x1, s9  }
0x15: {  	s12 =	sadd.s32 $0x1000, s10;
	s16 =	smov.u32 s10;
	p2 =	sgt.s32 s14, $0xC7  }
0x16: {  	s16 =	smov.u32 @p2 s12  }
0x17: {  	s14 =	simm.s32 @p2 $0x0;
	p2 =	sgt.s32 s16, $0xFFF  }
0x18: {  	s16 =	smov.u32 @p2 s2;
	p2 =	sne.s32 s11, s7  }
.Ltmp1:
0x19: {  	p1 =	slt.u32 s11, $0x2;
	(pc) =	sbr.rel @!p2 .LBB1_6-.Ltmp1, $4  }
0x1a: {  	s15 =	simm.s32 @!p1 $0x2  }
0x1b: {  	s13 =	smov.u32 s10;
	p0 =	por !p0, !p0;
	_ =	swait.ge @!p1 [sflag:s15], $0x2000  }
0x1c: {  	s12 =	smov.u32 s9;
	[sflag:s15] =	ssyncset.done @!p1 $0x0;
	s9 =	smov.u32 s14  }
0x1d: {  	s11 =	sadd.s32 $0x1, s11;
	[sflag:s15] =	ssyncadd.s32 @!p1 $0xFFFFE000;
	s10 =	smov.u32 s16  }
.LBB1_1:
0x1e: {  	p1 =	sge.u32 s11, s5  }
0x1f: {  	s14 =	sand.u32 @!p1 $0x1FFFFFF, s9  }
0x20: {  	s15 =	smulhi.u32 @!p1 $0x147AE15, s14;
	_ =	sdelay $0x1  }
0x21: {  	s15 =	smul.u32 @!p1 $0xC8, s15  }
0x22: {  	s16 =	sxor.u32 @!p1 $0xFFFFFFFF, s11;
	s17 =	smul.u32 @!p1 $0xC80, s10  }
0x23: {  	s31 =	sadd.s32 $0xFFFFFFFF, s11;
	s16 =	sshll.u32 @!p1 s16, $0xD;
	s14 =	ssub.s32 @!p1 s14, s15  }
0x24: {  	s15 =	sand.u32 @!p1 $0x2000, s16;
	s16 =	sadd.s32 @!p1 s6, s17;
	s14 =	sshll.u32 @!p1 s14, $0x4  }
0x25: {  	s17 =	simm.s32 @!p1 $0x6400;
	s14 =	sadd.s32 @!p1 s14, s16;
	s16 =	simm.s32 @!p1 $0x40  }
0x26: {  	[tilespmem:s15], [sflag:$0x1] =	stream.strided.gather @!p1 [hbm4b:s14+s16], $0x2000, s17, s16, $0x38;
	[tilespmem:$0x8080] =	vst v63  }
0x27: {  	p1 =	sge.u32 s31, s5  }
.Ltmp2:
0x28: {  	_ = 	snop;
	(pc) =	sbr.rel @p1 .LBB1_5-.Ltmp2, $1  }
0x29: {  	_ =	sdelay $0x3  }
0x2a: {  	s14 =	simm.s32 $0x1  }
0x2b: {  	_ =	swait.ge [sflag:s4], $0x2000;
	s14 =	simm.s32 @!p0 $0x0  }
0x2c: {  	[sflag:s4] =	ssyncset.done $0x0;
	s15 =	sshll.u32 s14, $0xD  }
0x2d: {  	[sflag:s4] =	ssyncadd.s32 $0xFFFFE000;
	s18 =	sor.u32 $0x20, s15  }
0x2e: {  	s14 =	smul.u32 $0x8100, s14;
	v3 =	vld [tilespmem:s18+$0x10]  }
0x2f: {  	s30 =	sand.u32 $0x1, s11;
	v2 =	vld [tilespmem:s18+$0xFFFFFFF0]  }
0x30: {  	s15 =	smul.u32 $0x8100, s30;
	s14 =	sshrl.u32 s14, $0x2;
	v0 =	vld [tilespmem:s18+$0x0]  }
0x31: {  	v1 =	vld [tilespmem:s18+$0xFFFFFFE0];
	s16 =	sor.u32 $0x4000, s14  }
0x32: {  	s31 =	sshrl.u32 s15, $0x2;
	s15 =	sadd.s32 $0x0, s16  }
0x33: {  	s17 =	simm.s32 $0x4;
	s18 =	sadd.s32 $0x40, s18;
	s14 =	sor.u32 $0x4000, s31;
	[tilespmem:s15+$0x1830 ss:$0x81] =	vst.msk $0xffff, v3  }
.LBB1_3:
0x34: {  	v3 =	vld [tilespmem:s18+$0x10];
	p1 =	sne.s32 s17, $0x1FC;
	[tilespmem:s15+$0x810 ss:$0x81] =	vst.msk $0xffff, v2;
	s19 =	smov.u32 s17;
	s17 =	sadd.s32 $0x4, s17  }
.Ltmp3:
0x35: {  	v2 =	vld [tilespmem:s18+$0xFFFFFFF0];
	[tilespmem:s15+$0x1020 ss:$0x81] =	vst.msk $0xffff, v0;
	(pc) =	sbr.rel @p1 .LBB1_3-.Ltmp3, $4  }
0x36: {  	v0 =	vld [tilespmem:s18+$0x0];
	[tilespmem:s15+$0x0 ss:$0x81] =	vst.msk $0xffff, v1  }
0x37: {  	s15 =	sshra.s32 s19, $0x2;
	v1 =	vld [tilespmem:s18+$0xFFFFFFE0]  }
0x38: {  	s15 =	sadd.s32 s15, s16  }
0x39: {  	s18 =	sadd.s32 $0x40, s18;
	[tilespmem:s15+$0x1830 ss:$0x81] =	vst.msk $0xffff, v3  }
.Ltmp4:
0x3a: {  	_ = 	snop;
	(pc) =	sbr.rel .LBB1_4-.Ltmp4, $1  }
0x3b: {  	_ =	sdelay $0x3  }
.LBB1_6:
0x3c: {  	_ =	sfence.sel $0x180000  }
0x3d: {  	s2 =	simm.s32 $0x1;
	[bflag:$0x0] =	sbarrier.arrive $0xFFFF  }
0x3e: {  	s31 =	simm.s32 $0x2;
	[sflag:s2] =	ssyncpa.u1 $0x1  }
0x3f: {  	[sflag:s31] =	ssyncpa.u1 $0x1  }
0x40: {  	p0 =	sne.s32 s0, $0x0;
	_ =	strace $0x9000006F  }
0x41: {  	s0 =	sadd.s32 @!p0 $0x100000, s1;
	[bflag:$0x2] =	sbarrier.arrive $0xFFFF  }
0x42: {  	[sflag:s0] =	ssyncadd.tile.s32 @!p0 $0x1;
	_ =	shalt  }
.Lfunc_end1:
_tile_overlayer_lowered:
.L_overlay_start_2:
0x43: {  	(tag) =	ssettag $0x2  }
0x44: {  	s0 =	rddreg [dreg:$0x0];
	s2 =	stileid.u32  }
0x45: {  	s1 =	rddreg [dreg:$0x1];
	p0 =	sne.s32 s2, $0x0  }
0x46: {  	s3 =	rddreg [dreg:$0x2];
	[bflag:$0x3] =	sbarrier.arrive $0xFFFF;
	s2 =	simm.s32 @!p0 $0x1C01  }
0x47: {  	[timem:s3], [sflag:s2] =	dma.local @!p0 [hbm:s0], s1  }
0x48: {  	s0 =	simm.s32 @!p0 $0x1  }
0x49: {  	_ =	swait.ge @!p0 [sflag:s0], s1  }
0x4a: {  	s1 =	ssub.s32 @!p0 $0x0, s1;
	[sflag:s0] =	ssyncset.done @!p0 $0x0  }
0x4b: {  	[sflag:s0] =	ssyncadd.s32 @!p0 s1  }
0x4c: {  	[bflag:$0x3] =	sbarrier.arrive $0xFFFF  }
0x4d: {  	_ =	shalt  }

// kernel: sparse-core-data-format-call.2.cloned.1.call-start
scs
called_computation.2_lowered:
.L_overlay_start_0:
0x0: {  	s2 =	sld [smem:$0x3FD9]  }
0x1: {  	s3 =	sld [smem:$0x3FFE];
	_ =	sdelay $0x1  }
0x2: {  	s1 =	srdreg.scid  }
0x3: {  	s0 =	sand.u32 $0x1, s1  }
0x4: {  	s16 =	sshll.u32 s0, $0xA;
	s2 =	sadd.s32 s3, s2  }
0x5: {  	s2 =	sadd.s32 s2, s16  }
0x6: {  	[smem:$0x3FBA] =	sst s2  }
0x7: {  	_ = 	snop  }
0x8: {  	s2 =	sld [smem:$0x3FD0];
	_ =	sdelay $0x2  }
0x9: {  	s17 =	simm.s32 $0xD;
	s4 =	simm.s32 $0x10  }
0xa: {  	[smem:s4], [sflag:s17] =	dma.local [hbm:s2], $0x1  }
0xb: {  	_ =	swait.eq [sflag:s17], $0x1  }
0xc: {  	[sflag:s17] =	ssyncset.done $0x0  }
0xd: {  	[sflag:s17] =	ssyncadd.s32 $0xFFFFFFFF  }
0xe: {  	s18 =	sld [smem:$0x11];
	(tm) =	ssettm $0x1  }
0xf: {  	s19 =	sld [smem:$0x3FFB];
	_ =	sdelay $0x3  }
0x10: {  	_ =	strace s19  }
0x11: {  	s2 =	sld [smem:$0x3FFC];
	_ =	sdelay $0x3  }
0x12: {  	_ =	strace s2  }
0x13: {  	s2 =	sld [smem:$0x3FFD];
	_ =	sdelay $0x3  }
0x14: {  	_ =	strace s2  }
0x15: {  	_ =	strace $0x8FFFFFFF  }
0x16: {  	s20 =	sld [smem:$0x3FDB];
	_ =	sdelay $0x1  }
0x17: {  	s21 =	simm.s32 $_scs_section_size  }
0x18: {  	s5 =	simm.s32 $_size__tile_overlayer_lowered;
	s6 =	simm.s32 $_tile_overlayer_lowered  }
0x19: {  	s7 =	simm.s32 $0x1BFF;
	s22 =	sshll.u32 s6, $0x1;
	s4 =	sadd.s32 s21, s20  }
0x1a: {  	s23 =	simm.s32 $0x0;
	s5 =	sshll.u32 s5, $0x1;
	s6 =	sadd.s32 s22, s4  }
0x1b: {  	[timem:s23], [sflag:s7] =	dma.local [hbm:s6], s5  }
0x1c: {  	_ =	swait.ge [sflag:s7], s5  }
0x1d: {  	s5 =	ssub.s32 $0x0, s5;
	[sflag:s7] =	ssyncset.done $0x0  }
0x1e: {  	[sflag:s7] =	ssyncadd.s32 s5;
	_ =	sdelay $0x1  }
0x1f: {  	s24 =	simm.s32 $0x1B8B  }
0x20: {  	_ =	swait.ge [sflag:s24], $0x1  }
0x21: {  	[sflag:s24] =	ssyncset.done $0x0  }
0x22: {  	[sflag:s24] =	ssyncadd.s32 $0xFFFFFFFF  }
0x23: {  	s5 =	sld [smem:$0x0]  }
0x24: {  	s6 =	sand.u32 $0xFFFFFFFE, s1  }
0x25: {  	p0 =	sne.s32 s1, s6  }
0x26: {  	s6 =	sshll.u32 @p0 s6, $0xE  }
0x27: {  	s6 =	sadd.s32 @p0 $0x11B8D, s6;
	s7 =	sshll.u32 @p0 s5, $0x11  }
0x28: {  	s6 =	sor.u32 @p0 s7, s6  }
0x29: {  	[sflag:s6] =	ssyncadd.remote.s32 @p0 $0x1;
	_ =	sdelay $0x1  }
0x2a: {  	s6 =	simm.s32 @p0 $0x1B8D  }
0x2b: {  	_ =	swait.eq @p0 [sflag:s6], $0x1  }
0x2c: {  	[sflag:s6] =	ssyncadd.s32 @p0 $0xFFFFFFFF  }
0x2d: {  	s7 =	sshll.u32 @!p0 s1, $0xE  }
0x2e: {  	s7 =	sor.u32 @!p0 $0x4000, s7;
	s6 =	simm.s32 @!p0 $0x1B8D  }
0x2f: {  	s5 =	sshll.u32 @!p0 s5, $0x11;
	s7 =	sadd.s32 @!p0 $0x11B8D, s7;
	_ =	swait.eq @!p0 [sflag:s6], $0x1  }
0x30: {  	s5 =	sor.u32 @!p0 s5, s7;
	[sflag:s6] =	ssyncadd.s32 @!p0 $0xFFFFFFFF  }
0x31: {  	s26 =	simm.s32 $0x1B8E;
	s25 =	sld [smem:$0x3FFE];
	[sflag:s5] =	ssyncadd.remote.s32 @!p0 $0x1  }
0x32: {  	s27 =	simm.s32 $execute0_lowered;
	[smem:$0x3FD2] =	sst s26  }
0x33: {  	s6 =	sshll.u32 s27, $0x1;
	_ =	strace $0x80000068;
	[dreg:$0x1] =	wrdreg $0xFFFFFFFF  }
0x34: {  	s28 =	simm.s32 $_size_execute0_lowered;
	s4 =	sadd.s32 s4, s6;
	[dreg:$0x0] =	wrdreg $0x0  }
0x35: {  	s6 =	sshll.u32 s28, $0x1;
	[dreg:$0x2] =	wrdreg s4  }
0x36: {  	[dreg:$0x3] =	wrdreg s6  }
0x37: {  	[dreg:$0x4] =	wrdreg $0xC0  }
0x38: {  	_ =	task [dreg:s23], $0x5FFFF  }
0x39: {  	[dreg:$0x1] =	wrdreg $0xFFFFFFFF  }
0x3a: {  	[dreg:$0x0] =	wrdreg $0x60  }
0x3b: {  	[dreg:$0x2] =	wrdreg s25  }
0x3c: {  	[dreg:$0x3] =	wrdreg s18  }
0x3d: {  	[dreg:$0x4] =	wrdreg $0xB  }
0x3e: {  	_ =	task.clear_ibuf [dreg:s23], $0x5FFFF;
	_ =	strace $0x90000068  }
0x3f: {  	s29 =	simm.s32 $0xB;
	_ =	strace $0x8000006A  }
0x40: {  	_ =	swait.ge [sflag:s29], $0x1  }
0x41: {  	[sflag:s29] =	ssyncadd.s32 $0xFFFFFFFF  }
0x42: {  	_ =	strace $0x9000006A  }
0x43: {  	_ =	sfence  }
0x44: {  	s30 =	sld [smem:$0x0];
	_ =	sdelay $0x2  }
0x45: {  	s31 =	sshll.u32 s1, $0xD;
	s1 =	sshrl.u32 s1, $0x2  }
0x46: {  	s4 =	sand.u32 $0x4000, s31;
	s1 =	sadd.s32 s1, s30  }
0x47: {  	s0 =	sor.u32 s4, s0;
	s1 =	sshll.u32 s1, $0x11  }
0x48: {  	s0 =	sor.u32 s1, s0  }
0x49: {  	s0 =	sadd.s32 $0x8F2B, s0  }
0x4a: {  	[sflag:s0] =	ssyncadd.remote.s32 $0x1  }
0x4b: {  	_ =	sfence.sel $0xFFFF  }
0x4c: {  	[dreg:$0x0] =	wrdreg $0xFFFFFFFF;
	(pc) =	sbr.abs _section_cstart, $3  }
0x4d: {  	[dreg:$0x1] =	wrdreg $0xFFFFFFFF  }
0x4e: {  	_ =	task.clear_ibuf [dreg:s23], $0x2FFFF;
	_ =	strace $0x9FFFFFFF  }
0x4f: {  	(tm) =	ssettm $0x7FFFFFFF  }
tec
execute0_lowered:
.L_overlay_start_1:
0x0: {  	(tag) =	ssettag $0x1  }
0x1: {  	s0 =	srdreg.scid  }
0x2: {  	s1 =	sshll.u32 s0, $0x4  }
0x3: {  	s0 =	stileid.u32;
	s1 =	sand.u32 $0x10, s1  }
0x4: {  	s1 =	sor.u32 s0, s1  }
0x5: {  	s6 =	rddreg [dreg:$0x0];
	s4 =	simm.s32 $0x1;
	s2 =	sshll.u32 s1, $0x7  }
0x6: {  	s7 =	simm.s32 $0x2;
	s12 =	simm.s32 $0x0;
	s1 =	ssub.s32 $0x1000, s2  }
0x7: {  	s8 =	simm.s32 $0x8000;
	s13 =	simm.s32 $0x0;
	s3 =	sand.u32 $0xF80, s1  }
0x8: {  	s9 =	simm.s32 $0x0;
	s5 =	sshrl.u32 s1, $0xC;
	p0 =	sne.s32 s3, $0x0  }
.Ltmp0:
0x9: {  	s1 =	rddreg [dreg:$0x2];
	s4 =	simm.s32 @!p0 $0x0;
	(pc) =	sbr.rel .LBB1_1-.Ltmp0, $4  }
0xa: {  	s11 =	simm.s32 $0x0;
	s3 =	rddreg [dreg:$0x1];
	s5 =	sadd.s32 s4, s5  }
0xb: {  	_ =	strace $0x80000069;
	s4 =	simm.s32 $0x1;
	s5 =	smul.u32 $0xC8, s5  }
0xc: {  	s6 =	sadd.s32 $0x163E00, s6;
	s10 =	smov.u32 s2;
	[sflag:s4] =	ssyncpa.u1 $0x0  }
0xd: {  	p0 =	por $0x0, $0x0;
	[sflag:s7] =	ssyncpa.u1 $0x0;
	s7 =	sor.u32 $0x1, s5  }
.LBB1_4:
0xe: {  	s16 =	sshll.u32 s13, $0x3;
	s17 =	sand.u32 $0x78, s13  }
0xf: {  	s30 =	sand.u32 $0x7E00, s13;
	s12 =	sshll.u32 s12, $0xF;
	s16 =	sand.u32 $0xC00, s16  }
0x10: {  	[tilespmem:s15+$0x810 ss:$0x81] =	vst.msk $0xffff, v2;
	s31 =	sand.u32 $0x7, s13;
	s16 =	sor.u32 s17, s16;
	s17 =	sadd.s32 s3, s30  }
0x11: {  	[tilespmem:s15+$0x1020 ss:$0x81] =	vst.msk $0xffff, v0;
	s13 =	sshll.u32 s31, $0x12;
	s12 =	sadd.s32 s12, s17;
	s16 =	sshrl.u32 s16, $0x3  }
0x12: {  	[tilespmem:s15+$0x0 ss:$0x81] =	vst.msk $0xffff, v1;
	s13 =	sor.u32 $0x400, s13;
	s12 =	sadd.s32 s16, s12  }
0x13: {  	[hbm4b:s12+s13] =	stream.strided.scatter [tilespmem:s14], [sflag:$0x2], $0x2000, s8, s13, $0x20;
	[tilespmem:$0x8080] =	vst v63  }
.LBB1_5:
0x14: {  	s14 =	sadd.s32 $0x1, s9  }
0x15: {  	s12 =	sadd.s32 $0x1000, s10;
	s16 =	smov.u32 s10;
	p2 =	sgt.s32 s14, $0xC7  }
0x16: {  	s16 =	smov.u32 @p2 s12  }
0x17: {  	s14 =	simm.s32 @p2 $0x0;
	p2 =	sgt.s32 s16, $0xFFF  }
0x18: {  	s16 =	smov.u32 @p2 s2;
	p2 =	sne.s32 s11, s7  }
.Ltmp1:
0x19: {  	p1 =	slt.u32 s11, $0x2;
	(pc) =	sbr.rel @!p2 .LBB1_6-.Ltmp1, $4  }
0x1a: {  	s15 =	simm.s32 @!p1 $0x2  }
0x1b: {  	s13 =	smov.u32 s10;
	p0 =	por !p0, !p0;
	_ =	swait.ge @!p1 [sflag:s15], $0x2000  }
0x1c: {  	s12 =	smov.u32 s9;
	[sflag:s15] =	ssyncset.done @!p1 $0x0;
	s9 =	smov.u32 s14  }
0x1d: {  	s11 =	sadd.s32 $0x1, s11;
	[sflag:s15] =	ssyncadd.s32 @!p1 $0xFFFFE000;
	s10 =	smov.u32 s16  }
.LBB1_1:
0x1e: {  	p1 =	sge.u32 s11, s5  }
0x1f: {  	s14 =	sand.u32 @!p1 $0x1FFFFFF, s9  }
0x20: {  	s15 =	smulhi.u32 @!p1 $0x147AE15, s14;
	_ =	sdelay $0x1  }
0x21: {  	s15 =	smul.u32 @!p1 $0xC8, s15  }
0x22: {  	s16 =	sxor.u32 @!p1 $0xFFFFFFFF, s11;
	s17 =	smul.u32 @!p1 $0xC80, s10  }
0x23: {  	s31 =	sadd.s32 $0xFFFFFFFF, s11;
	s16 =	sshll.u32 @!p1 s16, $0xD;
	s14 =	ssub.s32 @!p1 s14, s15  }
0x24: {  	s15 =	sand.u32 @!p1 $0x2000, s16;
	s16 =	sadd.s32 @!p1 s6, s17;
	s14 =	sshll.u32 @!p1 s14, $0x4  }
0x25: {  	s17 =	simm.s32 @!p1 $0x6400;
	s14 =	sadd.s32 @!p1 s14, s16;
	s16 =	simm.s32 @!p1 $0x40  }
0x26: {  	[tilespmem:s15], [sflag:$0x1] =	stream.strided.gather @!p1 [hbm4b:s14+s16], $0x2000, s17, s16, $0x38;
	[tilespmem:$0x8080] =	vst v63  }
0x27: {  	p1 =	sge.u32 s31, s5  }
.Ltmp2:
0x28: {  	_ = 	snop;
	(pc) =	sbr.rel @p1 .LBB1_5-.Ltmp2, $1  }
0x29: {  	_ =	sdelay $0x3  }
0x2a: {  	s14 =	simm.s32 $0x1  }
0x2b: {  	_ =	swait.ge [sflag:s4], $0x2000;
	s14 =	simm.s32 @!p0 $0x0  }
0x2c: {  	[sflag:s4] =	ssyncset.done $0x0;
	s15 =	sshll.u32 s14, $0xD  }
0x2d: {  	[sflag:s4] =	ssyncadd.s32 $0xFFFFE000;
	s18 =	sor.u32 $0x20, s15  }
0x2e: {  	s14 =	smul.u32 $0x8100, s14;
	v3 =	vld [tilespmem:s18+$0x10]  }
0x2f: {  	s30 =	sand.u32 $0x1, s11;
	v2 =	vld [tilespmem:s18+$0xFFFFFFF0]  }
0x30: {  	s15 =	smul.u32 $0x8100, s30;
	s14 =	sshrl.u32 s14, $0x2;
	v0 =	vld [tilespmem:s18+$0x0]  }
0x31: {  	v1 =	vld [tilespmem:s18+$0xFFFFFFE0];
	s16 =	sor.u32 $0x4000, s14  }
0x32: {  	s31 =	sshrl.u32 s15, $0x2;
	s15 =	sadd.s32 $0x0, s16  }
0x33: {  	s17 =	simm.s32 $0x4;
	s18 =	sadd.s32 $0x40, s18;
	s14 =	sor.u32 $0x4000, s31;
	[tilespmem:s15+$0x1830 ss:$0x81] =	vst.msk $0xffff, v3  }
.LBB1_3:
0x34: {  	v3 =	vld [tilespmem:s18+$0x10];
	p1 =	sne.s32 s17, $0x1FC;
	[tilespmem:s15+$0x810 ss:$0x81] =	vst.msk $0xffff, v2;
	s19 =	smov.u32 s17;
	s17 =	sadd.s32 $0x4, s17  }
.Ltmp3:
0x35: {  	v2 =	vld [tilespmem:s18+$0xFFFFFFF0];
	[tilespmem:s15+$0x1020 ss:$0x81] =	vst.msk $0xffff, v0;
	(pc) =	sbr.rel @p1 .LBB1_3-.Ltmp3, $4  }
0x36: {  	v0 =	vld [tilespmem:s18+$0x0];
	[tilespmem:s15+$0x0 ss:$0x81] =	vst.msk $0xffff, v1  }
0x37: {  	s15 =	sshra.s32 s19, $0x2;
	v1 =	vld [tilespmem:s18+$0xFFFFFFE0]  }
0x38: {  	s15 =	sadd.s32 s15, s16  }
0x39: {  	s18 =	sadd.s32 $0x40, s18;
	[tilespmem:s15+$0x1830 ss:$0x81] =	vst.msk $0xffff, v3  }
.Ltmp4:
0x3a: {  	_ = 	snop;
	(pc) =	sbr.rel .LBB1_4-.Ltmp4, $1  }
0x3b: {  	_ =	sdelay $0x3  }
.LBB1_6:
0x3c: {  	_ =	sfence.sel $0x180000  }
0x3d: {  	s2 =	simm.s32 $0x1;
	[bflag:$0x0] =	sbarrier.arrive $0xFFFF  }
0x3e: {  	s31 =	simm.s32 $0x2;
	[sflag:s2] =	ssyncpa.u1 $0x1  }
0x3f: {  	[sflag:s31] =	ssyncpa.u1 $0x1  }
0x40: {  	p0 =	sne.s32 s0, $0x0;
	_ =	strace $0x90000069  }
0x41: {  	s0 =	sadd.s32 @!p0 $0x100000, s1;
	[bflag:$0x2] =	sbarrier.arrive $0xFFFF  }
0x42: {  	[sflag:s0] =	ssyncadd.tile.s32 @!p0 $0x1;
	_ =	shalt  }
.Lfunc_end1:
_tile_overlayer_lowered:
.L_overlay_start_2:
0x43: {  	(tag) =	ssettag $0x2  }
0x44: {  	s0 =	rddreg [dreg:$0x0];
	s2 =	stileid.u32  }
0x45: {  	s1 =	rddreg [dreg:$0x1];
	p0 =	sne.s32 s2, $0x0  }
0x46: {  	s3 =	rddreg [dreg:$0x2];
	[bflag:$0x3] =	sbarrier.arrive $0xFFFF;
	s2 =	simm.s32 @!p0 $0x1C01  }
0x47: {  	[timem:s3], [sflag:s2] =	dma.local @!p0 [hbm:s0], s1  }
0x48: {  	s0 =	simm.s32 @!p0 $0x1  }
0x49: {  	_ =	swait.ge @!p0 [sflag:s0], s1  }
0x4a: {  	s1 =	ssub.s32 @!p0 $0x0, s1;
	[sflag:s0] =	ssyncset.done @!p0 $0x0  }
0x4b: {  	[sflag:s0] =	ssyncadd.s32 @!p0 s1  }
0x4c: {  	[bflag:$0x3] =	sbarrier.arrive $0xFFFF  }
0x4d: {  	_ =	shalt  }

// kernel: sparse-core-data-format-call.cloned.1.call-start
scs
called_computation_lowered:
.L_overlay_start_0:
0x0: {  	s2 =	sld [smem:$0x3FD9]  }
0x1: {  	s3 =	sld [smem:$0x3FFE];
	_ =	sdelay $0x1  }
0x2: {  	s1 =	srdreg.scid  }
0x3: {  	s0 =	sand.u32 $0x1, s1  }
0x4: {  	s16 =	sshll.u32 s0, $0xA;
	s2 =	sadd.s32 s3, s2  }
0x5: {  	s2 =	sadd.s32 s2, s16  }
0x6: {  	[smem:$0x3FBA] =	sst s2  }
0x7: {  	_ = 	snop  }
0x8: {  	s2 =	sld [smem:$0x3FD0];
	_ =	sdelay $0x2  }
0x9: {  	s17 =	simm.s32 $0xD;
	s4 =	simm.s32 $0x10  }
0xa: {  	[smem:s4], [sflag:s17] =	dma.local [hbm:s2], $0x1  }
0xb: {  	_ =	swait.eq [sflag:s17], $0x1  }
0xc: {  	[sflag:s17] =	ssyncset.done $0x0  }
0xd: {  	[sflag:s17] =	ssyncadd.s32 $0xFFFFFFFF  }
0xe: {  	s18 =	sld [smem:$0x13];
	(tm) =	ssettm $0x1  }
0xf: {  	s19 =	sld [smem:$0x3FFB];
	_ =	sdelay $0x3  }
0x10: {  	_ =	strace s19  }
0x11: {  	s2 =	sld [smem:$0x3FFC];
	_ =	sdelay $0x3  }
0x12: {  	_ =	strace s2  }
0x13: {  	s2 =	sld [smem:$0x3FFD];
	_ =	sdelay $0x3  }
0x14: {  	_ =	strace s2  }
0x15: {  	_ =	strace $0x8FFFFFFF  }
0x16: {  	s20 =	sld [smem:$0x3FDB];
	_ =	sdelay $0x1  }
0x17: {  	s21 =	simm.s32 $_scs_section_size  }
0x18: {  	s5 =	simm.s32 $_size__tile_overlayer_lowered;
	s6 =	simm.s32 $_tile_overlayer_lowered  }
0x19: {  	s7 =	simm.s32 $0x1BFF;
	s22 =	sshll.u32 s6, $0x1;
	s4 =	sadd.s32 s21, s20  }
0x1a: {  	s23 =	simm.s32 $0x0;
	s5 =	sshll.u32 s5, $0x1;
	s6 =	sadd.s32 s22, s4  }
0x1b: {  	[timem:s23], [sflag:s7] =	dma.local [hbm:s6], s5  }
0x1c: {  	_ =	swait.ge [sflag:s7], s5  }
0x1d: {  	s5 =	ssub.s32 $0x0, s5;
	[sflag:s7] =	ssyncset.done $0x0  }
0x1e: {  	[sflag:s7] =	ssyncadd.s32 s5;
	_ =	sdelay $0x1  }
0x1f: {  	s24 =	simm.s32 $0x1B8B  }
0x20: {  	_ =	swait.ge [sflag:s24], $0x1  }
0x21: {  	[sflag:s24] =	ssyncset.done $0x0  }
0x22: {  	[sflag:s24] =	ssyncadd.s32 $0xFFFFFFFF  }
0x23: {  	s5 =	sld [smem:$0x0]  }
0x24: {  	s6 =	sand.u32 $0xFFFFFFFE, s1  }
0x25: {  	p0 =	sne.s32 s1, s6  }
0x26: {  	s6 =	sshll.u32 @p0 s6, $0xE  }
0x27: {  	s6 =	sadd.s32 @p0 $0x11B8D, s6;
	s7 =	sshll.u32 @p0 s5, $0x11  }
0x28: {  	s6 =	sor.u32 @p0 s7, s6  }
0x29: {  	[sflag:s6] =	ssyncadd.remote.s32 @p0 $0x1;
	_ =	sdelay $0x1  }
0x2a: {  	s6 =	simm.s32 @p0 $0x1B8D  }
0x2b: {  	_ =	swait.eq @p0 [sflag:s6], $0x1  }
0x2c: {  	[sflag:s6] =	ssyncadd.s32 @p0 $0xFFFFFFFF  }
0x2d: {  	s7 =	sshll.u32 @!p0 s1, $0xE  }
0x2e: {  	s7 =	sor.u32 @!p0 $0x4000, s7;
	s6 =	simm.s32 @!p0 $0x1B8D  }
0x2f: {  	s5 =	sshll.u32 @!p0 s5, $0x11;
	s7 =	sadd.s32 @!p0 $0x11B8D, s7;
	_ =	swait.eq @!p0 [sflag:s6], $0x1  }
0x30: {  	s5 =	sor.u32 @!p0 s5, s7;
	[sflag:s6] =	ssyncadd.s32 @!p0 $0xFFFFFFFF  }
0x31: {  	s26 =	simm.s32 $0x1B8E;
	s25 =	sld [smem:$0x3FFE];
	[sflag:s5] =	ssyncadd.remote.s32 @!p0 $0x1  }
0x32: {  	s27 =	simm.s32 $execute0_lowered;
	[smem:$0x3FD2] =	sst s26  }
0x33: {  	s6 =	sshll.u32 s27, $0x1;
	_ =	strace $0x8000006B;
	[dreg:$0x1] =	wrdreg $0xFFFFFFFF  }
0x34: {  	s28 =	simm.s32 $_size_execute0_lowered;
	s4 =	sadd.s32 s4, s6;
	[dreg:$0x0] =	wrdreg $0x0  }
0x35: {  	s6 =	sshll.u32 s28, $0x1;
	[dreg:$0x2] =	wrdreg s4  }
0x36: {  	[dreg:$0x3] =	wrdreg s6  }
0x37: {  	[dreg:$0x4] =	wrdreg $0xC0  }
0x38: {  	_ =	task [dreg:s23], $0x5FFFF  }
0x39: {  	[dreg:$0x1] =	wrdreg $0xFFFFFFFF  }
0x3a: {  	[dreg:$0x0] =	wrdreg $0x60  }
0x3b: {  	[dreg:$0x2] =	wrdreg s25  }
0x3c: {  	[dreg:$0x3] =	wrdreg s18  }
0x3d: {  	[dreg:$0x4] =	wrdreg $0xA  }
0x3e: {  	_ =	task.clear_ibuf [dreg:s23], $0x5FFFF;
	_ =	strace $0x9000006B  }
0x3f: {  	s29 =	simm.s32 $0xA;
	_ =	strace $0x8000006D  }
0x40: {  	_ =	swait.ge [sflag:s29], $0x1  }
0x41: {  	[sflag:s29] =	ssyncadd.s32 $0xFFFFFFFF  }
0x42: {  	_ =	strace $0x9000006D  }
0x43: {  	_ =	sfence  }
0x44: {  	s30 =	sld [smem:$0x0];
	_ =	sdelay $0x2  }
0x45: {  	s31 =	sshll.u32 s1, $0xD;
	s1 =	sshrl.u32 s1, $0x2  }
0x46: {  	s4 =	sand.u32 $0x4000, s31;
	s1 =	sadd.s32 s1, s30  }
0x47: {  	s0 =	sor.u32 s4, s0;
	s1 =	sshll.u32 s1, $0x11  }
0x48: {  	s0 =	sor.u32 s1, s0  }
0x49: {  	s0 =	sadd.s32 $0x8F2B, s0  }
0x4a: {  	[sflag:s0] =	ssyncadd.remote.s32 $0x1  }
0x4b: {  	_ =	sfence.sel $0xFFFF  }
0x4c: {  	[dreg:$0x0] =	wrdreg $0xFFFFFFFF;
	(pc) =	sbr.abs _section_cstart, $3  }
0x4d: {  	[dreg:$0x1] =	wrdreg $0xFFFFFFFF  }
0x4e: {  	_ =	task.clear_ibuf [dreg:s23], $0x2FFFF;
	_ =	strace $0x9FFFFFFF  }
0x4f: {  	(tm) =	ssettm $0x7FFFFFFF  }
tec
execute0_lowered:
.L_overlay_start_1:
0x0: {  	(tag) =	ssettag $0x1  }
0x1: {  	s0 =	srdreg.scid  }
0x2: {  	s1 =	sshll.u32 s0, $0x4  }
0x3: {  	s0 =	stileid.u32;
	s1 =	sand.u32 $0x10, s1  }
0x4: {  	s1 =	sor.u32 s0, s1  }
0x5: {  	s6 =	rddreg [dreg:$0x0];
	s4 =	simm.s32 $0x1;
	s2 =	sshll.u32 s1, $0x7  }
0x6: {  	s7 =	simm.s32 $0x2;
	s12 =	simm.s32 $0x0;
	s1 =	ssub.s32 $0x1000, s2  }
0x7: {  	s8 =	simm.s32 $0x8000;
	s13 =	simm.s32 $0x0;
	s3 =	sand.u32 $0xF80, s1  }
0x8: {  	s9 =	simm.s32 $0x0;
	s5 =	sshrl.u32 s1, $0xC;
	p0 =	sne.s32 s3, $0x0  }
.Ltmp0:
0x9: {  	s1 =	rddreg [dreg:$0x2];
	s4 =	simm.s32 @!p0 $0x0;
	(pc) =	sbr.rel .LBB1_1-.Ltmp0, $4  }
0xa: {  	s11 =	simm.s32 $0x0;
	s3 =	rddreg [dreg:$0x1];
	s5 =	sadd.s32 s4, s5  }
0xb: {  	_ =	strace $0x8000006C;
	s4 =	simm.s32 $0x1;
	s5 =	smul.u32 $0xC8, s5  }
0xc: {  	s6 =	sadd.s32 $0x1728200, s6;
	s10 =	smov.u32 s2;
	[sflag:s4] =	ssyncpa.u1 $0x0  }
0xd: {  	p0 =	por $0x0, $0x0;
	[sflag:s7] =	ssyncpa.u1 $0x0;
	s7 =	sor.u32 $0x1, s5  }
.LBB1_4:
0xe: {  	s16 =	sshll.u32 s13, $0x3;
	s17 =	sand.u32 $0x78, s13  }
0xf: {  	s30 =	sand.u32 $0x7E00, s13;
	s12 =	sshll.u32 s12, $0xF;
	s16 =	sand.u32 $0xC00, s16  }
0x10: {  	[tilespmem:s15+$0x810 ss:$0x81] =	vst.msk $0xffff, v2;
	s31 =	sand.u32 $0x7, s13;
	s16 =	sor.u32 s17, s16;
	s17 =	sadd.s32 s3, s30  }
0x11: {  	[tilespmem:s15+$0x1020 ss:$0x81] =	vst.msk $0xffff, v0;
	s13 =	sshll.u32 s31, $0x12;
	s12 =	sadd.s32 s12, s17;
	s16 =	sshrl.u32 s16, $0x3  }
0x12: {  	[tilespmem:s15+$0x0 ss:$0x81] =	vst.msk $0xffff, v1;
	s13 =	sor.u32 $0x400, s13;
	s12 =	sadd.s32 s16, s12  }
0x13: {  	[hbm4b:s12+s13] =	stream.strided.scatter [tilespmem:s14], [sflag:$0x2], $0x2000, s8, s13, $0x20;
	[tilespmem:$0x8080] =	vst v63  }
.LBB1_5:
0x14: {  	s14 =	sadd.s32 $0x1, s9  }
0x15: {  	s12 =	sadd.s32 $0x1000, s10;
	s16 =	smov.u32 s10;
	p2 =	sgt.s32 s14, $0xC7  }
0x16: {  	s16 =	smov.u32 @p2 s12  }
0x17: {  	s14 =	simm.s32 @p2 $0x0;
	p2 =	sgt.s32 s16, $0xFFF  }
0x18: {  	s16 =	smov.u32 @p2 s2;
	p2 =	sne.s32 s11, s7  }
.Ltmp1:
0x19: {  	p1 =	slt.u32 s11, $0x2;
	(pc) =	sbr.rel @!p2 .LBB1_6-.Ltmp1, $4  }
0x1a: {  	s15 =	simm.s32 @!p1 $0x2  }
0x1b: {  	s13 =	smov.u32 s10;
	p0 =	por !p0, !p0;
	_ =	swait.ge @!p1 [sflag:s15], $0x2000  }
0x1c: {  	s12 =	smov.u32 s9;
	[sflag:s15] =	ssyncset.done @!p1 $0x0;
	s9 =	smov.u32 s14  }
0x1d: {  	s11 =	sadd.s32 $0x1, s11;
	[sflag:s15] =	ssyncadd.s32 @!p1 $0xFFFFE000;
	s10 =	smov.u32 s16  }
.LBB1_1:
0x1e: {  	p1 =	sge.u32 s11, s5  }
0x1f: {  	s14 =	sand.u32 @!p1 $0x1FFFFFF, s9  }
0x20: {  	s15 =	smulhi.u32 @!p1 $0x147AE15, s14;
	_ =	sdelay $0x1  }
0x21: {  	s15 =	smul.u32 @!p1 $0xC8, s15  }
0x22: {  	s16 =	sxor.u32 @!p1 $0xFFFFFFFF, s11;
	s17 =	smul.u32 @!p1 $0xC80, s10  }
0x23: {  	s31 =	sadd.s32 $0xFFFFFFFF, s11;
	s16 =	sshll.u32 @!p1 s16, $0xD;
	s14 =	ssub.s32 @!p1 s14, s15  }
0x24: {  	s15 =	sand.u32 @!p1 $0x2000, s16;
	s16 =	sadd.s32 @!p1 s6, s17;
	s14 =	sshll.u32 @!p1 s14, $0x4  }
0x25: {  	s17 =	simm.s32 @!p1 $0x6400;
	s14 =	sadd.s32 @!p1 s14, s16;
	s16 =	simm.s32 @!p1 $0x40  }
0x26: {  	[tilespmem:s15], [sflag:$0x1] =	stream.strided.gather @!p1 [hbm4b:s14+s16], $0x2000, s17, s16, $0x38;
	[tilespmem:$0x8080] =	vst v63  }
0x27: {  	p1 =	sge.u32 s31, s5  }
.Ltmp2:
0x28: {  	_ = 	snop;
	(pc) =	sbr.rel @p1 .LBB1_5-.Ltmp2, $1  }
0x29: {  	_ =	sdelay $0x3  }
0x2a: {  	s14 =	simm.s32 $0x1  }
0x2b: {  	_ =	swait.ge [sflag:s4], $0x2000;
	s14 =	simm.s32 @!p0 $0x0  }
0x2c: {  	[sflag:s4] =	ssyncset.done $0x0;
	s15 =	sshll.u32 s14, $0xD  }
0x2d: {  	[sflag:s4] =	ssyncadd.s32 $0xFFFFE000;
	s18 =	sor.u32 $0x20, s15  }
0x2e: {  	s14 =	smul.u32 $0x8100, s14;
	v3 =	vld [tilespmem:s18+$0x10]  }
0x2f: {  	s30 =	sand.u32 $0x1, s11;
	v2 =	vld [tilespmem:s18+$0xFFFFFFF0]  }
0x30: {  	s15 =	smul.u32 $0x8100, s30;
	s14 =	sshrl.u32 s14, $0x2;
	v0 =	vld [tilespmem:s18+$0x0]  }
0x31: {  	v1 =	vld [tilespmem:s18+$0xFFFFFFE0];
	s16 =	sor.u32 $0x4000, s14  }
0x32: {  	s31 =	sshrl.u32 s15, $0x2;
	s15 =	sadd.s32 $0x0, s16  }
0x33: {  	s17 =	simm.s32 $0x4;
	s18 =	sadd.s32 $0x40, s18;
	s14 =	sor.u32 $0x4000, s31;
	[tilespmem:s15+$0x1830 ss:$0x81] =	vst.msk $0xffff, v3  }
.LBB1_3:
0x34: {  	v3 =	vld [tilespmem:s18+$0x10];
	p1 =	sne.s32 s17, $0x1FC;
	[tilespmem:s15+$0x810 ss:$0x81] =	vst.msk $0xffff, v2;
	s19 =	smov.u32 s17;
	s17 =	sadd.s32 $0x4, s17  }
.Ltmp3:
0x35: {  	v2 =	vld [tilespmem:s18+$0xFFFFFFF0];
	[tilespmem:s15+$0x1020 ss:$0x81] =	vst.msk $0xffff, v0;
	(pc) =	sbr.rel @p1 .LBB1_3-.Ltmp3, $4  }
0x36: {  	v0 =	vld [tilespmem:s18+$0x0];
	[tilespmem:s15+$0x0 ss:$0x81] =	vst.msk $0xffff, v1  }
0x37: {  	s15 =	sshra.s32 s19, $0x2;
	v1 =	vld [tilespmem:s18+$0xFFFFFFE0]  }
0x38: {  	s15 =	sadd.s32 s15, s16  }
0x39: {  	s18 =	sadd.s32 $0x40, s18;
	[tilespmem:s15+$0x1830 ss:$0x81] =	vst.msk $0xffff, v3  }
.Ltmp4:
0x3a: {  	_ = 	snop;
	(pc) =	sbr.rel .LBB1_4-.Ltmp4, $1  }
0x3b: {  	_ =	sdelay $0x3  }
.LBB1_6:
0x3c: {  	_ =	sfence.sel $0x180000  }
0x3d: {  	s2 =	simm.s32 $0x1;
	[bflag:$0x0] =	sbarrier.arrive $0xFFFF  }
0x3e: {  	s31 =	simm.s32 $0x2;
	[sflag:s2] =	ssyncpa.u1 $0x1  }
0x3f: {  	[sflag:s31] =	ssyncpa.u1 $0x1  }
0x40: {  	p0 =	sne.s32 s0, $0x0;
	_ =	strace $0x9000006C  }
0x41: {  	s0 =	sadd.s32 @!p0 $0x100000, s1;
	[bflag:$0x2] =	sbarrier.arrive $0xFFFF  }
0x42: {  	[sflag:s0] =	ssyncadd.tile.s32 @!p0 $0x1;
	_ =	shalt  }
.Lfunc_end1:
_tile_overlayer_lowered:
.L_overlay_start_2:
0x43: {  	(tag) =	ssettag $0x2  }
0x44: {  	s0 =	rddreg [dreg:$0x0];
	s2 =	stileid.u32  }
0x45: {  	s1 =	rddreg [dreg:$0x1];
	p0 =	sne.s32 s2, $0x0  }
0x46: {  	s3 =	rddreg [dreg:$0x2];
	[bflag:$0x3] =	sbarrier.arrive $0xFFFF;
	s2 =	simm.s32 @!p0 $0x1C01  }
0x47: {  	[timem:s3], [sflag:s2] =	dma.local @!p0 [hbm:s0], s1  }
0x48: {  	s0 =	simm.s32 @!p0 $0x1  }
0x49: {  	_ =	swait.ge @!p0 [sflag:s0], s1  }
0x4a: {  	s1 =	ssub.s32 @!p0 $0x0, s1;
	[sflag:s0] =	ssyncset.done @!p0 $0x0  }
0x4b: {  	[sflag:s0] =	ssyncadd.s32 @!p0 s1  }
0x4c: {  	[bflag:$0x3] =	sbarrier.arrive $0xFFFF  }
0x4d: {  	_ =	shalt  }

</sc_bundles>
